<compile_context>
chip_gen: v7x
topology: tpu7x:2x2x1
jax: 0.10.2.dev20260603
libtpu: 0.0.44.dev20260713+nightly
codegen_flags: <defaults>
</compile_context>

<pallas_src>
import functools

import jax
import jax.numpy as jnp
from jax import lax
from jax.experimental import pallas as pl
from jax.experimental.pallas import tpu as pltpu
from jax.experimental.pallas import tpu_sc as plsc

MAX_EDGES = 1600000
MAX_DELAY = 20
MIN_DELAY = 1
TRACE_DECAY = 0.95

_NC = 2
_NS = 16
_NW = _NC * _NS
_C = 1280
_NCHUNK = MAX_EDGES // _C
_NSTRIP = _C // 16
_UNROLL = 4
_MAXPAIR = (_NCHUNK // _NW + 2) // 2
_GROUPS = ((0, 8), (1, 8), (2, 4))
_MAGIC = 12582912.0


def _sc_body(dc_hbm, sb_hbm, pre_hbm, post_hbm, pspk_hbm, ptr_hbm,
             o1_hbm, o2_hbm,
             dc_v0, dc_v1, pre_v0, pre_v1, post_v0, post_v1,
             pspk_v0, pspk_v1, o1_v0, o1_v1, o2_v0, o2_v1,
             r_v0, r_v1, rows_v0, rows_v1, ptr_v,
             s_dc0, s_dc1, s_in0, s_in1, s_rw0, s_rw1, s_out):
    dc_b = (dc_v0, dc_v1)
    pre_b, post_b, pspk_b = ((pre_v0, pre_v1), (post_v0, post_v1),
                             (pspk_v0, pspk_v1))
    o1_b, o2_b = (o1_v0, o1_v1), (o2_v0, o2_v1)
    r_b, rows_b = (r_v0, r_v1), (rows_v0, rows_v1)
    s_dc_b, s_in_b, s_rw_b = (s_dc0, s_dc1), (s_in0, s_in1), (s_rw0, s_rw1)

    wid = lax.axis_index("s") * _NC + lax.axis_index("c")
    nchunks = _NCHUNK // _NW + jnp.where(wid < _NCHUNK % _NW, 1, 0)
    pltpu.sync_copy(ptr_hbm, ptr_v)
    lanes = lax.iota(jnp.int32, 16)

    def issue_inputs(t, p):
        off = (wid + t * _NW) * _C
        pltpu.async_copy(dc_hbm.at[pl.ds(off, _C)], dc_b[p], s_dc_b[p])
        pltpu.async_copy(pre_hbm.at[pl.ds(off, _C)], pre_b[p], s_in_b[p])
        pltpu.async_copy(post_hbm.at[pl.ds(off, _C)], post_b[p], s_in_b[p])
        pltpu.async_copy(pspk_hbm.at[pl.ds(off, _C)], pspk_b[p], s_in_b[p])

    def wait_dc(t, p):
        off = (wid + t * _NW) * _C
        pltpu.make_async_copy(dc_hbm.at[pl.ds(off, _C)], dc_b[p],
                              s_dc_b[p]).wait()

    def run_pass1(t, p):
        ptr = ptr_v[...]
        dcp, rvp = dc_b[p], r_b[p]

        def pass1(i, carry):
            rmin, rmax = carry
            for u in range(_UNROLL):
                b = i * (16 * _UNROLL) + u * 16
                dc = dcp[pl.ds(b, 16)]
                df = (dc + _MAGIC) - _MAGIC
                df = jnp.minimum(jnp.maximum(df, 1.0), float(MAX_DELAY - 1))
                t_ = ptr - df.astype(jnp.int32)
                r = jnp.where(t_ < 0, t_ + MAX_DELAY, t_)
                rvp[pl.ds(b, 16)] = r
                rmin = jnp.minimum(rmin, r)
                rmax = jnp.maximum(rmax, r)
            return (rmin, rmax)

        init = (jnp.full((16,), MAX_DELAY - 1, jnp.int32),
                jnp.full((16,), 0, jnp.int32))
        rmin, rmax = lax.fori_loop(0, _NSTRIP // _UNROLL, pass1, init)
        return jnp.min(rmin) // 8, jnp.max(rmax) // 8

    def issue_rows(t, p, g0, g1):
        off = (wid + t * _NW) * _C
        for g, rows in _GROUPS:
            @pl.when((g0 <= g) & (g <= g1))
            def _():
                pltpu.async_copy(
                    sb_hbm.at[pl.ds(8 * g, rows), pl.ds(off, _C)],
                    rows_b[p].at[pl.ds(8 * g, rows), :], s_rw_b[p])

    def wait_rows(t, p, g0, g1):
        off = (wid + t * _NW) * _C
        for g, rows in _GROUPS:
            @pl.when((g0 <= g) & (g <= g1))
            def _():
                pltpu.make_async_copy(
                    sb_hbm.at[pl.ds(8 * g, rows), pl.ds(off, _C)],
                    rows_b[p].at[pl.ds(8 * g, rows), :], s_rw_b[p]).wait()

    def run_pass2(t, p):
        off = (wid + t * _NW) * _C
        for _i in range(3):
            pltpu.make_async_copy(
                pspk_hbm.at[pl.ds(off, _C)], pspk_b[p], s_in_b[p]).wait()
        rvp, rowsp = r_b[p], rows_b[p]
        prep, postp, pspkp, o1p, o2p = (pre_b[p], post_b[p],
                                        pspk_b[p], o1_b[p], o2_b[p])

        def pass2(i, _):
            for u in range(_UNROLL):
                b = i * (16 * _UNROLL) + u * 16
                s = pl.ds(b, 16)
                r = rvp[s]
                col = b + lanes
                delayed = plsc.load_gather(rowsp, [r, col])
                pspk = pspkp[s]
                new_pre = prep[s] * TRACE_DECAY + delayed
                new_post = postp[s] * TRACE_DECAY + pspk
                o1p[s] = delayed
                o2p[s] = delayed * new_post - pspk * new_pre
            return 0

        lax.fori_loop(0, _NSTRIP // _UNROLL, pass2, 0)
        pltpu.async_copy(o1p, o1_hbm.at[pl.ds(off, _C)], s_out)
        pltpu.async_copy(o2p, o2_hbm.at[pl.ds(off, _C)], s_out)

    issue_inputs(0, 0)
    wait_dc(0, 0)
    g0a, g1a = run_pass1(0, 0)
    issue_rows(0, 0, g0a, g1a)
    issue_inputs(1, 1)

    init_carry = (g0a, g1a, jnp.int32(0), jnp.int32(2))

    def body(t, p, q, carry):
        g00, g10, g01, g11 = carry
        gcur = (g00, g10) if p == 0 else (g01, g11)

        def ahead():
            wait_dc(t + 1, q)
            gn0, gn1 = run_pass1(t + 1, q)
            issue_rows(t + 1, q, gn0, gn1)
            return gn0, gn1

        gnext = lax.cond(t + 1 < nchunks, ahead,
                         lambda: (jnp.int32(0), jnp.int32(2)))

        @pl.when(t > 0)
        def _():
            off = (wid + t * _NW) * _C
            pltpu.make_async_copy(o1_b[q], o1_hbm.at[pl.ds(off, _C)],
                                  s_out).wait()
            pltpu.make_async_copy(o2_b[q], o2_hbm.at[pl.ds(off, _C)],
                                  s_out).wait()

        wait_rows(t, p, gcur[0], gcur[1])
        run_pass2(t, p)

        @pl.when(t + 2 < nchunks)
        def _():
            issue_inputs(t + 2, p)

        if p == 0:
            return (g00, g10, gnext[0], gnext[1])
        return (gnext[0], gnext[1], g01, g11)

    def pair(t2, carry):
        t0 = t2 * 2

        def do0():
            return body(t0, 0, 1, carry)

        carry1 = lax.cond(t0 < nchunks, do0, lambda: carry)

        def do1():
            return body(t0 + 1, 1, 0, carry1)

        return lax.cond(t0 + 1 < nchunks, do1, lambda: carry1)

    lax.fori_loop(0, _MAXPAIR, pair, init_carry)
    pltpu.make_async_copy(o1_v0, o1_hbm.at[pl.ds(0, _C)], s_out).wait()
    pltpu.make_async_copy(o2_v0, o2_hbm.at[pl.ds(0, _C)], s_out).wait()


@jax.jit
def _run_sc(dc, sb, pre, post, pspk, ptr_splat):
    f32 = jnp.float32
    return pl.kernel(
        _sc_body,
        out_type=[
            jax.ShapeDtypeStruct((MAX_EDGES,), f32),
            jax.ShapeDtypeStruct((MAX_EDGES,), f32),
        ],
        mesh=plsc.VectorSubcoreMesh(core_axis_name="c", subcore_axis_name="s"),
        compiler_params=pltpu.CompilerParams(needs_layout_passes=False),
        scratch_types=[
            pltpu.VMEM((_C,), f32),
            pltpu.VMEM((_C,), f32),
            pltpu.VMEM((_C,), f32),
            pltpu.VMEM((_C,), f32),
            pltpu.VMEM((_C,), f32),
            pltpu.VMEM((_C,), f32),
            pltpu.VMEM((_C,), f32),
            pltpu.VMEM((_C,), f32),
            pltpu.VMEM((_C,), f32),
            pltpu.VMEM((_C,), f32),
            pltpu.VMEM((_C,), f32),
            pltpu.VMEM((_C,), f32),
            pltpu.VMEM((_C,), jnp.int32),
            pltpu.VMEM((_C,), jnp.int32),
            pltpu.VMEM((MAX_DELAY, _C), f32),
            pltpu.VMEM((MAX_DELAY, _C), f32),
            pltpu.VMEM((16,), jnp.int32),
            pltpu.SemaphoreType.DMA,
            pltpu.SemaphoreType.DMA,
            pltpu.SemaphoreType.DMA,
            pltpu.SemaphoreType.DMA,
            pltpu.SemaphoreType.DMA,
            pltpu.SemaphoreType.DMA,
            pltpu.SemaphoreType.DMA,
        ],
    )(dc, sb, pre, post, pspk, ptr_splat)


def kernel(pre_spk, post_spk, delay_continuous, spike_buffer,
           pre_trace_delayed, post_trace, buffer_ptr):
    del pre_spk
    ptr_splat = jnp.full((16,), buffer_ptr % MAX_DELAY, jnp.int32)
    delayed, stdp = _run_sc(delay_continuous, spike_buffer,
                            pre_trace_delayed, post_trace, post_spk,
                            ptr_splat)
    return (delayed, stdp)

# --- scband reference (transcript-rebuilt; emitter-appended) ---
"""Pipeline reference for scband-axonal-delay-module-68161130987776 (READ-ONLY COPY).

The authoritative reference and input builder live on the scoring server;
editing this copy changes nothing except your own understanding.
"""

import jax, jax.numpy as jnp
import numpy as np

MAX_EDGES = 1600000
MAX_DELAY = 20
MIN_DELAY = 1
TRACE_DECAY = 0.95


def setup_inputs(seed: int = 0) -> dict:
    key = jax.random.key(seed)
    k1, k2 = jax.random.split(key, 2)
    pre_spk = jax.random.uniform(k1, (MAX_EDGES,), dtype=jnp.float32)
    post_spk = jax.random.uniform(k2, (MAX_EDGES,), dtype=jnp.float32)
    # module state / parameters, initialized exactly as in the torch __init__
    delay_continuous = jnp.ones((MAX_EDGES,), jnp.float32) * ((MAX_DELAY + MIN_DELAY) / 2.0)
    spike_buffer = jnp.zeros((MAX_DELAY, MAX_EDGES), jnp.float32)
    pre_trace_delayed = jnp.zeros((MAX_EDGES,), jnp.float32)
    post_trace = jnp.zeros((MAX_EDGES,), jnp.float32)
    buffer_ptr = jnp.array(0, jnp.int32)
    return {
        "pre_spk": pre_spk,
        "post_spk": post_spk,
        "delay_continuous": delay_continuous,
        "spike_buffer": spike_buffer,
        "pre_trace_delayed": pre_trace_delayed,
        "post_trace": post_trace,
        "buffer_ptr": buffer_ptr,
    }


def reference(pre_spk, post_spk, delay_continuous, spike_buffer, pre_trace_delayed, post_trace, buffer_ptr):
    # step_fast: write current pre-spikes at the write pointer (scatter-overwrite)
    ptr = buffer_ptr % MAX_DELAY
    sb = spike_buffer.at[ptr].set(pre_spk)
    # discretize per-edge delays (jnp.round rounds half-to-even, matching torch.round)
    delay_discrete = jnp.clip(jnp.round(delay_continuous).astype(jnp.int32), MIN_DELAY, MAX_DELAY - 1)
    # per-edge gather from the ring buffer
    read_idx = (buffer_ptr - delay_discrete) % MAX_DELAY
    delayed_spk = sb[read_idx, jnp.arange(MAX_EDGES)]
    # trace updates
    new_pre_trace = pre_trace_delayed * TRACE_DECAY + delayed_spk
    new_post_trace = post_trace * TRACE_DECAY + post_spk
    stdp_delta = delayed_spk * new_post_trace - post_spk * new_pre_trace
    return (delayed_spk, stdp_delta)

if __name__ == "__main__":
    import jax
    _d = setup_inputs()
    print(jax.jit(kernel)(*tuple(_d.values())))

</pallas_src>

<mosaic_0001>
#map = affine_map<(d0, d1) -> (0)>
#map1 = affine_map<(d0, d1) -> (0, 0)>
module attributes {stable_mosaic.version = 14 : i64} {
  func.func @_sc_body(%arg0: i32, %arg1: i32, %arg2: memref<1600000xf32, #tpu.memory_space<hbm>>, %arg3: memref<20x1600000xf32, #tpu.memory_space<hbm>>, %arg4: memref<1600000xf32, #tpu.memory_space<hbm>>, %arg5: memref<1600000xf32, #tpu.memory_space<hbm>>, %arg6: memref<1600000xf32, #tpu.memory_space<hbm>>, %arg7: memref<16xi32, #tpu.memory_space<hbm>>, %arg8: memref<1600000xf32, #tpu.memory_space<hbm>>, %arg9: memref<1600000xf32, #tpu.memory_space<hbm>>, %arg10: memref<1280xf32, #tpu.memory_space<vmem>>, %arg11: memref<1280xf32, #tpu.memory_space<vmem>>, %arg12: memref<1280xf32, #tpu.memory_space<vmem>>, %arg13: memref<1280xf32, #tpu.memory_space<vmem>>, %arg14: memref<1280xf32, #tpu.memory_space<vmem>>, %arg15: memref<1280xf32, #tpu.memory_space<vmem>>, %arg16: memref<1280xf32, #tpu.memory_space<vmem>>, %arg17: memref<1280xf32, #tpu.memory_space<vmem>>, %arg18: memref<1280xf32, #tpu.memory_space<vmem>>, %arg19: memref<1280xf32, #tpu.memory_space<vmem>>, %arg20: memref<1280xf32, #tpu.memory_space<vmem>>, %arg21: memref<1280xf32, #tpu.memory_space<vmem>>, %arg22: memref<1280xi32, #tpu.memory_space<vmem>>, %arg23: memref<1280xi32, #tpu.memory_space<vmem>>, %arg24: memref<20x1280xf32, #tpu.memory_space<vmem>>, %arg25: memref<20x1280xf32, #tpu.memory_space<vmem>>, %arg26: memref<16xi32, #tpu.memory_space<vmem>>, %arg27: memref<!tpu.dma_semaphore, #tpu.memory_space<semaphore_mem>>, %arg28: memref<!tpu.dma_semaphore, #tpu.memory_space<semaphore_mem>>, %arg29: memref<!tpu.dma_semaphore, #tpu.memory_space<semaphore_mem>>, %arg30: memref<!tpu.dma_semaphore, #tpu.memory_space<semaphore_mem>>, %arg31: memref<!tpu.dma_semaphore, #tpu.memory_space<semaphore_mem>>, %arg32: memref<!tpu.dma_semaphore, #tpu.memory_space<semaphore_mem>>, %arg33: memref<!tpu.dma_semaphore, #tpu.memory_space<semaphore_mem>>) attributes {dimension_semantics = [#tpu.dimension_semantics<core_parallel>, #tpu.dimension_semantics<subcore_parallel>], iteration_bounds = array<i64: 2, 16>, scalar_prefetch = 0 : i64, scratch_operands = 24 : i64, tpu.core_type = #tpu.core_type<sc_vector_subcore>, window_params = [{transform_indices = #map}, {transform_indices = #map1}, {transform_indices = #map}, {transform_indices = #map}, {transform_indices = #map}, {transform_indices = #map}, {transform_indices = #map}, {transform_indices = #map}]} {
    %mul3A = arith.constant 2 : i32
    %mul3A_0 = arith.muli %arg1, %mul3A : i32
    %add3A = arith.addi %mul3A_0, %arg0 : i32
    %lt3A = arith.constant 2 : i32
    %lt3A_1 = arith.cmpi slt, %add3A, %lt3A : i32
    %jit3A = arith.constant 1 : i32
    %jit3A_2 = arith.constant 0 : i32
    %select_n3A = arith.select %lt3A_1, %jit3A, %jit3A_2 : i32
    %add3A_3 = arith.constant 39 : i32
    %add3A_4 = arith.addi %add3A_3, %select_n3A : i32
    "tpu.region"() ({
      %run_scoped3A = tpu.sem_alloc : memref<!tpu.dma_semaphore, #tpu.memory_space<semaphore_mem>>
      tpu.enqueue_dma source(%arg7 : memref<16xi32, #tpu.memory_space<hbm>>) target(%arg26 : memref<16xi32, #tpu.memory_space<vmem>>) target_semaphore(%run_scoped3A : memref<!tpu.dma_semaphore, #tpu.memory_space<semaphore_mem>>)
      tpu.wait_dma2 semaphore(%run_scoped3A : memref<!tpu.dma_semaphore, #tpu.memory_space<semaphore_mem>>) src(%arg7 : memref<16xi32, #tpu.memory_space<hbm>>) dst(%arg26 : memref<16xi32, #tpu.memory_space<vmem>>)
      tpu.yield
    }) : () -> ()
    %iota3A = tpu.iota {dimensions = array<i32: 0>} : vector<16xi32>
    %add3A_5 = arith.constant 0 : i32
    %add3A_6 = arith.addi %add3A, %add3A_5 : i32
    %mul3A_7 = arith.constant 1280 : i32
    %mul3A_8 = arith.muli %add3A_6, %mul3A_7 : i32
    %dma_start3A = tpu.memref_slice %arg2[%mul3A_8] : memref<1600000xf32, #tpu.memory_space<hbm>> -> memref<1280xf32, #tpu.memory_space<hbm>>
    %dma_start3A_9 = tpu.memref_slice %arg2[%mul3A_8] : memref<1600000xf32, #tpu.memory_space<hbm>> -> memref<1280xf32, #tpu.memory_space<hbm>>
    tpu.enqueue_dma source(%dma_start3A_9 : memref<1280xf32, #tpu.memory_space<hbm>>) target(%arg10 : memref<1280xf32, #tpu.memory_space<vmem>>) target_semaphore(%arg27 : memref<!tpu.dma_semaphore, #tpu.memory_space<semaphore_mem>>)
    %dma_start3A_10 = tpu.memref_slice %arg4[%mul3A_8] : memref<1600000xf32, #tpu.memory_space<hbm>> -> memref<1280xf32, #tpu.memory_space<hbm>>
    %dma_start3A_11 = tpu.memref_slice %arg4[%mul3A_8] : memref<1600000xf32, #tpu.memory_space<hbm>> -> memref<1280xf32, #tpu.memory_space<hbm>>
    tpu.enqueue_dma source(%dma_start3A_11 : memref<1280xf32, #tpu.memory_space<hbm>>) target(%arg12 : memref<1280xf32, #tpu.memory_space<vmem>>) target_semaphore(%arg29 : memref<!tpu.dma_semaphore, #tpu.memory_space<semaphore_mem>>)
    %dma_start3A_12 = tpu.memref_slice %arg5[%mul3A_8] : memref<1600000xf32, #tpu.memory_space<hbm>> -> memref<1280xf32, #tpu.memory_space<hbm>>
    %dma_start3A_13 = tpu.memref_slice %arg5[%mul3A_8] : memref<1600000xf32, #tpu.memory_space<hbm>> -> memref<1280xf32, #tpu.memory_space<hbm>>
    tpu.enqueue_dma source(%dma_start3A_13 : memref<1280xf32, #tpu.memory_space<hbm>>) target(%arg14 : memref<1280xf32, #tpu.memory_space<vmem>>) target_semaphore(%arg29 : memref<!tpu.dma_semaphore, #tpu.memory_space<semaphore_mem>>)
    %dma_start3A_14 = tpu.memref_slice %arg6[%mul3A_8] : memref<1600000xf32, #tpu.memory_space<hbm>> -> memref<1280xf32, #tpu.memory_space<hbm>>
    %dma_start3A_15 = tpu.memref_slice %arg6[%mul3A_8] : memref<1600000xf32, #tpu.memory_space<hbm>> -> memref<1280xf32, #tpu.memory_space<hbm>>
    tpu.enqueue_dma source(%dma_start3A_15 : memref<1280xf32, #tpu.memory_space<hbm>>) target(%arg16 : memref<1280xf32, #tpu.memory_space<vmem>>) target_semaphore(%arg29 : memref<!tpu.dma_semaphore, #tpu.memory_space<semaphore_mem>>)
    %add3A_16 = arith.constant 0 : i32
    %add3A_17 = arith.addi %add3A, %add3A_16 : i32
    %mul3A_18 = arith.constant 1280 : i32
    %mul3A_19 = arith.muli %add3A_17, %mul3A_18 : i32
    %dma_wait3A = tpu.memref_slice %arg2[%mul3A_19] : memref<1600000xf32, #tpu.memory_space<hbm>> -> memref<1280xf32, #tpu.memory_space<hbm>>
    %dma_wait3A_20 = tpu.memref_slice %arg2[%mul3A_19] : memref<1600000xf32, #tpu.memory_space<hbm>> -> memref<1280xf32, #tpu.memory_space<hbm>>
    tpu.wait_dma2 semaphore(%arg27 : memref<!tpu.dma_semaphore, #tpu.memory_space<semaphore_mem>>) src(%dma_wait3A_20 : memref<1280xf32, #tpu.memory_space<hbm>>) dst(%arg10 : memref<1280xf32, #tpu.memory_space<vmem>>)
    %get3A = arith.constant 0 : index
    %get3A_21 = tpu.vector_load %arg26[%get3A] {strides = array<i32>} : memref<16xi32, #tpu.memory_space<vmem>>, vector<16xi32>,
    %broadcast_in_dim3A = arith.constant 19 : i32
    %broadcast_in_dim3A_22 = vector.broadcast %broadcast_in_dim3A : i32 to vector<16xi32>
    %broadcast_in_dim3A_23 = arith.constant 0 : i32
    %broadcast_in_dim3A_24 = vector.broadcast %broadcast_in_dim3A_23 : i32 to vector<16xi32>
    %scan3A = arith.constant 0 : i32
    %scan3A_25 = arith.constant 20 : i32
    %scan3A_26 = arith.addi %scan3A, %scan3A_25 : i32
    %scan3A_27 = arith.constant 1 : i32
    %scan3A_28:2 = scf.for %scan3A_138 = %scan3A to %scan3A_26 step %scan3A_27 iter_args(%scan3A_139 = %broadcast_in_dim3A_22, %scan3A_140 = %broadcast_in_dim3A_24) -> (vector<16xi32>, vector<16xi32>)  : i32 {
      %mul3A_141 = arith.constant 64 : i32
      %mul3A_142 = arith.muli %scan3A_138, %mul3A_141 : i32
      %add3A_143 = arith.constant 0 : i32
      %add3A_144 = arith.addi %mul3A_142, %add3A_143 : i32
      %get3A_145 = arith.index_cast %add3A_144 : i32 to index
      %get3A_146 = tpu.vector_load %arg10[%get3A_145] {strides = array<i32>} : memref<1280xf32, #tpu.memory_space<vmem>>, vector<16xf32>,
      %add3A_147 = arith.constant 0x4B400000 : f32
      %add3A_148 = vector.broadcast %add3A_147 : f32 to vector<16xf32>
      %add3A_149 = arith.addf %get3A_146, %add3A_148 : vector<16xf32>
      %sub3A_150 = arith.constant 0x4B400000 : f32
      %sub3A_151 = vector.broadcast %sub3A_150 : f32 to vector<16xf32>
      %sub3A_152 = arith.subf %add3A_149, %sub3A_151 : vector<16xf32>
      %max3A = arith.constant 1.000000e+00 : f32
      %max3A_153 = vector.broadcast %max3A : f32 to vector<16xf32>
      %max3A_154 = arith.maximumf %sub3A_152, %max3A_153 : vector<16xf32>
      %min3A = arith.constant 1.900000e+01 : f32
      %min3A_155 = vector.broadcast %min3A : f32 to vector<16xf32>
      %min3A_156 = arith.minimumf %max3A_154, %min3A_155 : vector<16xf32>
      %convert_element_type3A_157 = arith.fptosi %min3A_156 : vector<16xf32> to vector<16xi32>
      %sub3A_158 = arith.subi %get3A_21, %convert_element_type3A_157 : vector<16xi32>
      %lt3A_159 = arith.constant 0 : i32
      %lt3A_160 = vector.broadcast %lt3A_159 : i32 to vector<16xi32>
      %lt3A_161 = arith.cmpi slt, %sub3A_158, %lt3A_160 : vector<16xi32>
      %add3A_162 = arith.constant 20 : i32
      %add3A_163 = vector.broadcast %add3A_162 : i32 to vector<16xi32>
      %add3A_164 = arith.addi %sub3A_158, %add3A_163 : vector<16xi32>
      %select_n3A_165 = arith.select %lt3A_161, %add3A_164, %sub3A_158 : vector<16xi1>, vector<16xi32>
      %swap3A = arith.index_cast %add3A_144 : i32 to index
      %swap3A_166 = tpu.vector_load %arg22[%swap3A] {strides = array<i32>} : memref<1280xi32, #tpu.memory_space<vmem>>, vector<16xi32>,
      tpu.vector_store %arg22[%swap3A], %select_n3A_165 {strides = array<i32>} : memref<1280xi32, #tpu.memory_space<vmem>>, vector<16xi32>,
      %min3A_167 = arith.minsi %scan3A_139, %select_n3A_165 : vector<16xi32>
      %max3A_168 = arith.maxsi %scan3A_140, %select_n3A_165 : vector<16xi32>
      %mul3A_169 = arith.constant 64 : i32
      %mul3A_170 = arith.muli %scan3A_138, %mul3A_169 : i32
      %add3A_171 = arith.constant 16 : i32
      %add3A_172 = arith.addi %mul3A_170, %add3A_171 : i32
      %get3A_173 = arith.index_cast %add3A_172 : i32 to index
      %get3A_174 = tpu.vector_load %arg10[%get3A_173] {strides = array<i32>} : memref<1280xf32, #tpu.memory_space<vmem>>, vector<16xf32>,
      %add3A_175 = arith.constant 0x4B400000 : f32
      %add3A_176 = vector.broadcast %add3A_175 : f32 to vector<16xf32>
      %add3A_177 = arith.addf %get3A_174, %add3A_176 : vector<16xf32>
      %sub3A_178 = arith.constant 0x4B400000 : f32
      %sub3A_179 = vector.broadcast %sub3A_178 : f32 to vector<16xf32>
      %sub3A_180 = arith.subf %add3A_177, %sub3A_179 : vector<16xf32>
      %max3A_181 = arith.constant 1.000000e+00 : f32
      %max3A_182 = vector.broadcast %max3A_181 : f32 to vector<16xf32>
      %max3A_183 = arith.maximumf %sub3A_180, %max3A_182 : vector<16xf32>
      %min3A_184 = arith.constant 1.900000e+01 : f32
      %min3A_185 = vector.broadcast %min3A_184 : f32 to vector<16xf32>
      %min3A_186 = arith.minimumf %max3A_183, %min3A_185 : vector<16xf32>
      %convert_element_type3A_187 = arith.fptosi %min3A_186 : vector<16xf32> to vector<16xi32>
      %sub3A_188 = arith.subi %get3A_21, %convert_element_type3A_187 : vector<16xi32>
      %lt3A_189 = arith.constant 0 : i32
      %lt3A_190 = vector.broadcast %lt3A_189 : i32 to vector<16xi32>
      %lt3A_191 = arith.cmpi slt, %sub3A_188, %lt3A_190 : vector<16xi32>
      %add3A_192 = arith.constant 20 : i32
      %add3A_193 = vector.broadcast %add3A_192 : i32 to vector<16xi32>
      %add3A_194 = arith.addi %sub3A_188, %add3A_193 : vector<16xi32>
      %select_n3A_195 = arith.select %lt3A_191, %add3A_194, %sub3A_188 : vector<16xi1>, vector<16xi32>
      %swap3A_196 = arith.index_cast %add3A_172 : i32 to index
      %swap3A_197 = tpu.vector_load %arg22[%swap3A_196] {strides = array<i32>} : memref<1280xi32, #tpu.memory_space<vmem>>, vector<16xi32>,
      tpu.vector_store %arg22[%swap3A_196], %select_n3A_195 {strides = array<i32>} : memref<1280xi32, #tpu.memory_space<vmem>>, vector<16xi32>,
      %min3A_198 = arith.minsi %min3A_167, %select_n3A_195 : vector<16xi32>
      %max3A_199 = arith.maxsi %max3A_168, %select_n3A_195 : vector<16xi32>
      %mul3A_200 = arith.constant 64 : i32
      %mul3A_201 = arith.muli %scan3A_138, %mul3A_200 : i32
      %add3A_202 = arith.constant 32 : i32
      %add3A_203 = arith.addi %mul3A_201, %add3A_202 : i32
      %get3A_204 = arith.index_cast %add3A_203 : i32 to index
      %get3A_205 = tpu.vector_load %arg10[%get3A_204] {strides = array<i32>} : memref<1280xf32, #tpu.memory_space<vmem>>, vector<16xf32>,
      %add3A_206 = arith.constant 0x4B400000 : f32
      %add3A_207 = vector.broadcast %add3A_206 : f32 to vector<16xf32>
      %add3A_208 = arith.addf %get3A_205, %add3A_207 : vector<16xf32>
      %sub3A_209 = arith.constant 0x4B400000 : f32
      %sub3A_210 = vector.broadcast %sub3A_209 : f32 to vector<16xf32>
      %sub3A_211 = arith.subf %add3A_208, %sub3A_210 : vector<16xf32>
      %max3A_212 = arith.constant 1.000000e+00 : f32
      %max3A_213 = vector.broadcast %max3A_212 : f32 to vector<16xf32>
      %max3A_214 = arith.maximumf %sub3A_211, %max3A_213 : vector<16xf32>
      %min3A_215 = arith.constant 1.900000e+01 : f32
      %min3A_216 = vector.broadcast %min3A_215 : f32 to vector<16xf32>
      %min3A_217 = arith.minimumf %max3A_214, %min3A_216 : vector<16xf32>
      %convert_element_type3A_218 = arith.fptosi %min3A_217 : vector<16xf32> to vector<16xi32>
      %sub3A_219 = arith.subi %get3A_21, %convert_element_type3A_218 : vector<16xi32>
      %lt3A_220 = arith.constant 0 : i32
      %lt3A_221 = vector.broadcast %lt3A_220 : i32 to vector<16xi32>
      %lt3A_222 = arith.cmpi slt, %sub3A_219, %lt3A_221 : vector<16xi32>
      %add3A_223 = arith.constant 20 : i32
      %add3A_224 = vector.broadcast %add3A_223 : i32 to vector<16xi32>
      %add3A_225 = arith.addi %sub3A_219, %add3A_224 : vector<16xi32>
      %select_n3A_226 = arith.select %lt3A_222, %add3A_225, %sub3A_219 : vector<16xi1>, vector<16xi32>
      %swap3A_227 = arith.index_cast %add3A_203 : i32 to index
      %swap3A_228 = tpu.vector_load %arg22[%swap3A_227] {strides = array<i32>} : memref<1280xi32, #tpu.memory_space<vmem>>, vector<16xi32>,
      tpu.vector_store %arg22[%swap3A_227], %select_n3A_226 {strides = array<i32>} : memref<1280xi32, #tpu.memory_space<vmem>>, vector<16xi32>,
      %min3A_229 = arith.minsi %min3A_198, %select_n3A_226 : vector<16xi32>
      %max3A_230 = arith.maxsi %max3A_199, %select_n3A_226 : vector<16xi32>
      %mul3A_231 = arith.constant 64 : i32
      %mul3A_232 = arith.muli %scan3A_138, %mul3A_231 : i32
      %add3A_233 = arith.constant 48 : i32
      %add3A_234 = arith.addi %mul3A_232, %add3A_233 : i32
      %get3A_235 = arith.index_cast %add3A_234 : i32 to index
      %get3A_236 = tpu.vector_load %arg10[%get3A_235] {strides = array<i32>} : memref<1280xf32, #tpu.memory_space<vmem>>, vector<16xf32>,
      %add3A_237 = arith.constant 0x4B400000 : f32
      %add3A_238 = vector.broadcast %add3A_237 : f32 to vector<16xf32>
      %add3A_239 = arith.addf %get3A_236, %add3A_238 : vector<16xf32>
      %sub3A_240 = arith.constant 0x4B400000 : f32
      %sub3A_241 = vector.broadcast %sub3A_240 : f32 to vector<16xf32>
      %sub3A_242 = arith.subf %add3A_239, %sub3A_241 : vector<16xf32>
      %max3A_243 = arith.constant 1.000000e+00 : f32
      %max3A_244 = vector.broadcast %max3A_243 : f32 to vector<16xf32>
      %max3A_245 = arith.maximumf %sub3A_242, %max3A_244 : vector<16xf32>
      %min3A_246 = arith.constant 1.900000e+01 : f32
      %min3A_247 = vector.broadcast %min3A_246 : f32 to vector<16xf32>
      %min3A_248 = arith.minimumf %max3A_245, %min3A_247 : vector<16xf32>
      %convert_element_type3A_249 = arith.fptosi %min3A_248 : vector<16xf32> to vector<16xi32>
      %sub3A_250 = arith.subi %get3A_21, %convert_element_type3A_249 : vector<16xi32>
      %lt3A_251 = arith.constant 0 : i32
      %lt3A_252 = vector.broadcast %lt3A_251 : i32 to vector<16xi32>
      %lt3A_253 = arith.cmpi slt, %sub3A_250, %lt3A_252 : vector<16xi32>
      %add3A_254 = arith.constant 20 : i32
      %add3A_255 = vector.broadcast %add3A_254 : i32 to vector<16xi32>
      %add3A_256 = arith.addi %sub3A_250, %add3A_255 : vector<16xi32>
      %select_n3A_257 = arith.select %lt3A_253, %add3A_256, %sub3A_250 : vector<16xi1>, vector<16xi32>
      %swap3A_258 = arith.index_cast %add3A_234 : i32 to index
      %swap3A_259 = tpu.vector_load %arg22[%swap3A_258] {strides = array<i32>} : memref<1280xi32, #tpu.memory_space<vmem>>, vector<16xi32>,
      tpu.vector_store %arg22[%swap3A_258], %select_n3A_257 {strides = array<i32>} : memref<1280xi32, #tpu.memory_space<vmem>>, vector<16xi32>,
      %min3A_260 = arith.minsi %min3A_229, %select_n3A_257 : vector<16xi32>
      %max3A_261 = arith.maxsi %max3A_230, %select_n3A_257 : vector<16xi32>
      scf.yield %min3A_260, %max3A_261 : vector<16xi32>, vector<16xi32>
    }
    %scan3A_29 = arith.constant 20 : i32
    %reduce_min3A = arith.constant true
    %reduce_min3A_30 = vector.broadcast %reduce_min3A : i1 to vector<16xi1>
    %reduce_min3A_31 = arith.constant -2147483648 : i32
    %reduce_min3A_32 = vector.broadcast %reduce_min3A_31 : i32 to vector<16xi32>
    %reduce_min3A_33 = arith.xori %scan3A_28#0, %reduce_min3A_32 : vector<16xi32>
    %reduce_min3A_34 = tpu.scan <min>, %reduce_min3A_33 masked %reduce_min3A_30 : vector<16xi32>, vector<16xi1> -> vector<16xi32>
    %reduce_min3A_35 = arith.xori %reduce_min3A_34, %reduce_min3A_32 : vector<16xi32>
    %reduce_min3A_36 = vector.extract %reduce_min3A_35[15] : i32 from vector<16xi32>
    %jit3A_37 = arith.constant 8 : i32
    %div3A = arith.divsi %reduce_min3A_36, %jit3A_37 : i32
    %sign3A = arith.constant 0 : i32
    %sign3A_38 = arith.cmpi sgt, %reduce_min3A_36, %sign3A : i32
    %sign3A_39 = arith.extui %sign3A_38 : i1 to i32
    %sign3A_40 = arith.constant 0 : i32
    %sign3A_41 = arith.cmpi slt, %reduce_min3A_36, %sign3A_40 : i32
    %sign3A_42 = arith.extui %sign3A_41 : i1 to i32
    %sign3A_43 = arith.subi %sign3A_39, %sign3A_42 : i32
    %sign3A_44 = arith.constant 0 : i32
    %sign3A_45 = arith.cmpi sgt, %jit3A_37, %sign3A_44 : i32
    %sign3A_46 = arith.extui %sign3A_45 : i1 to i32
    %sign3A_47 = arith.constant 0 : i32
    %sign3A_48 = arith.cmpi slt, %jit3A_37, %sign3A_47 : i32
    %sign3A_49 = arith.extui %sign3A_48 : i1 to i32
    %sign3A_50 = arith.subi %sign3A_46, %sign3A_49 : i32
    %ne3A = arith.cmpi ne, %sign3A_43, %sign3A_50 : i32
    %rem3A = arith.remsi %reduce_min3A_36, %jit3A_37 : i32
    %ne3A_51 = arith.constant 0 : i32
    %ne3A_52 = arith.cmpi ne, %rem3A, %ne3A_51 : i32
    %and3A = arith.andi %ne3A, %ne3A_52 : i1
    %sub3A = arith.constant 1 : i32
    %sub3A_53 = arith.subi %div3A, %sub3A : i32
    %select_n3A_54 = arith.select %and3A, %sub3A_53, %div3A : i32
    %reduce_max3A = arith.constant true
    %reduce_max3A_55 = vector.broadcast %reduce_max3A : i1 to vector<16xi1>
    %reduce_max3A_56 = arith.constant -2147483648 : i32
    %reduce_max3A_57 = vector.broadcast %reduce_max3A_56 : i32 to vector<16xi32>
    %reduce_max3A_58 = arith.xori %scan3A_28#1, %reduce_max3A_57 : vector<16xi32>
    %reduce_max3A_59 = tpu.scan <max>, %reduce_max3A_58 masked %reduce_max3A_55 : vector<16xi32>, vector<16xi1> -> vector<16xi32>
    %reduce_max3A_60 = arith.xori %reduce_max3A_59, %reduce_max3A_57 : vector<16xi32>
    %reduce_max3A_61 = vector.extract %reduce_max3A_60[15] : i32 from vector<16xi32>
    %jit3A_62 = arith.constant 8 : i32
    %div3A_63 = arith.divsi %reduce_max3A_61, %jit3A_62 : i32
    %sign3A_64 = arith.constant 0 : i32
    %sign3A_65 = arith.cmpi sgt, %reduce_max3A_61, %sign3A_64 : i32
    %sign3A_66 = arith.extui %sign3A_65 : i1 to i32
    %sign3A_67 = arith.constant 0 : i32
    %sign3A_68 = arith.cmpi slt, %reduce_max3A_61, %sign3A_67 : i32
    %sign3A_69 = arith.extui %sign3A_68 : i1 to i32
    %sign3A_70 = arith.subi %sign3A_66, %sign3A_69 : i32
    %sign3A_71 = arith.constant 0 : i32
    %sign3A_72 = arith.cmpi sgt, %jit3A_62, %sign3A_71 : i32
    %sign3A_73 = arith.extui %sign3A_72 : i1 to i32
    %sign3A_74 = arith.constant 0 : i32
    %sign3A_75 = arith.cmpi slt, %jit3A_62, %sign3A_74 : i32
    %sign3A_76 = arith.extui %sign3A_75 : i1 to i32
    %sign3A_77 = arith.subi %sign3A_73, %sign3A_76 : i32
    %ne3A_78 = arith.cmpi ne, %sign3A_70, %sign3A_77 : i32
    %rem3A_79 = arith.remsi %reduce_max3A_61, %jit3A_62 : i32
    %ne3A_80 = arith.constant 0 : i32
    %ne3A_81 = arith.cmpi ne, %rem3A_79, %ne3A_80 : i32
    %and3A_82 = arith.andi %ne3A_78, %ne3A_81 : i1
    %sub3A_83 = arith.constant 1 : i32
    %sub3A_84 = arith.subi %div3A_63, %sub3A_83 : i32
    %select_n3A_85 = arith.select %and3A_82, %sub3A_84, %div3A_63 : i32
    %add3A_86 = arith.constant 0 : i32
    %add3A_87 = arith.addi %add3A, %add3A_86 : i32
    %mul3A_88 = arith.constant 1280 : i32
    %mul3A_89 = arith.muli %add3A_87, %mul3A_88 : i32
    %le3A = arith.constant 0 : i32
    %le3A_90 = arith.cmpi sle, %select_n3A_54, %le3A : i32
    %ge3A = arith.constant 0 : i32
    %ge3A_91 = arith.cmpi sge, %select_n3A_85, %ge3A : i32
    %and3A_92 = arith.andi %le3A_90, %ge3A_91 : i1
    %convert_element_type3A = arith.extui %and3A_92 : i1 to i32
    %cond3A = arith.constant 0 : i32
    %cond3A_93 = arith.cmpi ne, %convert_element_type3A, %cond3A : i32
    scf.if %cond3A_93 {
      %dma_start3A_138 = arith.constant 0 : i32
      %dma_start3A_139 = arith.constant 0 : i32
      %dma_start3A_140 = tpu.memref_slice %arg24[%dma_start3A_138, %dma_start3A_139] : memref<20x1280xf32, #tpu.memory_space<vmem>> -> memref<8x1280xf32, #tpu.memory_space<vmem>>
      %dma_start3A_141 = arith.constant 0 : i32
      %dma_start3A_142 = tpu.memref_slice %arg3[%dma_start3A_141, %mul3A_89] : memref<20x1600000xf32, #tpu.memory_space<hbm>> -> memref<8x1280xf32, #tpu.memory_space<hbm>>
      %dma_start3A_143 = arith.constant 0 : i32
      %dma_start3A_144 = arith.constant 0 : i32
      %dma_start3A_145 = tpu.memref_slice %arg24[%dma_start3A_143, %dma_start3A_144] : memref<20x1280xf32, #tpu.memory_space<vmem>> -> memref<8x1280xf32, #tpu.memory_space<vmem>>
      %dma_start3A_146 = arith.constant 0 : i32
      %dma_start3A_147 = tpu.memref_slice %arg3[%dma_start3A_146, %mul3A_89] : memref<20x1600000xf32, #tpu.memory_space<hbm>> -> memref<8x1280xf32, #tpu.memory_space<hbm>>
      tpu.enqueue_dma source(%dma_start3A_147 : memref<8x1280xf32, #tpu.memory_space<hbm>>) target(%dma_start3A_145 : memref<8x1280xf32, #tpu.memory_space<vmem>>) target_semaphore(%arg31 : memref<!tpu.dma_semaphore, #tpu.memory_space<semaphore_mem>>)
    } else {
    }
    %le3A_94 = arith.constant 1 : i32
    %le3A_95 = arith.cmpi sle, %select_n3A_54, %le3A_94 : i32
    %ge3A_96 = arith.constant 1 : i32
    %ge3A_97 = arith.cmpi sge, %select_n3A_85, %ge3A_96 : i32
    %and3A_98 = arith.andi %le3A_95, %ge3A_97 : i1
    %convert_element_type3A_99 = arith.extui %and3A_98 : i1 to i32
    %cond3A_100 = arith.constant 0 : i32
    %cond3A_101 = arith.cmpi ne, %convert_element_type3A_99, %cond3A_100 : i32
    scf.if %cond3A_101 {
      %dma_start3A_138 = arith.constant 8 : i32
      %dma_start3A_139 = arith.constant 0 : i32
      %dma_start3A_140 = tpu.memref_slice %arg24[%dma_start3A_138, %dma_start3A_139] : memref<20x1280xf32, #tpu.memory_space<vmem>> -> memref<8x1280xf32, #tpu.memory_space<vmem>>
      %dma_start3A_141 = arith.constant 8 : i32
      %dma_start3A_142 = tpu.memref_slice %arg3[%dma_start3A_141, %mul3A_89] : memref<20x1600000xf32, #tpu.memory_space<hbm>> -> memref<8x1280xf32, #tpu.memory_space<hbm>>
      %dma_start3A_143 = arith.constant 8 : i32
      %dma_start3A_144 = arith.constant 0 : i32
      %dma_start3A_145 = tpu.memref_slice %arg24[%dma_start3A_143, %dma_start3A_144] : memref<20x1280xf32, #tpu.memory_space<vmem>> -> memref<8x1280xf32, #tpu.memory_space<vmem>>
      %dma_start3A_146 = arith.constant 8 : i32
      %dma_start3A_147 = tpu.memref_slice %arg3[%dma_start3A_146, %mul3A_89] : memref<20x1600000xf32, #tpu.memory_space<hbm>> -> memref<8x1280xf32, #tpu.memory_space<hbm>>
      tpu.enqueue_dma source(%dma_start3A_147 : memref<8x1280xf32, #tpu.memory_space<hbm>>) target(%dma_start3A_145 : memref<8x1280xf32, #tpu.memory_space<vmem>>) target_semaphore(%arg31 : memref<!tpu.dma_semaphore, #tpu.memory_space<semaphore_mem>>)
    } else {
    }
    %le3A_102 = arith.constant 2 : i32
    %le3A_103 = arith.cmpi sle, %select_n3A_54, %le3A_102 : i32
    %ge3A_104 = arith.constant 2 : i32
    %ge3A_105 = arith.cmpi sge, %select_n3A_85, %ge3A_104 : i32
    %and3A_106 = arith.andi %le3A_103, %ge3A_105 : i1
    %convert_element_type3A_107 = arith.extui %and3A_106 : i1 to i32
    %cond3A_108 = arith.constant 0 : i32
    %cond3A_109 = arith.cmpi ne, %convert_element_type3A_107, %cond3A_108 : i32
    scf.if %cond3A_109 {
      %dma_start3A_138 = arith.constant 16 : i32
      %dma_start3A_139 = arith.constant 0 : i32
      %dma_start3A_140 = tpu.memref_slice %arg24[%dma_start3A_138, %dma_start3A_139] : memref<20x1280xf32, #tpu.memory_space<vmem>> -> memref<4x1280xf32, #tpu.memory_space<vmem>>
      %dma_start3A_141 = arith.constant 16 : i32
      %dma_start3A_142 = tpu.memref_slice %arg3[%dma_start3A_141, %mul3A_89] : memref<20x1600000xf32, #tpu.memory_space<hbm>> -> memref<4x1280xf32, #tpu.memory_space<hbm>>
      %dma_start3A_143 = arith.constant 16 : i32
      %dma_start3A_144 = arith.constant 0 : i32
      %dma_start3A_145 = tpu.memref_slice %arg24[%dma_start3A_143, %dma_start3A_144] : memref<20x1280xf32, #tpu.memory_space<vmem>> -> memref<4x1280xf32, #tpu.memory_space<vmem>>
      %dma_start3A_146 = arith.constant 16 : i32
      %dma_start3A_147 = tpu.memref_slice %arg3[%dma_start3A_146, %mul3A_89] : memref<20x1600000xf32, #tpu.memory_space<hbm>> -> memref<4x1280xf32, #tpu.memory_space<hbm>>
      tpu.enqueue_dma source(%dma_start3A_147 : memref<4x1280xf32, #tpu.memory_space<hbm>>) target(%dma_start3A_145 : memref<4x1280xf32, #tpu.memory_space<vmem>>) target_semaphore(%arg31 : memref<!tpu.dma_semaphore, #tpu.memory_space<semaphore_mem>>)
    } else {
    }
    %add3A_110 = arith.constant 32 : i32
    %add3A_111 = arith.addi %add3A, %add3A_110 : i32
    %mul3A_112 = arith.constant 1280 : i32
    %mul3A_113 = arith.muli %add3A_111, %mul3A_112 : i32
    %dma_start3A_114 = tpu.memref_slice %arg2[%mul3A_113] : memref<1600000xf32, #tpu.memory_space<hbm>> -> memref<1280xf32, #tpu.memory_space<hbm>>
    %dma_start3A_115 = tpu.memref_slice %arg2[%mul3A_113] : memref<1600000xf32, #tpu.memory_space<hbm>> -> memref<1280xf32, #tpu.memory_space<hbm>>
    tpu.enqueue_dma source(%dma_start3A_115 : memref<1280xf32, #tpu.memory_space<hbm>>) target(%arg11 : memref<1280xf32, #tpu.memory_space<vmem>>) target_semaphore(%arg28 : memref<!tpu.dma_semaphore, #tpu.memory_space<semaphore_mem>>)
    %dma_start3A_116 = tpu.memref_slice %arg4[%mul3A_113] : memref<1600000xf32, #tpu.memory_space<hbm>> -> memref<1280xf32, #tpu.memory_space<hbm>>
    %dma_start3A_117 = tpu.memref_slice %arg4[%mul3A_113] : memref<1600000xf32, #tpu.memory_space<hbm>> -> memref<1280xf32, #tpu.memory_space<hbm>>
    tpu.enqueue_dma source(%dma_start3A_117 : memref<1280xf32, #tpu.memory_space<hbm>>) target(%arg13 : memref<1280xf32, #tpu.memory_space<vmem>>) target_semaphore(%arg30 : memref<!tpu.dma_semaphore, #tpu.memory_space<semaphore_mem>>)
    %dma_start3A_118 = tpu.memref_slice %arg5[%mul3A_113] : memref<1600000xf32, #tpu.memory_space<hbm>> -> memref<1280xf32, #tpu.memory_space<hbm>>
    %dma_start3A_119 = tpu.memref_slice %arg5[%mul3A_113] : memref<1600000xf32, #tpu.memory_space<hbm>> -> memref<1280xf32, #tpu.memory_space<hbm>>
    tpu.enqueue_dma source(%dma_start3A_119 : memref<1280xf32, #tpu.memory_space<hbm>>) target(%arg15 : memref<1280xf32, #tpu.memory_space<vmem>>) target_semaphore(%arg30 : memref<!tpu.dma_semaphore, #tpu.memory_space<semaphore_mem>>)
    %dma_start3A_120 = tpu.memref_slice %arg6[%mul3A_113] : memref<1600000xf32, #tpu.memory_space<hbm>> -> memref<1280xf32, #tpu.memory_space<hbm>>
    %dma_start3A_121 = tpu.memref_slice %arg6[%mul3A_113] : memref<1600000xf32, #tpu.memory_space<hbm>> -> memref<1280xf32, #tpu.memory_space<hbm>>
    tpu.enqueue_dma source(%dma_start3A_121 : memref<1280xf32, #tpu.memory_space<hbm>>) target(%arg17 : memref<1280xf32, #tpu.memory_space<vmem>>) target_semaphore(%arg30 : memref<!tpu.dma_semaphore, #tpu.memory_space<semaphore_mem>>)
    %scan3A_122 = arith.constant 0 : i32
    %scan3A_123 = arith.constant 2 : i32
    %scan3A_124 = arith.constant 0 : i32
    %scan3A_125 = arith.constant 20 : i32
    %scan3A_126 = arith.addi %scan3A_124, %scan3A_125 : i32
    %scan3A_127 = arith.constant 1 : i32
    %scan3A_128:4 = scf.for %scan3A_138 = %scan3A_124 to %scan3A_126 step %scan3A_127 iter_args(%scan3A_139 = %select_n3A_54, %scan3A_140 = %select_n3A_85, %scan3A_141 = %scan3A_122, %scan3A_142 = %scan3A_123) -> (i32, i32, i32, i32)  : i32 {
      %mul3A_143 = arith.constant 2 : i32
      %mul3A_144 = arith.muli %scan3A_138, %mul3A_143 : i32
      %lt3A_145 = arith.cmpi slt, %mul3A_144, %add3A_4 : i32
      %convert_element_type3A_146 = arith.extui %lt3A_145 : i1 to i32
      %cond3A_147 = arith.constant 0 : i32
      %cond3A_148 = arith.cmpi ne, %convert_element_type3A_146, %cond3A_147 : i32
      %cond3A_149:2 = scf.if %cond3A_148 -> (i32, i32) {
        %add3A_157 = arith.constant 1 : i32
        %add3A_158 = arith.addi %mul3A_144, %add3A_157 : i32
        %lt3A_159 = arith.cmpi slt, %add3A_158, %add3A_4 : i32
        %convert_element_type3A_160 = arith.extui %lt3A_159 : i1 to i32
        %cond3A_161 = arith.constant 0 : i32
        %cond3A_162 = arith.cmpi ne, %convert_element_type3A_160, %cond3A_161 : i32
        %cond3A_163:2 = scf.if %cond3A_162 -> (i32, i32) {
          %add3A_225 = arith.constant 1 : i32
          %add3A_226 = arith.addi %mul3A_144, %add3A_225 : i32
          %mul3A_227 = arith.constant 32 : i32
          %mul3A_228 = arith.muli %add3A_226, %mul3A_227 : i32
          %add3A_229 = arith.addi %add3A, %mul3A_228 : i32
          %mul3A_230 = arith.constant 1280 : i32
          %mul3A_231 = arith.muli %add3A_229, %mul3A_230 : i32
          %dma_wait3A_232 = tpu.memref_slice %arg2[%mul3A_231] : memref<1600000xf32, #tpu.memory_space<hbm>> -> memref<1280xf32, #tpu.memory_space<hbm>>
          %dma_wait3A_233 = tpu.memref_slice %arg2[%mul3A_231] : memref<1600000xf32, #tpu.memory_space<hbm>> -> memref<1280xf32, #tpu.memory_space<hbm>>
          tpu.wait_dma2 semaphore(%arg28 : memref<!tpu.dma_semaphore, #tpu.memory_space<semaphore_mem>>) src(%dma_wait3A_233 : memref<1280xf32, #tpu.memory_space<hbm>>) dst(%arg11 : memref<1280xf32, #tpu.memory_space<vmem>>)
          %add3A_234 = arith.constant 1 : i32
          %add3A_235 = arith.addi %mul3A_144, %add3A_234 : i32
          %get3A_236 = arith.constant 0 : index
          %get3A_237 = tpu.vector_load %arg26[%get3A_236] {strides = array<i32>} : memref<16xi32, #tpu.memory_space<vmem>>, vector<16xi32>,
          %broadcast_in_dim3A_238 = arith.constant 19 : i32
          %broadcast_in_dim3A_239 = vector.broadcast %broadcast_in_dim3A_238 : i32 to vector<16xi32>
          %broadcast_in_dim3A_240 = arith.constant 0 : i32
          %broadcast_in_dim3A_241 = vector.broadcast %broadcast_in_dim3A_240 : i32 to vector<16xi32>
          %scan3A_242 = arith.constant 0 : i32
          %scan3A_243 = arith.constant 20 : i32
          %scan3A_244 = arith.addi %scan3A_242, %scan3A_243 : i32
          %scan3A_245 = arith.constant 1 : i32
          %scan3A_246:2 = scf.for %scan3A_343 = %scan3A_242 to %scan3A_244 step %scan3A_245 iter_args(%scan3A_344 = %broadcast_in_dim3A_239, %scan3A_345 = %broadcast_in_dim3A_241) -> (vector<16xi32>, vector<16xi32>)  : i32 {
            %mul3A_346 = arith.constant 64 : i32
            %mul3A_347 = arith.muli %scan3A_343, %mul3A_346 : i32
            %add3A_348 = arith.constant 0 : i32
            %add3A_349 = arith.addi %mul3A_347, %add3A_348 : i32
            %get3A_350 = arith.index_cast %add3A_349 : i32 to index
            %get3A_351 = tpu.vector_load %arg11[%get3A_350] {strides = array<i32>} : memref<1280xf32, #tpu.memory_space<vmem>>, vector<16xf32>,
            %add3A_352 = arith.constant 0x4B400000 : f32
            %add3A_353 = vector.broadcast %add3A_352 : f32 to vector<16xf32>
            %add3A_354 = arith.addf %get3A_351, %add3A_353 : vector<16xf32>
            %sub3A_355 = arith.constant 0x4B400000 : f32
            %sub3A_356 = vector.broadcast %sub3A_355 : f32 to vector<16xf32>
            %sub3A_357 = arith.subf %add3A_354, %sub3A_356 : vector<16xf32>
            %max3A = arith.constant 1.000000e+00 : f32
            %max3A_358 = vector.broadcast %max3A : f32 to vector<16xf32>
            %max3A_359 = arith.maximumf %sub3A_357, %max3A_358 : vector<16xf32>
            %min3A = arith.constant 1.900000e+01 : f32
            %min3A_360 = vector.broadcast %min3A : f32 to vector<16xf32>
            %min3A_361 = arith.minimumf %max3A_359, %min3A_360 : vector<16xf32>
            %convert_element_type3A_362 = arith.fptosi %min3A_361 : vector<16xf32> to vector<16xi32>
            %sub3A_363 = arith.subi %get3A_237, %convert_element_type3A_362 : vector<16xi32>
            %lt3A_364 = arith.constant 0 : i32
            %lt3A_365 = vector.broadcast %lt3A_364 : i32 to vector<16xi32>
            %lt3A_366 = arith.cmpi slt, %sub3A_363, %lt3A_365 : vector<16xi32>
            %add3A_367 = arith.constant 20 : i32
            %add3A_368 = vector.broadcast %add3A_367 : i32 to vector<16xi32>
            %add3A_369 = arith.addi %sub3A_363, %add3A_368 : vector<16xi32>
            %select_n3A_370 = arith.select %lt3A_366, %add3A_369, %sub3A_363 : vector<16xi1>, vector<16xi32>
            %swap3A = arith.index_cast %add3A_349 : i32 to index
            %swap3A_371 = tpu.vector_load %arg23[%swap3A] {strides = array<i32>} : memref<1280xi32, #tpu.memory_space<vmem>>, vector<16xi32>,
            tpu.vector_store %arg23[%swap3A], %select_n3A_370 {strides = array<i32>} : memref<1280xi32, #tpu.memory_space<vmem>>, vector<16xi32>,
            %min3A_372 = arith.minsi %scan3A_344, %select_n3A_370 : vector<16xi32>
            %max3A_373 = arith.maxsi %scan3A_345, %select_n3A_370 : vector<16xi32>
            %mul3A_374 = arith.constant 64 : i32
            %mul3A_375 = arith.muli %scan3A_343, %mul3A_374 : i32
            %add3A_376 = arith.constant 16 : i32
            %add3A_377 = arith.addi %mul3A_375, %add3A_376 : i32
            %get3A_378 = arith.index_cast %add3A_377 : i32 to index
            %get3A_379 = tpu.vector_load %arg11[%get3A_378] {strides = array<i32>} : memref<1280xf32, #tpu.memory_space<vmem>>, vector<16xf32>,
            %add3A_380 = arith.constant 0x4B400000 : f32
            %add3A_381 = vector.broadcast %add3A_380 : f32 to vector<16xf32>
            %add3A_382 = arith.addf %get3A_379, %add3A_381 : vector<16xf32>
            %sub3A_383 = arith.constant 0x4B400000 : f32
            %sub3A_384 = vector.broadcast %sub3A_383 : f32 to vector<16xf32>
            %sub3A_385 = arith.subf %add3A_382, %sub3A_384 : vector<16xf32>
            %max3A_386 = arith.constant 1.000000e+00 : f32
            %max3A_387 = vector.broadcast %max3A_386 : f32 to vector<16xf32>
            %max3A_388 = arith.maximumf %sub3A_385, %max3A_387 : vector<16xf32>
            %min3A_389 = arith.constant 1.900000e+01 : f32
            %min3A_390 = vector.broadcast %min3A_389 : f32 to vector<16xf32>
            %min3A_391 = arith.minimumf %max3A_388, %min3A_390 : vector<16xf32>
            %convert_element_type3A_392 = arith.fptosi %min3A_391 : vector<16xf32> to vector<16xi32>
            %sub3A_393 = arith.subi %get3A_237, %convert_element_type3A_392 : vector<16xi32>
            %lt3A_394 = arith.constant 0 : i32
            %lt3A_395 = vector.broadcast %lt3A_394 : i32 to vector<16xi32>
            %lt3A_396 = arith.cmpi slt, %sub3A_393, %lt3A_395 : vector<16xi32>
            %add3A_397 = arith.constant 20 : i32
            %add3A_398 = vector.broadcast %add3A_397 : i32 to vector<16xi32>
            %add3A_399 = arith.addi %sub3A_393, %add3A_398 : vector<16xi32>
            %select_n3A_400 = arith.select %lt3A_396, %add3A_399, %sub3A_393 : vector<16xi1>, vector<16xi32>
            %swap3A_401 = arith.index_cast %add3A_377 : i32 to index
            %swap3A_402 = tpu.vector_load %arg23[%swap3A_401] {strides = array<i32>} : memref<1280xi32, #tpu.memory_space<vmem>>, vector<16xi32>,
            tpu.vector_store %arg23[%swap3A_401], %select_n3A_400 {strides = array<i32>} : memref<1280xi32, #tpu.memory_space<vmem>>, vector<16xi32>,
            %min3A_403 = arith.minsi %min3A_372, %select_n3A_400 : vector<16xi32>
            %max3A_404 = arith.maxsi %max3A_373, %select_n3A_400 : vector<16xi32>
            %mul3A_405 = arith.constant 64 : i32
            %mul3A_406 = arith.muli %scan3A_343, %mul3A_405 : i32
            %add3A_407 = arith.constant 32 : i32
            %add3A_408 = arith.addi %mul3A_406, %add3A_407 : i32
            %get3A_409 = arith.index_cast %add3A_408 : i32 to index
            %get3A_410 = tpu.vector_load %arg11[%get3A_409] {strides = array<i32>} : memref<1280xf32, #tpu.memory_space<vmem>>, vector<16xf32>,
            %add3A_411 = arith.constant 0x4B400000 : f32
            %add3A_412 = vector.broadcast %add3A_411 : f32 to vector<16xf32>
            %add3A_413 = arith.addf %get3A_410, %add3A_412 : vector<16xf32>
            %sub3A_414 = arith.constant 0x4B400000 : f32
            %sub3A_415 = vector.broadcast %sub3A_414 : f32 to vector<16xf32>
            %sub3A_416 = arith.subf %add3A_413, %sub3A_415 : vector<16xf32>
            %max3A_417 = arith.constant 1.000000e+00 : f32
            %max3A_418 = vector.broadcast %max3A_417 : f32 to vector<16xf32>
            %max3A_419 = arith.maximumf %sub3A_416, %max3A_418 : vector<16xf32>
            %min3A_420 = arith.constant 1.900000e+01 : f32
            %min3A_421 = vector.broadcast %min3A_420 : f32 to vector<16xf32>
            %min3A_422 = arith.minimumf %max3A_419, %min3A_421 : vector<16xf32>
            %convert_element_type3A_423 = arith.fptosi %min3A_422 : vector<16xf32> to vector<16xi32>
            %sub3A_424 = arith.subi %get3A_237, %convert_element_type3A_423 : vector<16xi32>
            %lt3A_425 = arith.constant 0 : i32
            %lt3A_426 = vector.broadcast %lt3A_425 : i32 to vector<16xi32>
            %lt3A_427 = arith.cmpi slt, %sub3A_424, %lt3A_426 : vector<16xi32>
            %add3A_428 = arith.constant 20 : i32
            %add3A_429 = vector.broadcast %add3A_428 : i32 to vector<16xi32>
            %add3A_430 = arith.addi %sub3A_424, %add3A_429 : vector<16xi32>
            %select_n3A_431 = arith.select %lt3A_427, %add3A_430, %sub3A_424 : vector<16xi1>, vector<16xi32>
            %swap3A_432 = arith.index_cast %add3A_408 : i32 to index
            %swap3A_433 = tpu.vector_load %arg23[%swap3A_432] {strides = array<i32>} : memref<1280xi32, #tpu.memory_space<vmem>>, vector<16xi32>,
            tpu.vector_store %arg23[%swap3A_432], %select_n3A_431 {strides = array<i32>} : memref<1280xi32, #tpu.memory_space<vmem>>, vector<16xi32>,
            %min3A_434 = arith.minsi %min3A_403, %select_n3A_431 : vector<16xi32>
            %max3A_435 = arith.maxsi %max3A_404, %select_n3A_431 : vector<16xi32>
            %mul3A_436 = arith.constant 64 : i32
            %mul3A_437 = arith.muli %scan3A_343, %mul3A_436 : i32
            %add3A_438 = arith.constant 48 : i32
            %add3A_439 = arith.addi %mul3A_437, %add3A_438 : i32
            %get3A_440 = arith.index_cast %add3A_439 : i32 to index
            %get3A_441 = tpu.vector_load %arg11[%get3A_440] {strides = array<i32>} : memref<1280xf32, #tpu.memory_space<vmem>>, vector<16xf32>,
            %add3A_442 = arith.constant 0x4B400000 : f32
            %add3A_443 = vector.broadcast %add3A_442 : f32 to vector<16xf32>
            %add3A_444 = arith.addf %get3A_441, %add3A_443 : vector<16xf32>
            %sub3A_445 = arith.constant 0x4B400000 : f32
            %sub3A_446 = vector.broadcast %sub3A_445 : f32 to vector<16xf32>
            %sub3A_447 = arith.subf %add3A_444, %sub3A_446 : vector<16xf32>
            %max3A_448 = arith.constant 1.000000e+00 : f32
            %max3A_449 = vector.broadcast %max3A_448 : f32 to vector<16xf32>
            %max3A_450 = arith.maximumf %sub3A_447, %max3A_449 : vector<16xf32>
            %min3A_451 = arith.constant 1.900000e+01 : f32
            %min3A_452 = vector.broadcast %min3A_451 : f32 to vector<16xf32>
            %min3A_453 = arith.minimumf %max3A_450, %min3A_452 : vector<16xf32>
            %convert_element_type3A_454 = arith.fptosi %min3A_453 : vector<16xf32> to vector<16xi32>
            %sub3A_455 = arith.subi %get3A_237, %convert_element_type3A_454 : vector<16xi32>
            %lt3A_456 = arith.constant 0 : i32
            %lt3A_457 = vector.broadcast %lt3A_456 : i32 to vector<16xi32>
            %lt3A_458 = arith.cmpi slt, %sub3A_455, %lt3A_457 : vector<16xi32>
            %add3A_459 = arith.constant 20 : i32
            %add3A_460 = vector.broadcast %add3A_459 : i32 to vector<16xi32>
            %add3A_461 = arith.addi %sub3A_455, %add3A_460 : vector<16xi32>
            %select_n3A_462 = arith.select %lt3A_458, %add3A_461, %sub3A_455 : vector<16xi1>, vector<16xi32>
            %swap3A_463 = arith.index_cast %add3A_439 : i32 to index
            %swap3A_464 = tpu.vector_load %arg23[%swap3A_463] {strides = array<i32>} : memref<1280xi32, #tpu.memory_space<vmem>>, vector<16xi32>,
            tpu.vector_store %arg23[%swap3A_463], %select_n3A_462 {strides = array<i32>} : memref<1280xi32, #tpu.memory_space<vmem>>, vector<16xi32>,
            %min3A_465 = arith.minsi %min3A_434, %select_n3A_462 : vector<16xi32>
            %max3A_466 = arith.maxsi %max3A_435, %select_n3A_462 : vector<16xi32>
            scf.yield %min3A_465, %max3A_466 : vector<16xi32>, vector<16xi32>
          }
          %scan3A_247 = arith.constant 20 : i32
          %reduce_min3A_248 = arith.constant true
          %reduce_min3A_249 = vector.broadcast %reduce_min3A_248 : i1 to vector<16xi1>
          %reduce_min3A_250 = arith.constant -2147483648 : i32
          %reduce_min3A_251 = vector.broadcast %reduce_min3A_250 : i32 to vector<16xi32>
          %reduce_min3A_252 = arith.xori %scan3A_246#0, %reduce_min3A_251 : vector<16xi32>
          %reduce_min3A_253 = tpu.scan <min>, %reduce_min3A_252 masked %reduce_min3A_249 : vector<16xi32>, vector<16xi1> -> vector<16xi32>
          %reduce_min3A_254 = arith.xori %reduce_min3A_253, %reduce_min3A_251 : vector<16xi32>
          %reduce_min3A_255 = vector.extract %reduce_min3A_254[15] : i32 from vector<16xi32>
          %jit3A_256 = arith.constant 8 : i32
          %div3A_257 = arith.divsi %reduce_min3A_255, %jit3A_256 : i32
          %sign3A_258 = arith.constant 0 : i32
          %sign3A_259 = arith.cmpi sgt, %reduce_min3A_255, %sign3A_258 : i32
          %sign3A_260 = arith.extui %sign3A_259 : i1 to i32
          %sign3A_261 = arith.constant 0 : i32
          %sign3A_262 = arith.cmpi slt, %reduce_min3A_255, %sign3A_261 : i32
          %sign3A_263 = arith.extui %sign3A_262 : i1 to i32
          %sign3A_264 = arith.subi %sign3A_260, %sign3A_263 : i32
          %sign3A_265 = arith.constant 0 : i32
          %sign3A_266 = arith.cmpi sgt, %jit3A_256, %sign3A_265 : i32
          %sign3A_267 = arith.extui %sign3A_266 : i1 to i32
          %sign3A_268 = arith.constant 0 : i32
          %sign3A_269 = arith.cmpi slt, %jit3A_256, %sign3A_268 : i32
          %sign3A_270 = arith.extui %sign3A_269 : i1 to i32
          %sign3A_271 = arith.subi %sign3A_267, %sign3A_270 : i32
          %ne3A_272 = arith.cmpi ne, %sign3A_264, %sign3A_271 : i32
          %rem3A_273 = arith.remsi %reduce_min3A_255, %jit3A_256 : i32
          %ne3A_274 = arith.constant 0 : i32
          %ne3A_275 = arith.cmpi ne, %rem3A_273, %ne3A_274 : i32
          %and3A_276 = arith.andi %ne3A_272, %ne3A_275 : i1
          %sub3A_277 = arith.constant 1 : i32
          %sub3A_278 = arith.subi %div3A_257, %sub3A_277 : i32
          %select_n3A_279 = arith.select %and3A_276, %sub3A_278, %div3A_257 : i32
          %reduce_max3A_280 = arith.constant true
          %reduce_max3A_281 = vector.broadcast %reduce_max3A_280 : i1 to vector<16xi1>
          %reduce_max3A_282 = arith.constant -2147483648 : i32
          %reduce_max3A_283 = vector.broadcast %reduce_max3A_282 : i32 to vector<16xi32>
          %reduce_max3A_284 = arith.xori %scan3A_246#1, %reduce_max3A_283 : vector<16xi32>
          %reduce_max3A_285 = tpu.scan <max>, %reduce_max3A_284 masked %reduce_max3A_281 : vector<16xi32>, vector<16xi1> -> vector<16xi32>
          %reduce_max3A_286 = arith.xori %reduce_max3A_285, %reduce_max3A_283 : vector<16xi32>
          %reduce_max3A_287 = vector.extract %reduce_max3A_286[15] : i32 from vector<16xi32>
          %jit3A_288 = arith.constant 8 : i32
          %div3A_289 = arith.divsi %reduce_max3A_287, %jit3A_288 : i32
          %sign3A_290 = arith.constant 0 : i32
          %sign3A_291 = arith.cmpi sgt, %reduce_max3A_287, %sign3A_290 : i32
          %sign3A_292 = arith.extui %sign3A_291 : i1 to i32
          %sign3A_293 = arith.constant 0 : i32
          %sign3A_294 = arith.cmpi slt, %reduce_max3A_287, %sign3A_293 : i32
          %sign3A_295 = arith.extui %sign3A_294 : i1 to i32
          %sign3A_296 = arith.subi %sign3A_292, %sign3A_295 : i32
          %sign3A_297 = arith.constant 0 : i32
          %sign3A_298 = arith.cmpi sgt, %jit3A_288, %sign3A_297 : i32
          %sign3A_299 = arith.extui %sign3A_298 : i1 to i32
          %sign3A_300 = arith.constant 0 : i32
          %sign3A_301 = arith.cmpi slt, %jit3A_288, %sign3A_300 : i32
          %sign3A_302 = arith.extui %sign3A_301 : i1 to i32
          %sign3A_303 = arith.subi %sign3A_299, %sign3A_302 : i32
          %ne3A_304 = arith.cmpi ne, %sign3A_296, %sign3A_303 : i32
          %rem3A_305 = arith.remsi %reduce_max3A_287, %jit3A_288 : i32
          %ne3A_306 = arith.constant 0 : i32
          %ne3A_307 = arith.cmpi ne, %rem3A_305, %ne3A_306 : i32
          %and3A_308 = arith.andi %ne3A_304, %ne3A_307 : i1
          %sub3A_309 = arith.constant 1 : i32
          %sub3A_310 = arith.subi %div3A_289, %sub3A_309 : i32
          %select_n3A_311 = arith.select %and3A_308, %sub3A_310, %div3A_289 : i32
          %add3A_312 = arith.constant 1 : i32
          %add3A_313 = arith.addi %mul3A_144, %add3A_312 : i32
          %mul3A_314 = arith.constant 32 : i32
          %mul3A_315 = arith.muli %add3A_313, %mul3A_314 : i32
          %add3A_316 = arith.addi %add3A, %mul3A_315 : i32
          %mul3A_317 = arith.constant 1280 : i32
          %mul3A_318 = arith.muli %add3A_316, %mul3A_317 : i32
          %le3A_319 = arith.constant 0 : i32
          %le3A_320 = arith.cmpi sle, %select_n3A_279, %le3A_319 : i32
          %ge3A_321 = arith.constant 0 : i32
          %ge3A_322 = arith.cmpi sge, %select_n3A_311, %ge3A_321 : i32
          %and3A_323 = arith.andi %le3A_320, %ge3A_322 : i1
          %convert_element_type3A_324 = arith.extui %and3A_323 : i1 to i32
          %cond3A_325 = arith.constant 0 : i32
          %cond3A_326 = arith.cmpi ne, %convert_element_type3A_324, %cond3A_325 : i32
          scf.if %cond3A_326 {
            %dma_start3A_343 = arith.constant 0 : i32
            %dma_start3A_344 = arith.constant 0 : i32
            %dma_start3A_345 = tpu.memref_slice %arg25[%dma_start3A_343, %dma_start3A_344] : memref<20x1280xf32, #tpu.memory_space<vmem>> -> memref<8x1280xf32, #tpu.memory_space<vmem>>
            %dma_start3A_346 = arith.constant 0 : i32
            %dma_start3A_347 = tpu.memref_slice %arg3[%dma_start3A_346, %mul3A_318] : memref<20x1600000xf32, #tpu.memory_space<hbm>> -> memref<8x1280xf32, #tpu.memory_space<hbm>>
            %dma_start3A_348 = arith.constant 0 : i32
            %dma_start3A_349 = arith.constant 0 : i32
            %dma_start3A_350 = tpu.memref_slice %arg25[%dma_start3A_348, %dma_start3A_349] : memref<20x1280xf32, #tpu.memory_space<vmem>> -> memref<8x1280xf32, #tpu.memory_space<vmem>>
            %dma_start3A_351 = arith.constant 0 : i32
            %dma_start3A_352 = tpu.memref_slice %arg3[%dma_start3A_351, %mul3A_318] : memref<20x1600000xf32, #tpu.memory_space<hbm>> -> memref<8x1280xf32, #tpu.memory_space<hbm>>
            tpu.enqueue_dma source(%dma_start3A_352 : memref<8x1280xf32, #tpu.memory_space<hbm>>) target(%dma_start3A_350 : memref<8x1280xf32, #tpu.memory_space<vmem>>) target_semaphore(%arg32 : memref<!tpu.dma_semaphore, #tpu.memory_space<semaphore_mem>>)
          } else {
          }
          %le3A_327 = arith.constant 1 : i32
          %le3A_328 = arith.cmpi sle, %select_n3A_279, %le3A_327 : i32
          %ge3A_329 = arith.constant 1 : i32
          %ge3A_330 = arith.cmpi sge, %select_n3A_311, %ge3A_329 : i32
          %and3A_331 = arith.andi %le3A_328, %ge3A_330 : i1
          %convert_element_type3A_332 = arith.extui %and3A_331 : i1 to i32
          %cond3A_333 = arith.constant 0 : i32
          %cond3A_334 = arith.cmpi ne, %convert_element_type3A_332, %cond3A_333 : i32
          scf.if %cond3A_334 {
            %dma_start3A_343 = arith.constant 8 : i32
            %dma_start3A_344 = arith.constant 0 : i32
            %dma_start3A_345 = tpu.memref_slice %arg25[%dma_start3A_343, %dma_start3A_344] : memref<20x1280xf32, #tpu.memory_space<vmem>> -> memref<8x1280xf32, #tpu.memory_space<vmem>>
            %dma_start3A_346 = arith.constant 8 : i32
            %dma_start3A_347 = tpu.memref_slice %arg3[%dma_start3A_346, %mul3A_318] : memref<20x1600000xf32, #tpu.memory_space<hbm>> -> memref<8x1280xf32, #tpu.memory_space<hbm>>
            %dma_start3A_348 = arith.constant 8 : i32
            %dma_start3A_349 = arith.constant 0 : i32
            %dma_start3A_350 = tpu.memref_slice %arg25[%dma_start3A_348, %dma_start3A_349] : memref<20x1280xf32, #tpu.memory_space<vmem>> -> memref<8x1280xf32, #tpu.memory_space<vmem>>
            %dma_start3A_351 = arith.constant 8 : i32
            %dma_start3A_352 = tpu.memref_slice %arg3[%dma_start3A_351, %mul3A_318] : memref<20x1600000xf32, #tpu.memory_space<hbm>> -> memref<8x1280xf32, #tpu.memory_space<hbm>>
            tpu.enqueue_dma source(%dma_start3A_352 : memref<8x1280xf32, #tpu.memory_space<hbm>>) target(%dma_start3A_350 : memref<8x1280xf32, #tpu.memory_space<vmem>>) target_semaphore(%arg32 : memref<!tpu.dma_semaphore, #tpu.memory_space<semaphore_mem>>)
          } else {
          }
          %le3A_335 = arith.constant 2 : i32
          %le3A_336 = arith.cmpi sle, %select_n3A_279, %le3A_335 : i32
          %ge3A_337 = arith.constant 2 : i32
          %ge3A_338 = arith.cmpi sge, %select_n3A_311, %ge3A_337 : i32
          %and3A_339 = arith.andi %le3A_336, %ge3A_338 : i1
          %convert_element_type3A_340 = arith.extui %and3A_339 : i1 to i32
          %cond3A_341 = arith.constant 0 : i32
          %cond3A_342 = arith.cmpi ne, %convert_element_type3A_340, %cond3A_341 : i32
          scf.if %cond3A_342 {
            %dma_start3A_343 = arith.constant 16 : i32
            %dma_start3A_344 = arith.constant 0 : i32
            %dma_start3A_345 = tpu.memref_slice %arg25[%dma_start3A_343, %dma_start3A_344] : memref<20x1280xf32, #tpu.memory_space<vmem>> -> memref<4x1280xf32, #tpu.memory_space<vmem>>
            %dma_start3A_346 = arith.constant 16 : i32
            %dma_start3A_347 = tpu.memref_slice %arg3[%dma_start3A_346, %mul3A_318] : memref<20x1600000xf32, #tpu.memory_space<hbm>> -> memref<4x1280xf32, #tpu.memory_space<hbm>>
            %dma_start3A_348 = arith.constant 16 : i32
            %dma_start3A_349 = arith.constant 0 : i32
            %dma_start3A_350 = tpu.memref_slice %arg25[%dma_start3A_348, %dma_start3A_349] : memref<20x1280xf32, #tpu.memory_space<vmem>> -> memref<4x1280xf32, #tpu.memory_space<vmem>>
            %dma_start3A_351 = arith.constant 16 : i32
            %dma_start3A_352 = tpu.memref_slice %arg3[%dma_start3A_351, %mul3A_318] : memref<20x1600000xf32, #tpu.memory_space<hbm>> -> memref<4x1280xf32, #tpu.memory_space<hbm>>
            tpu.enqueue_dma source(%dma_start3A_352 : memref<4x1280xf32, #tpu.memory_space<hbm>>) target(%dma_start3A_350 : memref<4x1280xf32, #tpu.memory_space<vmem>>) target_semaphore(%arg32 : memref<!tpu.dma_semaphore, #tpu.memory_space<semaphore_mem>>)
          } else {
          }
          scf.yield %select_n3A_279, %select_n3A_311 : i32, i32
        } else {
          %cond3A_225 = arith.constant 0 : i32
          %cond3A_226 = arith.constant 2 : i32
          scf.yield %cond3A_225, %cond3A_226 : i32, i32
        }
        %gt3A = arith.constant 0 : i32
        %gt3A_164 = arith.cmpi sgt, %mul3A_144, %gt3A : i32
        %convert_element_type3A_165 = arith.extui %gt3A_164 : i1 to i32
        %cond3A_166 = arith.constant 0 : i32
        %cond3A_167 = arith.cmpi ne, %convert_element_type3A_165, %cond3A_166 : i32
        scf.if %cond3A_167 {
          %mul3A_225 = arith.constant 32 : i32
          %mul3A_226 = arith.muli %mul3A_144, %mul3A_225 : i32
          %add3A_227 = arith.addi %add3A, %mul3A_226 : i32
          %mul3A_228 = arith.constant 1280 : i32
          %mul3A_229 = arith.muli %add3A_227, %mul3A_228 : i32
          %dma_wait3A_230 = tpu.memref_slice %arg8[%mul3A_229] : memref<1600000xf32, #tpu.memory_space<hbm>> -> memref<1280xf32, #tpu.memory_space<hbm>>
          %dma_wait3A_231 = tpu.memref_slice %arg8[%mul3A_229] : memref<1600000xf32, #tpu.memory_space<hbm>> -> memref<1280xf32, #tpu.memory_space<hbm>>
          tpu.wait_dma2 semaphore(%arg33 : memref<!tpu.dma_semaphore, #tpu.memory_space<semaphore_mem>>) src(%arg19 : memref<1280xf32, #tpu.memory_space<vmem>>) dst(%dma_wait3A_231 : memref<1280xf32, #tpu.memory_space<hbm>>)
          %dma_wait3A_232 = tpu.memref_slice %arg9[%mul3A_229] : memref<1600000xf32, #tpu.memory_space<hbm>> -> memref<1280xf32, #tpu.memory_space<hbm>>
          %dma_wait3A_233 = tpu.memref_slice %arg9[%mul3A_229] : memref<1600000xf32, #tpu.memory_space<hbm>> -> memref<1280xf32, #tpu.memory_space<hbm>>
          tpu.wait_dma2 semaphore(%arg33 : memref<!tpu.dma_semaphore, #tpu.memory_space<semaphore_mem>>) src(%arg21 : memref<1280xf32, #tpu.memory_space<vmem>>) dst(%dma_wait3A_233 : memref<1280xf32, #tpu.memory_space<hbm>>)
        } else {
        }
        %mul3A_168 = arith.constant 32 : i32
        %mul3A_169 = arith.muli %mul3A_144, %mul3A_168 : i32
        %add3A_170 = arith.addi %add3A, %mul3A_169 : i32
        %mul3A_171 = arith.constant 1280 : i32
        %mul3A_172 = arith.muli %add3A_170, %mul3A_171 : i32
        %le3A_173 = arith.constant 0 : i32
        %le3A_174 = arith.cmpi sle, %scan3A_139, %le3A_173 : i32
        %ge3A_175 = arith.constant 0 : i32
        %ge3A_176 = arith.cmpi sge, %scan3A_140, %ge3A_175 : i32
        %and3A_177 = arith.andi %le3A_174, %ge3A_176 : i1
        %convert_element_type3A_178 = arith.extui %and3A_177 : i1 to i32
        %cond3A_179 = arith.constant 0 : i32
        %cond3A_180 = arith.cmpi ne, %convert_element_type3A_178, %cond3A_179 : i32
        scf.if %cond3A_180 {
          %dma_wait3A_225 = arith.constant 0 : i32
          %dma_wait3A_226 = arith.constant 0 : i32
          %dma_wait3A_227 = tpu.memref_slice %arg24[%dma_wait3A_225, %dma_wait3A_226] : memref<20x1280xf32, #tpu.memory_space<vmem>> -> memref<8x1280xf32, #tpu.memory_space<vmem>>
          %dma_wait3A_228 = arith.constant 0 : i32
          %dma_wait3A_229 = tpu.memref_slice %arg3[%dma_wait3A_228, %mul3A_172] : memref<20x1600000xf32, #tpu.memory_space<hbm>> -> memref<8x1280xf32, #tpu.memory_space<hbm>>
          %dma_wait3A_230 = arith.constant 0 : i32
          %dma_wait3A_231 = arith.constant 0 : i32
          %dma_wait3A_232 = tpu.memref_slice %arg24[%dma_wait3A_230, %dma_wait3A_231] : memref<20x1280xf32, #tpu.memory_space<vmem>> -> memref<8x1280xf32, #tpu.memory_space<vmem>>
          %dma_wait3A_233 = arith.constant 0 : i32
          %dma_wait3A_234 = tpu.memref_slice %arg3[%dma_wait3A_233, %mul3A_172] : memref<20x1600000xf32, #tpu.memory_space<hbm>> -> memref<8x1280xf32, #tpu.memory_space<hbm>>
          tpu.wait_dma2 semaphore(%arg31 : memref<!tpu.dma_semaphore, #tpu.memory_space<semaphore_mem>>) src(%dma_wait3A_234 : memref<8x1280xf32, #tpu.memory_space<hbm>>) dst(%dma_wait3A_232 : memref<8x1280xf32, #tpu.memory_space<vmem>>)
        } else {
        }
        %le3A_181 = arith.constant 1 : i32
        %le3A_182 = arith.cmpi sle, %scan3A_139, %le3A_181 : i32
        %ge3A_183 = arith.constant 1 : i32
        %ge3A_184 = arith.cmpi sge, %scan3A_140, %ge3A_183 : i32
        %and3A_185 = arith.andi %le3A_182, %ge3A_184 : i1
        %convert_element_type3A_186 = arith.extui %and3A_185 : i1 to i32
        %cond3A_187 = arith.constant 0 : i32
        %cond3A_188 = arith.cmpi ne, %convert_element_type3A_186, %cond3A_187 : i32
        scf.if %cond3A_188 {
          %dma_wait3A_225 = arith.constant 8 : i32
          %dma_wait3A_226 = arith.constant 0 : i32
          %dma_wait3A_227 = tpu.memref_slice %arg24[%dma_wait3A_225, %dma_wait3A_226] : memref<20x1280xf32, #tpu.memory_space<vmem>> -> memref<8x1280xf32, #tpu.memory_space<vmem>>
          %dma_wait3A_228 = arith.constant 8 : i32
          %dma_wait3A_229 = tpu.memref_slice %arg3[%dma_wait3A_228, %mul3A_172] : memref<20x1600000xf32, #tpu.memory_space<hbm>> -> memref<8x1280xf32, #tpu.memory_space<hbm>>
          %dma_wait3A_230 = arith.constant 8 : i32
          %dma_wait3A_231 = arith.constant 0 : i32
          %dma_wait3A_232 = tpu.memref_slice %arg24[%dma_wait3A_230, %dma_wait3A_231] : memref<20x1280xf32, #tpu.memory_space<vmem>> -> memref<8x1280xf32, #tpu.memory_space<vmem>>
          %dma_wait3A_233 = arith.constant 8 : i32
          %dma_wait3A_234 = tpu.memref_slice %arg3[%dma_wait3A_233, %mul3A_172] : memref<20x1600000xf32, #tpu.memory_space<hbm>> -> memref<8x1280xf32, #tpu.memory_space<hbm>>
          tpu.wait_dma2 semaphore(%arg31 : memref<!tpu.dma_semaphore, #tpu.memory_space<semaphore_mem>>) src(%dma_wait3A_234 : memref<8x1280xf32, #tpu.memory_space<hbm>>) dst(%dma_wait3A_232 : memref<8x1280xf32, #tpu.memory_space<vmem>>)
        } else {
        }
        %le3A_189 = arith.constant 2 : i32
        %le3A_190 = arith.cmpi sle, %scan3A_139, %le3A_189 : i32
        %ge3A_191 = arith.constant 2 : i32
        %ge3A_192 = arith.cmpi sge, %scan3A_140, %ge3A_191 : i32
        %and3A_193 = arith.andi %le3A_190, %ge3A_192 : i1
        %convert_element_type3A_194 = arith.extui %and3A_193 : i1 to i32
        %cond3A_195 = arith.constant 0 : i32
        %cond3A_196 = arith.cmpi ne, %convert_element_type3A_194, %cond3A_195 : i32
        scf.if %cond3A_196 {
          %dma_wait3A_225 = arith.constant 16 : i32
          %dma_wait3A_226 = arith.constant 0 : i32
          %dma_wait3A_227 = tpu.memref_slice %arg24[%dma_wait3A_225, %dma_wait3A_226] : memref<20x1280xf32, #tpu.memory_space<vmem>> -> memref<4x1280xf32, #tpu.memory_space<vmem>>
          %dma_wait3A_228 = arith.constant 16 : i32
          %dma_wait3A_229 = tpu.memref_slice %arg3[%dma_wait3A_228, %mul3A_172] : memref<20x1600000xf32, #tpu.memory_space<hbm>> -> memref<4x1280xf32, #tpu.memory_space<hbm>>
          %dma_wait3A_230 = arith.constant 16 : i32
          %dma_wait3A_231 = arith.constant 0 : i32
          %dma_wait3A_232 = tpu.memref_slice %arg24[%dma_wait3A_230, %dma_wait3A_231] : memref<20x1280xf32, #tpu.memory_space<vmem>> -> memref<4x1280xf32, #tpu.memory_space<vmem>>
          %dma_wait3A_233 = arith.constant 16 : i32
          %dma_wait3A_234 = tpu.memref_slice %arg3[%dma_wait3A_233, %mul3A_172] : memref<20x1600000xf32, #tpu.memory_space<hbm>> -> memref<4x1280xf32, #tpu.memory_space<hbm>>
          tpu.wait_dma2 semaphore(%arg31 : memref<!tpu.dma_semaphore, #tpu.memory_space<semaphore_mem>>) src(%dma_wait3A_234 : memref<4x1280xf32, #tpu.memory_space<hbm>>) dst(%dma_wait3A_232 : memref<4x1280xf32, #tpu.memory_space<vmem>>)
        } else {
        }
        %mul3A_197 = arith.constant 32 : i32
        %mul3A_198 = arith.muli %mul3A_144, %mul3A_197 : i32
        %add3A_199 = arith.addi %add3A, %mul3A_198 : i32
        %mul3A_200 = arith.constant 1280 : i32
        %mul3A_201 = arith.muli %add3A_199, %mul3A_200 : i32
        %dma_wait3A_202 = tpu.memref_slice %arg6[%mul3A_201] : memref<1600000xf32, #tpu.memory_space<hbm>> -> memref<1280xf32, #tpu.memory_space<hbm>>
        %dma_wait3A_203 = tpu.memref_slice %arg6[%mul3A_201] : memref<1600000xf32, #tpu.memory_space<hbm>> -> memref<1280xf32, #tpu.memory_space<hbm>>
        tpu.wait_dma2 semaphore(%arg29 : memref<!tpu.dma_semaphore, #tpu.memory_space<semaphore_mem>>) src(%dma_wait3A_203 : memref<1280xf32, #tpu.memory_space<hbm>>) dst(%arg16 : memref<1280xf32, #tpu.memory_space<vmem>>)
        %dma_wait3A_204 = tpu.memref_slice %arg6[%mul3A_201] : memref<1600000xf32, #tpu.memory_space<hbm>> -> memref<1280xf32, #tpu.memory_space<hbm>>
        %dma_wait3A_205 = tpu.memref_slice %arg6[%mul3A_201] : memref<1600000xf32, #tpu.memory_space<hbm>> -> memref<1280xf32, #tpu.memory_space<hbm>>
        tpu.wait_dma2 semaphore(%arg29 : memref<!tpu.dma_semaphore, #tpu.memory_space<semaphore_mem>>) src(%dma_wait3A_205 : memref<1280xf32, #tpu.memory_space<hbm>>) dst(%arg16 : memref<1280xf32, #tpu.memory_space<vmem>>)
        %dma_wait3A_206 = tpu.memref_slice %arg6[%mul3A_201] : memref<1600000xf32, #tpu.memory_space<hbm>> -> memref<1280xf32, #tpu.memory_space<hbm>>
        %dma_wait3A_207 = tpu.memref_slice %arg6[%mul3A_201] : memref<1600000xf32, #tpu.memory_space<hbm>> -> memref<1280xf32, #tpu.memory_space<hbm>>
        tpu.wait_dma2 semaphore(%arg29 : memref<!tpu.dma_semaphore, #tpu.memory_space<semaphore_mem>>) src(%dma_wait3A_207 : memref<1280xf32, #tpu.memory_space<hbm>>) dst(%arg16 : memref<1280xf32, #tpu.memory_space<vmem>>)
        %scan3A_208 = arith.constant 0 : i32
        %scan3A_209 = arith.constant 0 : i32
        %scan3A_210 = arith.constant 20 : i32
        %scan3A_211 = arith.addi %scan3A_209, %scan3A_210 : i32
        %scan3A_212 = arith.constant 1 : i32
        %scan3A_213 = scf.for %scan3A_225 = %scan3A_209 to %scan3A_211 step %scan3A_212 iter_args(%scan3A_226 = %scan3A_208) -> (i32)  : i32 {
          %mul3A_227 = arith.constant 64 : i32
          %mul3A_228 = arith.muli %scan3A_225, %mul3A_227 : i32
          %add3A_229 = arith.constant 0 : i32
          %add3A_230 = arith.addi %mul3A_228, %add3A_229 : i32
          %get3A_231 = arith.index_cast %add3A_230 : i32 to index
          %get3A_232 = tpu.vector_load %arg22[%get3A_231] {strides = array<i32>} : memref<1280xi32, #tpu.memory_space<vmem>>, vector<16xi32>,
          %add3A_233 = vector.broadcast %add3A_230 : i32 to vector<16xi32>
          %add3A_234 = arith.addi %add3A_233, %iota3A : vector<16xi32>
          %gather3A = tpu.vector_load_idx %arg24[%get3A_232, %add3A_234] : memref<20x1280xf32, #tpu.memory_space<vmem>>[vector<16xi32>, vector<16xi32>], vector<16xf32>,
          %get3A_235 = arith.index_cast %add3A_230 : i32 to index
          %get3A_236 = tpu.vector_load %arg16[%get3A_235] {strides = array<i32>} : memref<1280xf32, #tpu.memory_space<vmem>>, vector<16xf32>,
          %get3A_237 = arith.index_cast %add3A_230 : i32 to index
          %get3A_238 = tpu.vector_load %arg12[%get3A_237] {strides = array<i32>} : memref<1280xf32, #tpu.memory_space<vmem>>, vector<16xf32>,
          %mul3A_239 = arith.constant 0.949999988 : f32
          %mul3A_240 = vector.broadcast %mul3A_239 : f32 to vector<16xf32>
          %mul3A_241 = arith.mulf %get3A_238, %mul3A_240 : vector<16xf32>
          %add3A_242 = arith.addf %mul3A_241, %gather3A : vector<16xf32>
          %get3A_243 = arith.index_cast %add3A_230 : i32 to index
          %get3A_244 = tpu.vector_load %arg14[%get3A_243] {strides = array<i32>} : memref<1280xf32, #tpu.memory_space<vmem>>, vector<16xf32>,
          %mul3A_245 = arith.constant 0.949999988 : f32
          %mul3A_246 = vector.broadcast %mul3A_245 : f32 to vector<16xf32>
          %mul3A_247 = arith.mulf %get3A_244, %mul3A_246 : vector<16xf32>
          %add3A_248 = arith.addf %mul3A_247, %get3A_236 : vector<16xf32>
          %swap3A = arith.index_cast %add3A_230 : i32 to index
          %swap3A_249 = tpu.vector_load %arg18[%swap3A] {strides = array<i32>} : memref<1280xf32, #tpu.memory_space<vmem>>, vector<16xf32>,
          tpu.vector_store %arg18[%swap3A], %gather3A {strides = array<i32>} : memref<1280xf32, #tpu.memory_space<vmem>>, vector<16xf32>,
          %mul3A_250 = arith.mulf %gather3A, %add3A_248 : vector<16xf32>
          %mul3A_251 = arith.mulf %get3A_236, %add3A_242 : vector<16xf32>
          %sub3A_252 = arith.subf %mul3A_250, %mul3A_251 : vector<16xf32>
          %swap3A_253 = arith.index_cast %add3A_230 : i32 to index
          %swap3A_254 = tpu.vector_load %arg20[%swap3A_253] {strides = array<i32>} : memref<1280xf32, #tpu.memory_space<vmem>>, vector<16xf32>,
          tpu.vector_store %arg20[%swap3A_253], %sub3A_252 {strides = array<i32>} : memref<1280xf32, #tpu.memory_space<vmem>>, vector<16xf32>,
          %mul3A_255 = arith.constant 64 : i32
          %mul3A_256 = arith.muli %scan3A_225, %mul3A_255 : i32
          %add3A_257 = arith.constant 16 : i32
          %add3A_258 = arith.addi %mul3A_256, %add3A_257 : i32
          %get3A_259 = arith.index_cast %add3A_258 : i32 to index
          %get3A_260 = tpu.vector_load %arg22[%get3A_259] {strides = array<i32>} : memref<1280xi32, #tpu.memory_space<vmem>>, vector<16xi32>,
          %add3A_261 = vector.broadcast %add3A_258 : i32 to vector<16xi32>
          %add3A_262 = arith.addi %add3A_261, %iota3A : vector<16xi32>
          %gather3A_263 = tpu.vector_load_idx %arg24[%get3A_260, %add3A_262] : memref<20x1280xf32, #tpu.memory_space<vmem>>[vector<16xi32>, vector<16xi32>], vector<16xf32>,
          %get3A_264 = arith.index_cast %add3A_258 : i32 to index
          %get3A_265 = tpu.vector_load %arg16[%get3A_264] {strides = array<i32>} : memref<1280xf32, #tpu.memory_space<vmem>>, vector<16xf32>,
          %get3A_266 = arith.index_cast %add3A_258 : i32 to index
          %get3A_267 = tpu.vector_load %arg12[%get3A_266] {strides = array<i32>} : memref<1280xf32, #tpu.memory_space<vmem>>, vector<16xf32>,
          %mul3A_268 = arith.constant 0.949999988 : f32
          %mul3A_269 = vector.broadcast %mul3A_268 : f32 to vector<16xf32>
          %mul3A_270 = arith.mulf %get3A_267, %mul3A_269 : vector<16xf32>
          %add3A_271 = arith.addf %mul3A_270, %gather3A_263 : vector<16xf32>
          %get3A_272 = arith.index_cast %add3A_258 : i32 to index
          %get3A_273 = tpu.vector_load %arg14[%get3A_272] {strides = array<i32>} : memref<1280xf32, #tpu.memory_space<vmem>>, vector<16xf32>,
          %mul3A_274 = arith.constant 0.949999988 : f32
          %mul3A_275 = vector.broadcast %mul3A_274 : f32 to vector<16xf32>
          %mul3A_276 = arith.mulf %get3A_273, %mul3A_275 : vector<16xf32>
          %add3A_277 = arith.addf %mul3A_276, %get3A_265 : vector<16xf32>
          %swap3A_278 = arith.index_cast %add3A_258 : i32 to index
          %swap3A_279 = tpu.vector_load %arg18[%swap3A_278] {strides = array<i32>} : memref<1280xf32, #tpu.memory_space<vmem>>, vector<16xf32>,
          tpu.vector_store %arg18[%swap3A_278], %gather3A_263 {strides = array<i32>} : memref<1280xf32, #tpu.memory_space<vmem>>, vector<16xf32>,
          %mul3A_280 = arith.mulf %gather3A_263, %add3A_277 : vector<16xf32>
          %mul3A_281 = arith.mulf %get3A_265, %add3A_271 : vector<16xf32>
          %sub3A_282 = arith.subf %mul3A_280, %mul3A_281 : vector<16xf32>
          %swap3A_283 = arith.index_cast %add3A_258 : i32 to index
          %swap3A_284 = tpu.vector_load %arg20[%swap3A_283] {strides = array<i32>} : memref<1280xf32, #tpu.memory_space<vmem>>, vector<16xf32>,
          tpu.vector_store %arg20[%swap3A_283], %sub3A_282 {strides = array<i32>} : memref<1280xf32, #tpu.memory_space<vmem>>, vector<16xf32>,
          %mul3A_285 = arith.constant 64 : i32
          %mul3A_286 = arith.muli %scan3A_225, %mul3A_285 : i32
          %add3A_287 = arith.constant 32 : i32
          %add3A_288 = arith.addi %mul3A_286, %add3A_287 : i32
          %get3A_289 = arith.index_cast %add3A_288 : i32 to index
          %get3A_290 = tpu.vector_load %arg22[%get3A_289] {strides = array<i32>} : memref<1280xi32, #tpu.memory_space<vmem>>, vector<16xi32>,
          %add3A_291 = vector.broadcast %add3A_288 : i32 to vector<16xi32>
          %add3A_292 = arith.addi %add3A_291, %iota3A : vector<16xi32>
          %gather3A_293 = tpu.vector_load_idx %arg24[%get3A_290, %add3A_292] : memref<20x1280xf32, #tpu.memory_space<vmem>>[vector<16xi32>, vector<16xi32>], vector<16xf32>,
          %get3A_294 = arith.index_cast %add3A_288 : i32 to index
          %get3A_295 = tpu.vector_load %arg16[%get3A_294] {strides = array<i32>} : memref<1280xf32, #tpu.memory_space<vmem>>, vector<16xf32>,
          %get3A_296 = arith.index_cast %add3A_288 : i32 to index
          %get3A_297 = tpu.vector_load %arg12[%get3A_296] {strides = array<i32>} : memref<1280xf32, #tpu.memory_space<vmem>>, vector<16xf32>,
          %mul3A_298 = arith.constant 0.949999988 : f32
          %mul3A_299 = vector.broadcast %mul3A_298 : f32 to vector<16xf32>
          %mul3A_300 = arith.mulf %get3A_297, %mul3A_299 : vector<16xf32>
          %add3A_301 = arith.addf %mul3A_300, %gather3A_293 : vector<16xf32>
          %get3A_302 = arith.index_cast %add3A_288 : i32 to index
          %get3A_303 = tpu.vector_load %arg14[%get3A_302] {strides = array<i32>} : memref<1280xf32, #tpu.memory_space<vmem>>, vector<16xf32>,
          %mul3A_304 = arith.constant 0.949999988 : f32
          %mul3A_305 = vector.broadcast %mul3A_304 : f32 to vector<16xf32>
          %mul3A_306 = arith.mulf %get3A_303, %mul3A_305 : vector<16xf32>
          %add3A_307 = arith.addf %mul3A_306, %get3A_295 : vector<16xf32>
          %swap3A_308 = arith.index_cast %add3A_288 : i32 to index
          %swap3A_309 = tpu.vector_load %arg18[%swap3A_308] {strides = array<i32>} : memref<1280xf32, #tpu.memory_space<vmem>>, vector<16xf32>,
          tpu.vector_store %arg18[%swap3A_308], %gather3A_293 {strides = array<i32>} : memref<1280xf32, #tpu.memory_space<vmem>>, vector<16xf32>,
          %mul3A_310 = arith.mulf %gather3A_293, %add3A_307 : vector<16xf32>
          %mul3A_311 = arith.mulf %get3A_295, %add3A_301 : vector<16xf32>
          %sub3A_312 = arith.subf %mul3A_310, %mul3A_311 : vector<16xf32>
          %swap3A_313 = arith.index_cast %add3A_288 : i32 to index
          %swap3A_314 = tpu.vector_load %arg20[%swap3A_313] {strides = array<i32>} : memref<1280xf32, #tpu.memory_space<vmem>>, vector<16xf32>,
          tpu.vector_store %arg20[%swap3A_313], %sub3A_312 {strides = array<i32>} : memref<1280xf32, #tpu.memory_space<vmem>>, vector<16xf32>,
          %mul3A_315 = arith.constant 64 : i32
          %mul3A_316 = arith.muli %scan3A_225, %mul3A_315 : i32
          %add3A_317 = arith.constant 48 : i32
          %add3A_318 = arith.addi %mul3A_316, %add3A_317 : i32
          %get3A_319 = arith.index_cast %add3A_318 : i32 to index
          %get3A_320 = tpu.vector_load %arg22[%get3A_319] {strides = array<i32>} : memref<1280xi32, #tpu.memory_space<vmem>>, vector<16xi32>,
          %add3A_321 = vector.broadcast %add3A_318 : i32 to vector<16xi32>
          %add3A_322 = arith.addi %add3A_321, %iota3A : vector<16xi32>
          %gather3A_323 = tpu.vector_load_idx %arg24[%get3A_320, %add3A_322] : memref<20x1280xf32, #tpu.memory_space<vmem>>[vector<16xi32>, vector<16xi32>], vector<16xf32>,
          %get3A_324 = arith.index_cast %add3A_318 : i32 to index
          %get3A_325 = tpu.vector_load %arg16[%get3A_324] {strides = array<i32>} : memref<1280xf32, #tpu.memory_space<vmem>>, vector<16xf32>,
          %get3A_326 = arith.index_cast %add3A_318 : i32 to index
          %get3A_327 = tpu.vector_load %arg12[%get3A_326] {strides = array<i32>} : memref<1280xf32, #tpu.memory_space<vmem>>, vector<16xf32>,
          %mul3A_328 = arith.constant 0.949999988 : f32
          %mul3A_329 = vector.broadcast %mul3A_328 : f32 to vector<16xf32>
          %mul3A_330 = arith.mulf %get3A_327, %mul3A_329 : vector<16xf32>
          %add3A_331 = arith.addf %mul3A_330, %gather3A_323 : vector<16xf32>
          %get3A_332 = arith.index_cast %add3A_318 : i32 to index
          %get3A_333 = tpu.vector_load %arg14[%get3A_332] {strides = array<i32>} : memref<1280xf32, #tpu.memory_space<vmem>>, vector<16xf32>,
          %mul3A_334 = arith.constant 0.949999988 : f32
          %mul3A_335 = vector.broadcast %mul3A_334 : f32 to vector<16xf32>
          %mul3A_336 = arith.mulf %get3A_333, %mul3A_335 : vector<16xf32>
          %add3A_337 = arith.addf %mul3A_336, %get3A_325 : vector<16xf32>
          %swap3A_338 = arith.index_cast %add3A_318 : i32 to index
          %swap3A_339 = tpu.vector_load %arg18[%swap3A_338] {strides = array<i32>} : memref<1280xf32, #tpu.memory_space<vmem>>, vector<16xf32>,
          tpu.vector_store %arg18[%swap3A_338], %gather3A_323 {strides = array<i32>} : memref<1280xf32, #tpu.memory_space<vmem>>, vector<16xf32>,
          %mul3A_340 = arith.mulf %gather3A_323, %add3A_337 : vector<16xf32>
          %mul3A_341 = arith.mulf %get3A_325, %add3A_331 : vector<16xf32>
          %sub3A_342 = arith.subf %mul3A_340, %mul3A_341 : vector<16xf32>
          %swap3A_343 = arith.index_cast %add3A_318 : i32 to index
          %swap3A_344 = tpu.vector_load %arg20[%swap3A_343] {strides = array<i32>} : memref<1280xf32, #tpu.memory_space<vmem>>, vector<16xf32>,
          tpu.vector_store %arg20[%swap3A_343], %sub3A_342 {strides = array<i32>} : memref<1280xf32, #tpu.memory_space<vmem>>, vector<16xf32>,
          %scan3A_345 = arith.constant 0 : i32
          scf.yield %scan3A_345 : i32
        }
        %scan3A_214 = arith.constant 20 : i32
        %dma_start3A_215 = tpu.memref_slice %arg8[%mul3A_201] : memref<1600000xf32, #tpu.memory_space<hbm>> -> memref<1280xf32, #tpu.memory_space<hbm>>
        %dma_start3A_216 = tpu.memref_slice %arg8[%mul3A_201] : memref<1600000xf32, #tpu.memory_space<hbm>> -> memref<1280xf32, #tpu.memory_space<hbm>>
        tpu.enqueue_dma source(%arg18 : memref<1280xf32, #tpu.memory_space<vmem>>) target(%dma_start3A_216 : memref<1280xf32, #tpu.memory_space<hbm>>) target_semaphore(%arg33 : memref<!tpu.dma_semaphore, #tpu.memory_space<semaphore_mem>>)
        %dma_start3A_217 = tpu.memref_slice %arg9[%mul3A_201] : memref<1600000xf32, #tpu.memory_space<hbm>> -> memref<1280xf32, #tpu.memory_space<hbm>>
        %dma_start3A_218 = tpu.memref_slice %arg9[%mul3A_201] : memref<1600000xf32, #tpu.memory_space<hbm>> -> memref<1280xf32, #tpu.memory_space<hbm>>
        tpu.enqueue_dma source(%arg20 : memref<1280xf32, #tpu.memory_space<vmem>>) target(%dma_start3A_218 : memref<1280xf32, #tpu.memory_space<hbm>>) target_semaphore(%arg33 : memref<!tpu.dma_semaphore, #tpu.memory_space<semaphore_mem>>)
        %add3A_219 = arith.constant 2 : i32
        %add3A_220 = arith.addi %mul3A_144, %add3A_219 : i32
        %lt3A_221 = arith.cmpi slt, %add3A_220, %add3A_4 : i32
        %convert_element_type3A_222 = arith.extui %lt3A_221 : i1 to i32
        %cond3A_223 = arith.constant 0 : i32
        %cond3A_224 = arith.cmpi ne, %convert_element_type3A_222, %cond3A_223 : i32
        scf.if %cond3A_224 {
          %add3A_225 = arith.constant 2 : i32
          %add3A_226 = arith.addi %mul3A_144, %add3A_225 : i32
          %mul3A_227 = arith.constant 32 : i32
          %mul3A_228 = arith.muli %add3A_226, %mul3A_227 : i32
          %add3A_229 = arith.addi %add3A, %mul3A_228 : i32
          %mul3A_230 = arith.constant 1280 : i32
          %mul3A_231 = arith.muli %add3A_229, %mul3A_230 : i32
          %dma_start3A_232 = tpu.memref_slice %arg2[%mul3A_231] : memref<1600000xf32, #tpu.memory_space<hbm>> -> memref<1280xf32, #tpu.memory_space<hbm>>
          %dma_start3A_233 = tpu.memref_slice %arg2[%mul3A_231] : memref<1600000xf32, #tpu.memory_space<hbm>> -> memref<1280xf32, #tpu.memory_space<hbm>>
          tpu.enqueue_dma source(%dma_start3A_233 : memref<1280xf32, #tpu.memory_space<hbm>>) target(%arg10 : memref<1280xf32, #tpu.memory_space<vmem>>) target_semaphore(%arg27 : memref<!tpu.dma_semaphore, #tpu.memory_space<semaphore_mem>>)
          %dma_start3A_234 = tpu.memref_slice %arg4[%mul3A_231] : memref<1600000xf32, #tpu.memory_space<hbm>> -> memref<1280xf32, #tpu.memory_space<hbm>>
          %dma_start3A_235 = tpu.memref_slice %arg4[%mul3A_231] : memref<1600000xf32, #tpu.memory_space<hbm>> -> memref<1280xf32, #tpu.memory_space<hbm>>
          tpu.enqueue_dma source(%dma_start3A_235 : memref<1280xf32, #tpu.memory_space<hbm>>) target(%arg12 : memref<1280xf32, #tpu.memory_space<vmem>>) target_semaphore(%arg29 : memref<!tpu.dma_semaphore, #tpu.memory_space<semaphore_mem>>)
          %dma_start3A_236 = tpu.memref_slice %arg5[%mul3A_231] : memref<1600000xf32, #tpu.memory_space<hbm>> -> memref<1280xf32, #tpu.memory_space<hbm>>
          %dma_start3A_237 = tpu.memref_slice %arg5[%mul3A_231] : memref<1600000xf32, #tpu.memory_space<hbm>> -> memref<1280xf32, #tpu.memory_space<hbm>>
          tpu.enqueue_dma source(%dma_start3A_237 : memref<1280xf32, #tpu.memory_space<hbm>>) target(%arg14 : memref<1280xf32, #tpu.memory_space<vmem>>) target_semaphore(%arg29 : memref<!tpu.dma_semaphore, #tpu.memory_space<semaphore_mem>>)
          %dma_start3A_238 = tpu.memref_slice %arg6[%mul3A_231] : memref<1600000xf32, #tpu.memory_space<hbm>> -> memref<1280xf32, #tpu.memory_space<hbm>>
          %dma_start3A_239 = tpu.memref_slice %arg6[%mul3A_231] : memref<1600000xf32, #tpu.memory_space<hbm>> -> memref<1280xf32, #tpu.memory_space<hbm>>
          tpu.enqueue_dma source(%dma_start3A_239 : memref<1280xf32, #tpu.memory_space<hbm>>) target(%arg16 : memref<1280xf32, #tpu.memory_space<vmem>>) target_semaphore(%arg29 : memref<!tpu.dma_semaphore, #tpu.memory_space<semaphore_mem>>)
        } else {
        }
        scf.yield %cond3A_163#0, %cond3A_163#1 : i32, i32
      } else {
        scf.yield %scan3A_141, %scan3A_142 : i32, i32
      }
      %add3A_150 = arith.constant 1 : i32
      %add3A_151 = arith.addi %mul3A_144, %add3A_150 : i32
      %lt3A_152 = arith.cmpi slt, %add3A_151, %add3A_4 : i32
      %convert_element_type3A_153 = arith.extui %lt3A_152 : i1 to i32
      %cond3A_154 = arith.constant 0 : i32
      %cond3A_155 = arith.cmpi ne, %convert_element_type3A_153, %cond3A_154 : i32
      %cond3A_156:2 = scf.if %cond3A_155 -> (i32, i32) {
        %add3A_157 = arith.constant 1 : i32
        %add3A_158 = arith.addi %mul3A_144, %add3A_157 : i32
        %add3A_159 = arith.constant 1 : i32
        %add3A_160 = arith.addi %add3A_158, %add3A_159 : i32
        %lt3A_161 = arith.cmpi slt, %add3A_160, %add3A_4 : i32
        %convert_element_type3A_162 = arith.extui %lt3A_161 : i1 to i32
        %cond3A_163 = arith.constant 0 : i32
        %cond3A_164 = arith.cmpi ne, %convert_element_type3A_162, %cond3A_163 : i32
        %cond3A_165:2 = scf.if %cond3A_164 -> (i32, i32) {
          %add3A_227 = arith.constant 1 : i32
          %add3A_228 = arith.addi %add3A_158, %add3A_227 : i32
          %mul3A_229 = arith.constant 32 : i32
          %mul3A_230 = arith.muli %add3A_228, %mul3A_229 : i32
          %add3A_231 = arith.addi %add3A, %mul3A_230 : i32
          %mul3A_232 = arith.constant 1280 : i32
          %mul3A_233 = arith.muli %add3A_231, %mul3A_232 : i32
          %dma_wait3A_234 = tpu.memref_slice %arg2[%mul3A_233] : memref<1600000xf32, #tpu.memory_space<hbm>> -> memref<1280xf32, #tpu.memory_space<hbm>>
          %dma_wait3A_235 = tpu.memref_slice %arg2[%mul3A_233] : memref<1600000xf32, #tpu.memory_space<hbm>> -> memref<1280xf32, #tpu.memory_space<hbm>>
          tpu.wait_dma2 semaphore(%arg27 : memref<!tpu.dma_semaphore, #tpu.memory_space<semaphore_mem>>) src(%dma_wait3A_235 : memref<1280xf32, #tpu.memory_space<hbm>>) dst(%arg10 : memref<1280xf32, #tpu.memory_space<vmem>>)
          %add3A_236 = arith.constant 1 : i32
          %add3A_237 = arith.addi %add3A_158, %add3A_236 : i32
          %get3A_238 = arith.constant 0 : index
          %get3A_239 = tpu.vector_load %arg26[%get3A_238] {strides = array<i32>} : memref<16xi32, #tpu.memory_space<vmem>>, vector<16xi32>,
          %broadcast_in_dim3A_240 = arith.constant 19 : i32
          %broadcast_in_dim3A_241 = vector.broadcast %broadcast_in_dim3A_240 : i32 to vector<16xi32>
          %broadcast_in_dim3A_242 = arith.constant 0 : i32
          %broadcast_in_dim3A_243 = vector.broadcast %broadcast_in_dim3A_242 : i32 to vector<16xi32>
          %scan3A_244 = arith.constant 0 : i32
          %scan3A_245 = arith.constant 20 : i32
          %scan3A_246 = arith.addi %scan3A_244, %scan3A_245 : i32
          %scan3A_247 = arith.constant 1 : i32
          %scan3A_248:2 = scf.for %scan3A_345 = %scan3A_244 to %scan3A_246 step %scan3A_247 iter_args(%scan3A_346 = %broadcast_in_dim3A_241, %scan3A_347 = %broadcast_in_dim3A_243) -> (vector<16xi32>, vector<16xi32>)  : i32 {
            %mul3A_348 = arith.constant 64 : i32
            %mul3A_349 = arith.muli %scan3A_345, %mul3A_348 : i32
            %add3A_350 = arith.constant 0 : i32
            %add3A_351 = arith.addi %mul3A_349, %add3A_350 : i32
            %get3A_352 = arith.index_cast %add3A_351 : i32 to index
            %get3A_353 = tpu.vector_load %arg10[%get3A_352] {strides = array<i32>} : memref<1280xf32, #tpu.memory_space<vmem>>, vector<16xf32>,
            %add3A_354 = arith.constant 0x4B400000 : f32
            %add3A_355 = vector.broadcast %add3A_354 : f32 to vector<16xf32>
            %add3A_356 = arith.addf %get3A_353, %add3A_355 : vector<16xf32>
            %sub3A_357 = arith.constant 0x4B400000 : f32
            %sub3A_358 = vector.broadcast %sub3A_357 : f32 to vector<16xf32>
            %sub3A_359 = arith.subf %add3A_356, %sub3A_358 : vector<16xf32>
            %max3A = arith.constant 1.000000e+00 : f32
            %max3A_360 = vector.broadcast %max3A : f32 to vector<16xf32>
            %max3A_361 = arith.maximumf %sub3A_359, %max3A_360 : vector<16xf32>
            %min3A = arith.constant 1.900000e+01 : f32
            %min3A_362 = vector.broadcast %min3A : f32 to vector<16xf32>
            %min3A_363 = arith.minimumf %max3A_361, %min3A_362 : vector<16xf32>
            %convert_element_type3A_364 = arith.fptosi %min3A_363 : vector<16xf32> to vector<16xi32>
            %sub3A_365 = arith.subi %get3A_239, %convert_element_type3A_364 : vector<16xi32>
            %lt3A_366 = arith.constant 0 : i32
            %lt3A_367 = vector.broadcast %lt3A_366 : i32 to vector<16xi32>
            %lt3A_368 = arith.cmpi slt, %sub3A_365, %lt3A_367 : vector<16xi32>
            %add3A_369 = arith.constant 20 : i32
            %add3A_370 = vector.broadcast %add3A_369 : i32 to vector<16xi32>
            %add3A_371 = arith.addi %sub3A_365, %add3A_370 : vector<16xi32>
            %select_n3A_372 = arith.select %lt3A_368, %add3A_371, %sub3A_365 : vector<16xi1>, vector<16xi32>
            %swap3A = arith.index_cast %add3A_351 : i32 to index
            %swap3A_373 = tpu.vector_load %arg22[%swap3A] {strides = array<i32>} : memref<1280xi32, #tpu.memory_space<vmem>>, vector<16xi32>,
            tpu.vector_store %arg22[%swap3A], %select_n3A_372 {strides = array<i32>} : memref<1280xi32, #tpu.memory_space<vmem>>, vector<16xi32>,
            %min3A_374 = arith.minsi %scan3A_346, %select_n3A_372 : vector<16xi32>
            %max3A_375 = arith.maxsi %scan3A_347, %select_n3A_372 : vector<16xi32>
            %mul3A_376 = arith.constant 64 : i32
            %mul3A_377 = arith.muli %scan3A_345, %mul3A_376 : i32
            %add3A_378 = arith.constant 16 : i32
            %add3A_379 = arith.addi %mul3A_377, %add3A_378 : i32
            %get3A_380 = arith.index_cast %add3A_379 : i32 to index
            %get3A_381 = tpu.vector_load %arg10[%get3A_380] {strides = array<i32>} : memref<1280xf32, #tpu.memory_space<vmem>>, vector<16xf32>,
            %add3A_382 = arith.constant 0x4B400000 : f32
            %add3A_383 = vector.broadcast %add3A_382 : f32 to vector<16xf32>
            %add3A_384 = arith.addf %get3A_381, %add3A_383 : vector<16xf32>
            %sub3A_385 = arith.constant 0x4B400000 : f32
            %sub3A_386 = vector.broadcast %sub3A_385 : f32 to vector<16xf32>
            %sub3A_387 = arith.subf %add3A_384, %sub3A_386 : vector<16xf32>
            %max3A_388 = arith.constant 1.000000e+00 : f32
            %max3A_389 = vector.broadcast %max3A_388 : f32 to vector<16xf32>
            %max3A_390 = arith.maximumf %sub3A_387, %max3A_389 : vector<16xf32>
            %min3A_391 = arith.constant 1.900000e+01 : f32
            %min3A_392 = vector.broadcast %min3A_391 : f32 to vector<16xf32>
            %min3A_393 = arith.minimumf %max3A_390, %min3A_392 : vector<16xf32>
            %convert_element_type3A_394 = arith.fptosi %min3A_393 : vector<16xf32> to vector<16xi32>
            %sub3A_395 = arith.subi %get3A_239, %convert_element_type3A_394 : vector<16xi32>
            %lt3A_396 = arith.constant 0 : i32
            %lt3A_397 = vector.broadcast %lt3A_396 : i32 to vector<16xi32>
            %lt3A_398 = arith.cmpi slt, %sub3A_395, %lt3A_397 : vector<16xi32>
            %add3A_399 = arith.constant 20 : i32
            %add3A_400 = vector.broadcast %add3A_399 : i32 to vector<16xi32>
            %add3A_401 = arith.addi %sub3A_395, %add3A_400 : vector<16xi32>
            %select_n3A_402 = arith.select %lt3A_398, %add3A_401, %sub3A_395 : vector<16xi1>, vector<16xi32>
            %swap3A_403 = arith.index_cast %add3A_379 : i32 to index
            %swap3A_404 = tpu.vector_load %arg22[%swap3A_403] {strides = array<i32>} : memref<1280xi32, #tpu.memory_space<vmem>>, vector<16xi32>,
            tpu.vector_store %arg22[%swap3A_403], %select_n3A_402 {strides = array<i32>} : memref<1280xi32, #tpu.memory_space<vmem>>, vector<16xi32>,
            %min3A_405 = arith.minsi %min3A_374, %select_n3A_402 : vector<16xi32>
            %max3A_406 = arith.maxsi %max3A_375, %select_n3A_402 : vector<16xi32>
            %mul3A_407 = arith.constant 64 : i32
            %mul3A_408 = arith.muli %scan3A_345, %mul3A_407 : i32
            %add3A_409 = arith.constant 32 : i32
            %add3A_410 = arith.addi %mul3A_408, %add3A_409 : i32
            %get3A_411 = arith.index_cast %add3A_410 : i32 to index
            %get3A_412 = tpu.vector_load %arg10[%get3A_411] {strides = array<i32>} : memref<1280xf32, #tpu.memory_space<vmem>>, vector<16xf32>,
            %add3A_413 = arith.constant 0x4B400000 : f32
            %add3A_414 = vector.broadcast %add3A_413 : f32 to vector<16xf32>
            %add3A_415 = arith.addf %get3A_412, %add3A_414 : vector<16xf32>
            %sub3A_416 = arith.constant 0x4B400000 : f32
            %sub3A_417 = vector.broadcast %sub3A_416 : f32 to vector<16xf32>
            %sub3A_418 = arith.subf %add3A_415, %sub3A_417 : vector<16xf32>
            %max3A_419 = arith.constant 1.000000e+00 : f32
            %max3A_420 = vector.broadcast %max3A_419 : f32 to vector<16xf32>
            %max3A_421 = arith.maximumf %sub3A_418, %max3A_420 : vector<16xf32>
            %min3A_422 = arith.constant 1.900000e+01 : f32
            %min3A_423 = vector.broadcast %min3A_422 : f32 to vector<16xf32>
            %min3A_424 = arith.minimumf %max3A_421, %min3A_423 : vector<16xf32>
            %convert_element_type3A_425 = arith.fptosi %min3A_424 : vector<16xf32> to vector<16xi32>
            %sub3A_426 = arith.subi %get3A_239, %convert_element_type3A_425 : vector<16xi32>
            %lt3A_427 = arith.constant 0 : i32
            %lt3A_428 = vector.broadcast %lt3A_427 : i32 to vector<16xi32>
            %lt3A_429 = arith.cmpi slt, %sub3A_426, %lt3A_428 : vector<16xi32>
            %add3A_430 = arith.constant 20 : i32
            %add3A_431 = vector.broadcast %add3A_430 : i32 to vector<16xi32>
            %add3A_432 = arith.addi %sub3A_426, %add3A_431 : vector<16xi32>
            %select_n3A_433 = arith.select %lt3A_429, %add3A_432, %sub3A_426 : vector<16xi1>, vector<16xi32>
            %swap3A_434 = arith.index_cast %add3A_410 : i32 to index
            %swap3A_435 = tpu.vector_load %arg22[%swap3A_434] {strides = array<i32>} : memref<1280xi32, #tpu.memory_space<vmem>>, vector<16xi32>,
            tpu.vector_store %arg22[%swap3A_434], %select_n3A_433 {strides = array<i32>} : memref<1280xi32, #tpu.memory_space<vmem>>, vector<16xi32>,
            %min3A_436 = arith.minsi %min3A_405, %select_n3A_433 : vector<16xi32>
            %max3A_437 = arith.maxsi %max3A_406, %select_n3A_433 : vector<16xi32>
            %mul3A_438 = arith.constant 64 : i32
            %mul3A_439 = arith.muli %scan3A_345, %mul3A_438 : i32
            %add3A_440 = arith.constant 48 : i32
            %add3A_441 = arith.addi %mul3A_439, %add3A_440 : i32
            %get3A_442 = arith.index_cast %add3A_441 : i32 to index
            %get3A_443 = tpu.vector_load %arg10[%get3A_442] {strides = array<i32>} : memref<1280xf32, #tpu.memory_space<vmem>>, vector<16xf32>,
            %add3A_444 = arith.constant 0x4B400000 : f32
            %add3A_445 = vector.broadcast %add3A_444 : f32 to vector<16xf32>
            %add3A_446 = arith.addf %get3A_443, %add3A_445 : vector<16xf32>
            %sub3A_447 = arith.constant 0x4B400000 : f32
            %sub3A_448 = vector.broadcast %sub3A_447 : f32 to vector<16xf32>
            %sub3A_449 = arith.subf %add3A_446, %sub3A_448 : vector<16xf32>
            %max3A_450 = arith.constant 1.000000e+00 : f32
            %max3A_451 = vector.broadcast %max3A_450 : f32 to vector<16xf32>
            %max3A_452 = arith.maximumf %sub3A_449, %max3A_451 : vector<16xf32>
            %min3A_453 = arith.constant 1.900000e+01 : f32
            %min3A_454 = vector.broadcast %min3A_453 : f32 to vector<16xf32>
            %min3A_455 = arith.minimumf %max3A_452, %min3A_454 : vector<16xf32>
            %convert_element_type3A_456 = arith.fptosi %min3A_455 : vector<16xf32> to vector<16xi32>
            %sub3A_457 = arith.subi %get3A_239, %convert_element_type3A_456 : vector<16xi32>
            %lt3A_458 = arith.constant 0 : i32
            %lt3A_459 = vector.broadcast %lt3A_458 : i32 to vector<16xi32>
            %lt3A_460 = arith.cmpi slt, %sub3A_457, %lt3A_459 : vector<16xi32>
            %add3A_461 = arith.constant 20 : i32
            %add3A_462 = vector.broadcast %add3A_461 : i32 to vector<16xi32>
            %add3A_463 = arith.addi %sub3A_457, %add3A_462 : vector<16xi32>
            %select_n3A_464 = arith.select %lt3A_460, %add3A_463, %sub3A_457 : vector<16xi1>, vector<16xi32>
            %swap3A_465 = arith.index_cast %add3A_441 : i32 to index
            %swap3A_466 = tpu.vector_load %arg22[%swap3A_465] {strides = array<i32>} : memref<1280xi32, #tpu.memory_space<vmem>>, vector<16xi32>,
            tpu.vector_store %arg22[%swap3A_465], %select_n3A_464 {strides = array<i32>} : memref<1280xi32, #tpu.memory_space<vmem>>, vector<16xi32>,
            %min3A_467 = arith.minsi %min3A_436, %select_n3A_464 : vector<16xi32>
            %max3A_468 = arith.maxsi %max3A_437, %select_n3A_464 : vector<16xi32>
            scf.yield %min3A_467, %max3A_468 : vector<16xi32>, vector<16xi32>
          }
          %scan3A_249 = arith.constant 20 : i32
          %reduce_min3A_250 = arith.constant true
          %reduce_min3A_251 = vector.broadcast %reduce_min3A_250 : i1 to vector<16xi1>
          %reduce_min3A_252 = arith.constant -2147483648 : i32
          %reduce_min3A_253 = vector.broadcast %reduce_min3A_252 : i32 to vector<16xi32>
          %reduce_min3A_254 = arith.xori %scan3A_248#0, %reduce_min3A_253 : vector<16xi32>
          %reduce_min3A_255 = tpu.scan <min>, %reduce_min3A_254 masked %reduce_min3A_251 : vector<16xi32>, vector<16xi1> -> vector<16xi32>
          %reduce_min3A_256 = arith.xori %reduce_min3A_255, %reduce_min3A_253 : vector<16xi32>
          %reduce_min3A_257 = vector.extract %reduce_min3A_256[15] : i32 from vector<16xi32>
          %jit3A_258 = arith.constant 8 : i32
          %div3A_259 = arith.divsi %reduce_min3A_257, %jit3A_258 : i32
          %sign3A_260 = arith.constant 0 : i32
          %sign3A_261 = arith.cmpi sgt, %reduce_min3A_257, %sign3A_260 : i32
          %sign3A_262 = arith.extui %sign3A_261 : i1 to i32
          %sign3A_263 = arith.constant 0 : i32
          %sign3A_264 = arith.cmpi slt, %reduce_min3A_257, %sign3A_263 : i32
          %sign3A_265 = arith.extui %sign3A_264 : i1 to i32
          %sign3A_266 = arith.subi %sign3A_262, %sign3A_265 : i32
          %sign3A_267 = arith.constant 0 : i32
          %sign3A_268 = arith.cmpi sgt, %jit3A_258, %sign3A_267 : i32
          %sign3A_269 = arith.extui %sign3A_268 : i1 to i32
          %sign3A_270 = arith.constant 0 : i32
          %sign3A_271 = arith.cmpi slt, %jit3A_258, %sign3A_270 : i32
          %sign3A_272 = arith.extui %sign3A_271 : i1 to i32
          %sign3A_273 = arith.subi %sign3A_269, %sign3A_272 : i32
          %ne3A_274 = arith.cmpi ne, %sign3A_266, %sign3A_273 : i32
          %rem3A_275 = arith.remsi %reduce_min3A_257, %jit3A_258 : i32
          %ne3A_276 = arith.constant 0 : i32
          %ne3A_277 = arith.cmpi ne, %rem3A_275, %ne3A_276 : i32
          %and3A_278 = arith.andi %ne3A_274, %ne3A_277 : i1
          %sub3A_279 = arith.constant 1 : i32
          %sub3A_280 = arith.subi %div3A_259, %sub3A_279 : i32
          %select_n3A_281 = arith.select %and3A_278, %sub3A_280, %div3A_259 : i32
          %reduce_max3A_282 = arith.constant true
          %reduce_max3A_283 = vector.broadcast %reduce_max3A_282 : i1 to vector<16xi1>
          %reduce_max3A_284 = arith.constant -2147483648 : i32
          %reduce_max3A_285 = vector.broadcast %reduce_max3A_284 : i32 to vector<16xi32>
          %reduce_max3A_286 = arith.xori %scan3A_248#1, %reduce_max3A_285 : vector<16xi32>
          %reduce_max3A_287 = tpu.scan <max>, %reduce_max3A_286 masked %reduce_max3A_283 : vector<16xi32>, vector<16xi1> -> vector<16xi32>
          %reduce_max3A_288 = arith.xori %reduce_max3A_287, %reduce_max3A_285 : vector<16xi32>
          %reduce_max3A_289 = vector.extract %reduce_max3A_288[15] : i32 from vector<16xi32>
          %jit3A_290 = arith.constant 8 : i32
          %div3A_291 = arith.divsi %reduce_max3A_289, %jit3A_290 : i32
          %sign3A_292 = arith.constant 0 : i32
          %sign3A_293 = arith.cmpi sgt, %reduce_max3A_289, %sign3A_292 : i32
          %sign3A_294 = arith.extui %sign3A_293 : i1 to i32
          %sign3A_295 = arith.constant 0 : i32
          %sign3A_296 = arith.cmpi slt, %reduce_max3A_289, %sign3A_295 : i32
          %sign3A_297 = arith.extui %sign3A_296 : i1 to i32
          %sign3A_298 = arith.subi %sign3A_294, %sign3A_297 : i32
          %sign3A_299 = arith.constant 0 : i32
          %sign3A_300 = arith.cmpi sgt, %jit3A_290, %sign3A_299 : i32
          %sign3A_301 = arith.extui %sign3A_300 : i1 to i32
          %sign3A_302 = arith.constant 0 : i32
          %sign3A_303 = arith.cmpi slt, %jit3A_290, %sign3A_302 : i32
          %sign3A_304 = arith.extui %sign3A_303 : i1 to i32
          %sign3A_305 = arith.subi %sign3A_301, %sign3A_304 : i32
          %ne3A_306 = arith.cmpi ne, %sign3A_298, %sign3A_305 : i32
          %rem3A_307 = arith.remsi %reduce_max3A_289, %jit3A_290 : i32
          %ne3A_308 = arith.constant 0 : i32
          %ne3A_309 = arith.cmpi ne, %rem3A_307, %ne3A_308 : i32
          %and3A_310 = arith.andi %ne3A_306, %ne3A_309 : i1
          %sub3A_311 = arith.constant 1 : i32
          %sub3A_312 = arith.subi %div3A_291, %sub3A_311 : i32
          %select_n3A_313 = arith.select %and3A_310, %sub3A_312, %div3A_291 : i32
          %add3A_314 = arith.constant 1 : i32
          %add3A_315 = arith.addi %add3A_158, %add3A_314 : i32
          %mul3A_316 = arith.constant 32 : i32
          %mul3A_317 = arith.muli %add3A_315, %mul3A_316 : i32
          %add3A_318 = arith.addi %add3A, %mul3A_317 : i32
          %mul3A_319 = arith.constant 1280 : i32
          %mul3A_320 = arith.muli %add3A_318, %mul3A_319 : i32
          %le3A_321 = arith.constant 0 : i32
          %le3A_322 = arith.cmpi sle, %select_n3A_281, %le3A_321 : i32
          %ge3A_323 = arith.constant 0 : i32
          %ge3A_324 = arith.cmpi sge, %select_n3A_313, %ge3A_323 : i32
          %and3A_325 = arith.andi %le3A_322, %ge3A_324 : i1
          %convert_element_type3A_326 = arith.extui %and3A_325 : i1 to i32
          %cond3A_327 = arith.constant 0 : i32
          %cond3A_328 = arith.cmpi ne, %convert_element_type3A_326, %cond3A_327 : i32
          scf.if %cond3A_328 {
            %dma_start3A_345 = arith.constant 0 : i32
            %dma_start3A_346 = arith.constant 0 : i32
            %dma_start3A_347 = tpu.memref_slice %arg24[%dma_start3A_345, %dma_start3A_346] : memref<20x1280xf32, #tpu.memory_space<vmem>> -> memref<8x1280xf32, #tpu.memory_space<vmem>>
            %dma_start3A_348 = arith.constant 0 : i32
            %dma_start3A_349 = tpu.memref_slice %arg3[%dma_start3A_348, %mul3A_320] : memref<20x1600000xf32, #tpu.memory_space<hbm>> -> memref<8x1280xf32, #tpu.memory_space<hbm>>
            %dma_start3A_350 = arith.constant 0 : i32
            %dma_start3A_351 = arith.constant 0 : i32
            %dma_start3A_352 = tpu.memref_slice %arg24[%dma_start3A_350, %dma_start3A_351] : memref<20x1280xf32, #tpu.memory_space<vmem>> -> memref<8x1280xf32, #tpu.memory_space<vmem>>
            %dma_start3A_353 = arith.constant 0 : i32
            %dma_start3A_354 = tpu.memref_slice %arg3[%dma_start3A_353, %mul3A_320] : memref<20x1600000xf32, #tpu.memory_space<hbm>> -> memref<8x1280xf32, #tpu.memory_space<hbm>>
            tpu.enqueue_dma source(%dma_start3A_354 : memref<8x1280xf32, #tpu.memory_space<hbm>>) target(%dma_start3A_352 : memref<8x1280xf32, #tpu.memory_space<vmem>>) target_semaphore(%arg31 : memref<!tpu.dma_semaphore, #tpu.memory_space<semaphore_mem>>)
          } else {
          }
          %le3A_329 = arith.constant 1 : i32
          %le3A_330 = arith.cmpi sle, %select_n3A_281, %le3A_329 : i32
          %ge3A_331 = arith.constant 1 : i32
          %ge3A_332 = arith.cmpi sge, %select_n3A_313, %ge3A_331 : i32
          %and3A_333 = arith.andi %le3A_330, %ge3A_332 : i1
          %convert_element_type3A_334 = arith.extui %and3A_333 : i1 to i32
          %cond3A_335 = arith.constant 0 : i32
          %cond3A_336 = arith.cmpi ne, %convert_element_type3A_334, %cond3A_335 : i32
          scf.if %cond3A_336 {
            %dma_start3A_345 = arith.constant 8 : i32
            %dma_start3A_346 = arith.constant 0 : i32
            %dma_start3A_347 = tpu.memref_slice %arg24[%dma_start3A_345, %dma_start3A_346] : memref<20x1280xf32, #tpu.memory_space<vmem>> -> memref<8x1280xf32, #tpu.memory_space<vmem>>
            %dma_start3A_348 = arith.constant 8 : i32
            %dma_start3A_349 = tpu.memref_slice %arg3[%dma_start3A_348, %mul3A_320] : memref<20x1600000xf32, #tpu.memory_space<hbm>> -> memref<8x1280xf32, #tpu.memory_space<hbm>>
            %dma_start3A_350 = arith.constant 8 : i32
            %dma_start3A_351 = arith.constant 0 : i32
            %dma_start3A_352 = tpu.memref_slice %arg24[%dma_start3A_350, %dma_start3A_351] : memref<20x1280xf32, #tpu.memory_space<vmem>> -> memref<8x1280xf32, #tpu.memory_space<vmem>>
            %dma_start3A_353 = arith.constant 8 : i32
            %dma_start3A_354 = tpu.memref_slice %arg3[%dma_start3A_353, %mul3A_320] : memref<20x1600000xf32, #tpu.memory_space<hbm>> -> memref<8x1280xf32, #tpu.memory_space<hbm>>
            tpu.enqueue_dma source(%dma_start3A_354 : memref<8x1280xf32, #tpu.memory_space<hbm>>) target(%dma_start3A_352 : memref<8x1280xf32, #tpu.memory_space<vmem>>) target_semaphore(%arg31 : memref<!tpu.dma_semaphore, #tpu.memory_space<semaphore_mem>>)
          } else {
          }
          %le3A_337 = arith.constant 2 : i32
          %le3A_338 = arith.cmpi sle, %select_n3A_281, %le3A_337 : i32
          %ge3A_339 = arith.constant 2 : i32
          %ge3A_340 = arith.cmpi sge, %select_n3A_313, %ge3A_339 : i32
          %and3A_341 = arith.andi %le3A_338, %ge3A_340 : i1
          %convert_element_type3A_342 = arith.extui %and3A_341 : i1 to i32
          %cond3A_343 = arith.constant 0 : i32
          %cond3A_344 = arith.cmpi ne, %convert_element_type3A_342, %cond3A_343 : i32
          scf.if %cond3A_344 {
            %dma_start3A_345 = arith.constant 16 : i32
            %dma_start3A_346 = arith.constant 0 : i32
            %dma_start3A_347 = tpu.memref_slice %arg24[%dma_start3A_345, %dma_start3A_346] : memref<20x1280xf32, #tpu.memory_space<vmem>> -> memref<4x1280xf32, #tpu.memory_space<vmem>>
            %dma_start3A_348 = arith.constant 16 : i32
            %dma_start3A_349 = tpu.memref_slice %arg3[%dma_start3A_348, %mul3A_320] : memref<20x1600000xf32, #tpu.memory_space<hbm>> -> memref<4x1280xf32, #tpu.memory_space<hbm>>
            %dma_start3A_350 = arith.constant 16 : i32
            %dma_start3A_351 = arith.constant 0 : i32
            %dma_start3A_352 = tpu.memref_slice %arg24[%dma_start3A_350, %dma_start3A_351] : memref<20x1280xf32, #tpu.memory_space<vmem>> -> memref<4x1280xf32, #tpu.memory_space<vmem>>
            %dma_start3A_353 = arith.constant 16 : i32
            %dma_start3A_354 = tpu.memref_slice %arg3[%dma_start3A_353, %mul3A_320] : memref<20x1600000xf32, #tpu.memory_space<hbm>> -> memref<4x1280xf32, #tpu.memory_space<hbm>>
            tpu.enqueue_dma source(%dma_start3A_354 : memref<4x1280xf32, #tpu.memory_space<hbm>>) target(%dma_start3A_352 : memref<4x1280xf32, #tpu.memory_space<vmem>>) target_semaphore(%arg31 : memref<!tpu.dma_semaphore, #tpu.memory_space<semaphore_mem>>)
          } else {
          }
          scf.yield %select_n3A_281, %select_n3A_313 : i32, i32
        } else {
          %cond3A_227 = arith.constant 0 : i32
          %cond3A_228 = arith.constant 2 : i32
          scf.yield %cond3A_227, %cond3A_228 : i32, i32
        }
        %gt3A = arith.constant 0 : i32
        %gt3A_166 = arith.cmpi sgt, %add3A_158, %gt3A : i32
        %convert_element_type3A_167 = arith.extui %gt3A_166 : i1 to i32
        %cond3A_168 = arith.constant 0 : i32
        %cond3A_169 = arith.cmpi ne, %convert_element_type3A_167, %cond3A_168 : i32
        scf.if %cond3A_169 {
          %mul3A_227 = arith.constant 32 : i32
          %mul3A_228 = arith.muli %add3A_158, %mul3A_227 : i32
          %add3A_229 = arith.addi %add3A, %mul3A_228 : i32
          %mul3A_230 = arith.constant 1280 : i32
          %mul3A_231 = arith.muli %add3A_229, %mul3A_230 : i32
          %dma_wait3A_232 = tpu.memref_slice %arg8[%mul3A_231] : memref<1600000xf32, #tpu.memory_space<hbm>> -> memref<1280xf32, #tpu.memory_space<hbm>>
          %dma_wait3A_233 = tpu.memref_slice %arg8[%mul3A_231] : memref<1600000xf32, #tpu.memory_space<hbm>> -> memref<1280xf32, #tpu.memory_space<hbm>>
          tpu.wait_dma2 semaphore(%arg33 : memref<!tpu.dma_semaphore, #tpu.memory_space<semaphore_mem>>) src(%arg18 : memref<1280xf32, #tpu.memory_space<vmem>>) dst(%dma_wait3A_233 : memref<1280xf32, #tpu.memory_space<hbm>>)
          %dma_wait3A_234 = tpu.memref_slice %arg9[%mul3A_231] : memref<1600000xf32, #tpu.memory_space<hbm>> -> memref<1280xf32, #tpu.memory_space<hbm>>
          %dma_wait3A_235 = tpu.memref_slice %arg9[%mul3A_231] : memref<1600000xf32, #tpu.memory_space<hbm>> -> memref<1280xf32, #tpu.memory_space<hbm>>
          tpu.wait_dma2 semaphore(%arg33 : memref<!tpu.dma_semaphore, #tpu.memory_space<semaphore_mem>>) src(%arg20 : memref<1280xf32, #tpu.memory_space<vmem>>) dst(%dma_wait3A_235 : memref<1280xf32, #tpu.memory_space<hbm>>)
        } else {
        }
        %mul3A_170 = arith.constant 32 : i32
        %mul3A_171 = arith.muli %add3A_158, %mul3A_170 : i32
        %add3A_172 = arith.addi %add3A, %mul3A_171 : i32
        %mul3A_173 = arith.constant 1280 : i32
        %mul3A_174 = arith.muli %add3A_172, %mul3A_173 : i32
        %le3A_175 = arith.constant 0 : i32
        %le3A_176 = arith.cmpi sle, %cond3A_149#0, %le3A_175 : i32
        %ge3A_177 = arith.constant 0 : i32
        %ge3A_178 = arith.cmpi sge, %cond3A_149#1, %ge3A_177 : i32
        %and3A_179 = arith.andi %le3A_176, %ge3A_178 : i1
        %convert_element_type3A_180 = arith.extui %and3A_179 : i1 to i32
        %cond3A_181 = arith.constant 0 : i32
        %cond3A_182 = arith.cmpi ne, %convert_element_type3A_180, %cond3A_181 : i32
        scf.if %cond3A_182 {
          %dma_wait3A_227 = arith.constant 0 : i32
          %dma_wait3A_228 = arith.constant 0 : i32
          %dma_wait3A_229 = tpu.memref_slice %arg25[%dma_wait3A_227, %dma_wait3A_228] : memref<20x1280xf32, #tpu.memory_space<vmem>> -> memref<8x1280xf32, #tpu.memory_space<vmem>>
          %dma_wait3A_230 = arith.constant 0 : i32
          %dma_wait3A_231 = tpu.memref_slice %arg3[%dma_wait3A_230, %mul3A_174] : memref<20x1600000xf32, #tpu.memory_space<hbm>> -> memref<8x1280xf32, #tpu.memory_space<hbm>>
          %dma_wait3A_232 = arith.constant 0 : i32
          %dma_wait3A_233 = arith.constant 0 : i32
          %dma_wait3A_234 = tpu.memref_slice %arg25[%dma_wait3A_232, %dma_wait3A_233] : memref<20x1280xf32, #tpu.memory_space<vmem>> -> memref<8x1280xf32, #tpu.memory_space<vmem>>
          %dma_wait3A_235 = arith.constant 0 : i32
          %dma_wait3A_236 = tpu.memref_slice %arg3[%dma_wait3A_235, %mul3A_174] : memref<20x1600000xf32, #tpu.memory_space<hbm>> -> memref<8x1280xf32, #tpu.memory_space<hbm>>
          tpu.wait_dma2 semaphore(%arg32 : memref<!tpu.dma_semaphore, #tpu.memory_space<semaphore_mem>>) src(%dma_wait3A_236 : memref<8x1280xf32, #tpu.memory_space<hbm>>) dst(%dma_wait3A_234 : memref<8x1280xf32, #tpu.memory_space<vmem>>)
        } else {
        }
        %le3A_183 = arith.constant 1 : i32
        %le3A_184 = arith.cmpi sle, %cond3A_149#0, %le3A_183 : i32
        %ge3A_185 = arith.constant 1 : i32
        %ge3A_186 = arith.cmpi sge, %cond3A_149#1, %ge3A_185 : i32
        %and3A_187 = arith.andi %le3A_184, %ge3A_186 : i1
        %convert_element_type3A_188 = arith.extui %and3A_187 : i1 to i32
        %cond3A_189 = arith.constant 0 : i32
        %cond3A_190 = arith.cmpi ne, %convert_element_type3A_188, %cond3A_189 : i32
        scf.if %cond3A_190 {
          %dma_wait3A_227 = arith.constant 8 : i32
          %dma_wait3A_228 = arith.constant 0 : i32
          %dma_wait3A_229 = tpu.memref_slice %arg25[%dma_wait3A_227, %dma_wait3A_228] : memref<20x1280xf32, #tpu.memory_space<vmem>> -> memref<8x1280xf32, #tpu.memory_space<vmem>>
          %dma_wait3A_230 = arith.constant 8 : i32
          %dma_wait3A_231 = tpu.memref_slice %arg3[%dma_wait3A_230, %mul3A_174] : memref<20x1600000xf32, #tpu.memory_space<hbm>> -> memref<8x1280xf32, #tpu.memory_space<hbm>>
          %dma_wait3A_232 = arith.constant 8 : i32
          %dma_wait3A_233 = arith.constant 0 : i32
          %dma_wait3A_234 = tpu.memref_slice %arg25[%dma_wait3A_232, %dma_wait3A_233] : memref<20x1280xf32, #tpu.memory_space<vmem>> -> memref<8x1280xf32, #tpu.memory_space<vmem>>
          %dma_wait3A_235 = arith.constant 8 : i32
          %dma_wait3A_236 = tpu.memref_slice %arg3[%dma_wait3A_235, %mul3A_174] : memref<20x1600000xf32, #tpu.memory_space<hbm>> -> memref<8x1280xf32, #tpu.memory_space<hbm>>
          tpu.wait_dma2 semaphore(%arg32 : memref<!tpu.dma_semaphore, #tpu.memory_space<semaphore_mem>>) src(%dma_wait3A_236 : memref<8x1280xf32, #tpu.memory_space<hbm>>) dst(%dma_wait3A_234 : memref<8x1280xf32, #tpu.memory_space<vmem>>)
        } else {
        }
        %le3A_191 = arith.constant 2 : i32
        %le3A_192 = arith.cmpi sle, %cond3A_149#0, %le3A_191 : i32
        %ge3A_193 = arith.constant 2 : i32
        %ge3A_194 = arith.cmpi sge, %cond3A_149#1, %ge3A_193 : i32
        %and3A_195 = arith.andi %le3A_192, %ge3A_194 : i1
        %convert_element_type3A_196 = arith.extui %and3A_195 : i1 to i32
        %cond3A_197 = arith.constant 0 : i32
        %cond3A_198 = arith.cmpi ne, %convert_element_type3A_196, %cond3A_197 : i32
        scf.if %cond3A_198 {
          %dma_wait3A_227 = arith.constant 16 : i32
          %dma_wait3A_228 = arith.constant 0 : i32
          %dma_wait3A_229 = tpu.memref_slice %arg25[%dma_wait3A_227, %dma_wait3A_228] : memref<20x1280xf32, #tpu.memory_space<vmem>> -> memref<4x1280xf32, #tpu.memory_space<vmem>>
          %dma_wait3A_230 = arith.constant 16 : i32
          %dma_wait3A_231 = tpu.memref_slice %arg3[%dma_wait3A_230, %mul3A_174] : memref<20x1600000xf32, #tpu.memory_space<hbm>> -> memref<4x1280xf32, #tpu.memory_space<hbm>>
          %dma_wait3A_232 = arith.constant 16 : i32
          %dma_wait3A_233 = arith.constant 0 : i32
          %dma_wait3A_234 = tpu.memref_slice %arg25[%dma_wait3A_232, %dma_wait3A_233] : memref<20x1280xf32, #tpu.memory_space<vmem>> -> memref<4x1280xf32, #tpu.memory_space<vmem>>
          %dma_wait3A_235 = arith.constant 16 : i32
          %dma_wait3A_236 = tpu.memref_slice %arg3[%dma_wait3A_235, %mul3A_174] : memref<20x1600000xf32, #tpu.memory_space<hbm>> -> memref<4x1280xf32, #tpu.memory_space<hbm>>
          tpu.wait_dma2 semaphore(%arg32 : memref<!tpu.dma_semaphore, #tpu.memory_space<semaphore_mem>>) src(%dma_wait3A_236 : memref<4x1280xf32, #tpu.memory_space<hbm>>) dst(%dma_wait3A_234 : memref<4x1280xf32, #tpu.memory_space<vmem>>)
        } else {
        }
        %mul3A_199 = arith.constant 32 : i32
        %mul3A_200 = arith.muli %add3A_158, %mul3A_199 : i32
        %add3A_201 = arith.addi %add3A, %mul3A_200 : i32
        %mul3A_202 = arith.constant 1280 : i32
        %mul3A_203 = arith.muli %add3A_201, %mul3A_202 : i32
        %dma_wait3A_204 = tpu.memref_slice %arg6[%mul3A_203] : memref<1600000xf32, #tpu.memory_space<hbm>> -> memref<1280xf32, #tpu.memory_space<hbm>>
        %dma_wait3A_205 = tpu.memref_slice %arg6[%mul3A_203] : memref<1600000xf32, #tpu.memory_space<hbm>> -> memref<1280xf32, #tpu.memory_space<hbm>>
        tpu.wait_dma2 semaphore(%arg30 : memref<!tpu.dma_semaphore, #tpu.memory_space<semaphore_mem>>) src(%dma_wait3A_205 : memref<1280xf32, #tpu.memory_space<hbm>>) dst(%arg17 : memref<1280xf32, #tpu.memory_space<vmem>>)
        %dma_wait3A_206 = tpu.memref_slice %arg6[%mul3A_203] : memref<1600000xf32, #tpu.memory_space<hbm>> -> memref<1280xf32, #tpu.memory_space<hbm>>
        %dma_wait3A_207 = tpu.memref_slice %arg6[%mul3A_203] : memref<1600000xf32, #tpu.memory_space<hbm>> -> memref<1280xf32, #tpu.memory_space<hbm>>
        tpu.wait_dma2 semaphore(%arg30 : memref<!tpu.dma_semaphore, #tpu.memory_space<semaphore_mem>>) src(%dma_wait3A_207 : memref<1280xf32, #tpu.memory_space<hbm>>) dst(%arg17 : memref<1280xf32, #tpu.memory_space<vmem>>)
        %dma_wait3A_208 = tpu.memref_slice %arg6[%mul3A_203] : memref<1600000xf32, #tpu.memory_space<hbm>> -> memref<1280xf32, #tpu.memory_space<hbm>>
        %dma_wait3A_209 = tpu.memref_slice %arg6[%mul3A_203] : memref<1600000xf32, #tpu.memory_space<hbm>> -> memref<1280xf32, #tpu.memory_space<hbm>>
        tpu.wait_dma2 semaphore(%arg30 : memref<!tpu.dma_semaphore, #tpu.memory_space<semaphore_mem>>) src(%dma_wait3A_209 : memref<1280xf32, #tpu.memory_space<hbm>>) dst(%arg17 : memref<1280xf32, #tpu.memory_space<vmem>>)
        %scan3A_210 = arith.constant 0 : i32
        %scan3A_211 = arith.constant 0 : i32
        %scan3A_212 = arith.constant 20 : i32
        %scan3A_213 = arith.addi %scan3A_211, %scan3A_212 : i32
        %scan3A_214 = arith.constant 1 : i32
        %scan3A_215 = scf.for %scan3A_227 = %scan3A_211 to %scan3A_213 step %scan3A_214 iter_args(%scan3A_228 = %scan3A_210) -> (i32)  : i32 {
          %mul3A_229 = arith.constant 64 : i32
          %mul3A_230 = arith.muli %scan3A_227, %mul3A_229 : i32
          %add3A_231 = arith.constant 0 : i32
          %add3A_232 = arith.addi %mul3A_230, %add3A_231 : i32
          %get3A_233 = arith.index_cast %add3A_232 : i32 to index
          %get3A_234 = tpu.vector_load %arg23[%get3A_233] {strides = array<i32>} : memref<1280xi32, #tpu.memory_space<vmem>>, vector<16xi32>,
          %add3A_235 = vector.broadcast %add3A_232 : i32 to vector<16xi32>
          %add3A_236 = arith.addi %add3A_235, %iota3A : vector<16xi32>
          %gather3A = tpu.vector_load_idx %arg25[%get3A_234, %add3A_236] : memref<20x1280xf32, #tpu.memory_space<vmem>>[vector<16xi32>, vector<16xi32>], vector<16xf32>,
          %get3A_237 = arith.index_cast %add3A_232 : i32 to index
          %get3A_238 = tpu.vector_load %arg17[%get3A_237] {strides = array<i32>} : memref<1280xf32, #tpu.memory_space<vmem>>, vector<16xf32>,
          %get3A_239 = arith.index_cast %add3A_232 : i32 to index
          %get3A_240 = tpu.vector_load %arg13[%get3A_239] {strides = array<i32>} : memref<1280xf32, #tpu.memory_space<vmem>>, vector<16xf32>,
          %mul3A_241 = arith.constant 0.949999988 : f32
          %mul3A_242 = vector.broadcast %mul3A_241 : f32 to vector<16xf32>
          %mul3A_243 = arith.mulf %get3A_240, %mul3A_242 : vector<16xf32>
          %add3A_244 = arith.addf %mul3A_243, %gather3A : vector<16xf32>
          %get3A_245 = arith.index_cast %add3A_232 : i32 to index
          %get3A_246 = tpu.vector_load %arg15[%get3A_245] {strides = array<i32>} : memref<1280xf32, #tpu.memory_space<vmem>>, vector<16xf32>,
          %mul3A_247 = arith.constant 0.949999988 : f32
          %mul3A_248 = vector.broadcast %mul3A_247 : f32 to vector<16xf32>
          %mul3A_249 = arith.mulf %get3A_246, %mul3A_248 : vector<16xf32>
          %add3A_250 = arith.addf %mul3A_249, %get3A_238 : vector<16xf32>
          %swap3A = arith.index_cast %add3A_232 : i32 to index
          %swap3A_251 = tpu.vector_load %arg19[%swap3A] {strides = array<i32>} : memref<1280xf32, #tpu.memory_space<vmem>>, vector<16xf32>,
          tpu.vector_store %arg19[%swap3A], %gather3A {strides = array<i32>} : memref<1280xf32, #tpu.memory_space<vmem>>, vector<16xf32>,
          %mul3A_252 = arith.mulf %gather3A, %add3A_250 : vector<16xf32>
          %mul3A_253 = arith.mulf %get3A_238, %add3A_244 : vector<16xf32>
          %sub3A_254 = arith.subf %mul3A_252, %mul3A_253 : vector<16xf32>
          %swap3A_255 = arith.index_cast %add3A_232 : i32 to index
          %swap3A_256 = tpu.vector_load %arg21[%swap3A_255] {strides = array<i32>} : memref<1280xf32, #tpu.memory_space<vmem>>, vector<16xf32>,
          tpu.vector_store %arg21[%swap3A_255], %sub3A_254 {strides = array<i32>} : memref<1280xf32, #tpu.memory_space<vmem>>, vector<16xf32>,
          %mul3A_257 = arith.constant 64 : i32
          %mul3A_258 = arith.muli %scan3A_227, %mul3A_257 : i32
          %add3A_259 = arith.constant 16 : i32
          %add3A_260 = arith.addi %mul3A_258, %add3A_259 : i32
          %get3A_261 = arith.index_cast %add3A_260 : i32 to index
          %get3A_262 = tpu.vector_load %arg23[%get3A_261] {strides = array<i32>} : memref<1280xi32, #tpu.memory_space<vmem>>, vector<16xi32>,
          %add3A_263 = vector.broadcast %add3A_260 : i32 to vector<16xi32>
          %add3A_264 = arith.addi %add3A_263, %iota3A : vector<16xi32>
          %gather3A_265 = tpu.vector_load_idx %arg25[%get3A_262, %add3A_264] : memref<20x1280xf32, #tpu.memory_space<vmem>>[vector<16xi32>, vector<16xi32>], vector<16xf32>,
          %get3A_266 = arith.index_cast %add3A_260 : i32 to index
          %get3A_267 = tpu.vector_load %arg17[%get3A_266] {strides = array<i32>} : memref<1280xf32, #tpu.memory_space<vmem>>, vector<16xf32>,
          %get3A_268 = arith.index_cast %add3A_260 : i32 to index
          %get3A_269 = tpu.vector_load %arg13[%get3A_268] {strides = array<i32>} : memref<1280xf32, #tpu.memory_space<vmem>>, vector<16xf32>,
          %mul3A_270 = arith.constant 0.949999988 : f32
          %mul3A_271 = vector.broadcast %mul3A_270 : f32 to vector<16xf32>
          %mul3A_272 = arith.mulf %get3A_269, %mul3A_271 : vector<16xf32>
          %add3A_273 = arith.addf %mul3A_272, %gather3A_265 : vector<16xf32>
          %get3A_274 = arith.index_cast %add3A_260 : i32 to index
          %get3A_275 = tpu.vector_load %arg15[%get3A_274] {strides = array<i32>} : memref<1280xf32, #tpu.memory_space<vmem>>, vector<16xf32>,
          %mul3A_276 = arith.constant 0.949999988 : f32
          %mul3A_277 = vector.broadcast %mul3A_276 : f32 to vector<16xf32>
          %mul3A_278 = arith.mulf %get3A_275, %mul3A_277 : vector<16xf32>
          %add3A_279 = arith.addf %mul3A_278, %get3A_267 : vector<16xf32>
          %swap3A_280 = arith.index_cast %add3A_260 : i32 to index
          %swap3A_281 = tpu.vector_load %arg19[%swap3A_280] {strides = array<i32>} : memref<1280xf32, #tpu.memory_space<vmem>>, vector<16xf32>,
          tpu.vector_store %arg19[%swap3A_280], %gather3A_265 {strides = array<i32>} : memref<1280xf32, #tpu.memory_space<vmem>>, vector<16xf32>,
          %mul3A_282 = arith.mulf %gather3A_265, %add3A_279 : vector<16xf32>
          %mul3A_283 = arith.mulf %get3A_267, %add3A_273 : vector<16xf32>
          %sub3A_284 = arith.subf %mul3A_282, %mul3A_283 : vector<16xf32>
          %swap3A_285 = arith.index_cast %add3A_260 : i32 to index
          %swap3A_286 = tpu.vector_load %arg21[%swap3A_285] {strides = array<i32>} : memref<1280xf32, #tpu.memory_space<vmem>>, vector<16xf32>,
          tpu.vector_store %arg21[%swap3A_285], %sub3A_284 {strides = array<i32>} : memref<1280xf32, #tpu.memory_space<vmem>>, vector<16xf32>,
          %mul3A_287 = arith.constant 64 : i32
          %mul3A_288 = arith.muli %scan3A_227, %mul3A_287 : i32
          %add3A_289 = arith.constant 32 : i32
          %add3A_290 = arith.addi %mul3A_288, %add3A_289 : i32
          %get3A_291 = arith.index_cast %add3A_290 : i32 to index
          %get3A_292 = tpu.vector_load %arg23[%get3A_291] {strides = array<i32>} : memref<1280xi32, #tpu.memory_space<vmem>>, vector<16xi32>,
          %add3A_293 = vector.broadcast %add3A_290 : i32 to vector<16xi32>
          %add3A_294 = arith.addi %add3A_293, %iota3A : vector<16xi32>
          %gather3A_295 = tpu.vector_load_idx %arg25[%get3A_292, %add3A_294] : memref<20x1280xf32, #tpu.memory_space<vmem>>[vector<16xi32>, vector<16xi32>], vector<16xf32>,
          %get3A_296 = arith.index_cast %add3A_290 : i32 to index
          %get3A_297 = tpu.vector_load %arg17[%get3A_296] {strides = array<i32>} : memref<1280xf32, #tpu.memory_space<vmem>>, vector<16xf32>,
          %get3A_298 = arith.index_cast %add3A_290 : i32 to index
          %get3A_299 = tpu.vector_load %arg13[%get3A_298] {strides = array<i32>} : memref<1280xf32, #tpu.memory_space<vmem>>, vector<16xf32>,
          %mul3A_300 = arith.constant 0.949999988 : f32
          %mul3A_301 = vector.broadcast %mul3A_300 : f32 to vector<16xf32>
          %mul3A_302 = arith.mulf %get3A_299, %mul3A_301 : vector<16xf32>
          %add3A_303 = arith.addf %mul3A_302, %gather3A_295 : vector<16xf32>
          %get3A_304 = arith.index_cast %add3A_290 : i32 to index
          %get3A_305 = tpu.vector_load %arg15[%get3A_304] {strides = array<i32>} : memref<1280xf32, #tpu.memory_space<vmem>>, vector<16xf32>,
          %mul3A_306 = arith.constant 0.949999988 : f32
          %mul3A_307 = vector.broadcast %mul3A_306 : f32 to vector<16xf32>
          %mul3A_308 = arith.mulf %get3A_305, %mul3A_307 : vector<16xf32>
          %add3A_309 = arith.addf %mul3A_308, %get3A_297 : vector<16xf32>
          %swap3A_310 = arith.index_cast %add3A_290 : i32 to index
          %swap3A_311 = tpu.vector_load %arg19[%swap3A_310] {strides = array<i32>} : memref<1280xf32, #tpu.memory_space<vmem>>, vector<16xf32>,
          tpu.vector_store %arg19[%swap3A_310], %gather3A_295 {strides = array<i32>} : memref<1280xf32, #tpu.memory_space<vmem>>, vector<16xf32>,
          %mul3A_312 = arith.mulf %gather3A_295, %add3A_309 : vector<16xf32>
          %mul3A_313 = arith.mulf %get3A_297, %add3A_303 : vector<16xf32>
          %sub3A_314 = arith.subf %mul3A_312, %mul3A_313 : vector<16xf32>
          %swap3A_315 = arith.index_cast %add3A_290 : i32 to index
          %swap3A_316 = tpu.vector_load %arg21[%swap3A_315] {strides = array<i32>} : memref<1280xf32, #tpu.memory_space<vmem>>, vector<16xf32>,
          tpu.vector_store %arg21[%swap3A_315], %sub3A_314 {strides = array<i32>} : memref<1280xf32, #tpu.memory_space<vmem>>, vector<16xf32>,
          %mul3A_317 = arith.constant 64 : i32
          %mul3A_318 = arith.muli %scan3A_227, %mul3A_317 : i32
          %add3A_319 = arith.constant 48 : i32
          %add3A_320 = arith.addi %mul3A_318, %add3A_319 : i32
          %get3A_321 = arith.index_cast %add3A_320 : i32 to index
          %get3A_322 = tpu.vector_load %arg23[%get3A_321] {strides = array<i32>} : memref<1280xi32, #tpu.memory_space<vmem>>, vector<16xi32>,
          %add3A_323 = vector.broadcast %add3A_320 : i32 to vector<16xi32>
          %add3A_324 = arith.addi %add3A_323, %iota3A : vector<16xi32>
          %gather3A_325 = tpu.vector_load_idx %arg25[%get3A_322, %add3A_324] : memref<20x1280xf32, #tpu.memory_space<vmem>>[vector<16xi32>, vector<16xi32>], vector<16xf32>,
          %get3A_326 = arith.index_cast %add3A_320 : i32 to index
          %get3A_327 = tpu.vector_load %arg17[%get3A_326] {strides = array<i32>} : memref<1280xf32, #tpu.memory_space<vmem>>, vector<16xf32>,
          %get3A_328 = arith.index_cast %add3A_320 : i32 to index
          %get3A_329 = tpu.vector_load %arg13[%get3A_328] {strides = array<i32>} : memref<1280xf32, #tpu.memory_space<vmem>>, vector<16xf32>,
          %mul3A_330 = arith.constant 0.949999988 : f32
          %mul3A_331 = vector.broadcast %mul3A_330 : f32 to vector<16xf32>
          %mul3A_332 = arith.mulf %get3A_329, %mul3A_331 : vector<16xf32>
          %add3A_333 = arith.addf %mul3A_332, %gather3A_325 : vector<16xf32>
          %get3A_334 = arith.index_cast %add3A_320 : i32 to index
          %get3A_335 = tpu.vector_load %arg15[%get3A_334] {strides = array<i32>} : memref<1280xf32, #tpu.memory_space<vmem>>, vector<16xf32>,
          %mul3A_336 = arith.constant 0.949999988 : f32
          %mul3A_337 = vector.broadcast %mul3A_336 : f32 to vector<16xf32>
          %mul3A_338 = arith.mulf %get3A_335, %mul3A_337 : vector<16xf32>
          %add3A_339 = arith.addf %mul3A_338, %get3A_327 : vector<16xf32>
          %swap3A_340 = arith.index_cast %add3A_320 : i32 to index
          %swap3A_341 = tpu.vector_load %arg19[%swap3A_340] {strides = array<i32>} : memref<1280xf32, #tpu.memory_space<vmem>>, vector<16xf32>,
          tpu.vector_store %arg19[%swap3A_340], %gather3A_325 {strides = array<i32>} : memref<1280xf32, #tpu.memory_space<vmem>>, vector<16xf32>,
          %mul3A_342 = arith.mulf %gather3A_325, %add3A_339 : vector<16xf32>
          %mul3A_343 = arith.mulf %get3A_327, %add3A_333 : vector<16xf32>
          %sub3A_344 = arith.subf %mul3A_342, %mul3A_343 : vector<16xf32>
          %swap3A_345 = arith.index_cast %add3A_320 : i32 to index
          %swap3A_346 = tpu.vector_load %arg21[%swap3A_345] {strides = array<i32>} : memref<1280xf32, #tpu.memory_space<vmem>>, vector<16xf32>,
          tpu.vector_store %arg21[%swap3A_345], %sub3A_344 {strides = array<i32>} : memref<1280xf32, #tpu.memory_space<vmem>>, vector<16xf32>,
          %scan3A_347 = arith.constant 0 : i32
          scf.yield %scan3A_347 : i32
        }
        %scan3A_216 = arith.constant 20 : i32
        %dma_start3A_217 = tpu.memref_slice %arg8[%mul3A_203] : memref<1600000xf32, #tpu.memory_space<hbm>> -> memref<1280xf32, #tpu.memory_space<hbm>>
        %dma_start3A_218 = tpu.memref_slice %arg8[%mul3A_203] : memref<1600000xf32, #tpu.memory_space<hbm>> -> memref<1280xf32, #tpu.memory_space<hbm>>
        tpu.enqueue_dma source(%arg19 : memref<1280xf32, #tpu.memory_space<vmem>>) target(%dma_start3A_218 : memref<1280xf32, #tpu.memory_space<hbm>>) target_semaphore(%arg33 : memref<!tpu.dma_semaphore, #tpu.memory_space<semaphore_mem>>)
        %dma_start3A_219 = tpu.memref_slice %arg9[%mul3A_203] : memref<1600000xf32, #tpu.memory_space<hbm>> -> memref<1280xf32, #tpu.memory_space<hbm>>
        %dma_start3A_220 = tpu.memref_slice %arg9[%mul3A_203] : memref<1600000xf32, #tpu.memory_space<hbm>> -> memref<1280xf32, #tpu.memory_space<hbm>>
        tpu.enqueue_dma source(%arg21 : memref<1280xf32, #tpu.memory_space<vmem>>) target(%dma_start3A_220 : memref<1280xf32, #tpu.memory_space<hbm>>) target_semaphore(%arg33 : memref<!tpu.dma_semaphore, #tpu.memory_space<semaphore_mem>>)
        %add3A_221 = arith.constant 2 : i32
        %add3A_222 = arith.addi %add3A_158, %add3A_221 : i32
        %lt3A_223 = arith.cmpi slt, %add3A_222, %add3A_4 : i32
        %convert_element_type3A_224 = arith.extui %lt3A_223 : i1 to i32
        %cond3A_225 = arith.constant 0 : i32
        %cond3A_226 = arith.cmpi ne, %convert_element_type3A_224, %cond3A_225 : i32
        scf.if %cond3A_226 {
          %add3A_227 = arith.constant 2 : i32
          %add3A_228 = arith.addi %add3A_158, %add3A_227 : i32
          %mul3A_229 = arith.constant 32 : i32
          %mul3A_230 = arith.muli %add3A_228, %mul3A_229 : i32
          %add3A_231 = arith.addi %add3A, %mul3A_230 : i32
          %mul3A_232 = arith.constant 1280 : i32
          %mul3A_233 = arith.muli %add3A_231, %mul3A_232 : i32
          %dma_start3A_234 = tpu.memref_slice %arg2[%mul3A_233] : memref<1600000xf32, #tpu.memory_space<hbm>> -> memref<1280xf32, #tpu.memory_space<hbm>>
          %dma_start3A_235 = tpu.memref_slice %arg2[%mul3A_233] : memref<1600000xf32, #tpu.memory_space<hbm>> -> memref<1280xf32, #tpu.memory_space<hbm>>
          tpu.enqueue_dma source(%dma_start3A_235 : memref<1280xf32, #tpu.memory_space<hbm>>) target(%arg11 : memref<1280xf32, #tpu.memory_space<vmem>>) target_semaphore(%arg28 : memref<!tpu.dma_semaphore, #tpu.memory_space<semaphore_mem>>)
          %dma_start3A_236 = tpu.memref_slice %arg4[%mul3A_233] : memref<1600000xf32, #tpu.memory_space<hbm>> -> memref<1280xf32, #tpu.memory_space<hbm>>
          %dma_start3A_237 = tpu.memref_slice %arg4[%mul3A_233] : memref<1600000xf32, #tpu.memory_space<hbm>> -> memref<1280xf32, #tpu.memory_space<hbm>>
          tpu.enqueue_dma source(%dma_start3A_237 : memref<1280xf32, #tpu.memory_space<hbm>>) target(%arg13 : memref<1280xf32, #tpu.memory_space<vmem>>) target_semaphore(%arg30 : memref<!tpu.dma_semaphore, #tpu.memory_space<semaphore_mem>>)
          %dma_start3A_238 = tpu.memref_slice %arg5[%mul3A_233] : memref<1600000xf32, #tpu.memory_space<hbm>> -> memref<1280xf32, #tpu.memory_space<hbm>>
          %dma_start3A_239 = tpu.memref_slice %arg5[%mul3A_233] : memref<1600000xf32, #tpu.memory_space<hbm>> -> memref<1280xf32, #tpu.memory_space<hbm>>
          tpu.enqueue_dma source(%dma_start3A_239 : memref<1280xf32, #tpu.memory_space<hbm>>) target(%arg15 : memref<1280xf32, #tpu.memory_space<vmem>>) target_semaphore(%arg30 : memref<!tpu.dma_semaphore, #tpu.memory_space<semaphore_mem>>)
          %dma_start3A_240 = tpu.memref_slice %arg6[%mul3A_233] : memref<1600000xf32, #tpu.memory_space<hbm>> -> memref<1280xf32, #tpu.memory_space<hbm>>
          %dma_start3A_241 = tpu.memref_slice %arg6[%mul3A_233] : memref<1600000xf32, #tpu.memory_space<hbm>> -> memref<1280xf32, #tpu.memory_space<hbm>>
          tpu.enqueue_dma source(%dma_start3A_241 : memref<1280xf32, #tpu.memory_space<hbm>>) target(%arg17 : memref<1280xf32, #tpu.memory_space<vmem>>) target_semaphore(%arg30 : memref<!tpu.dma_semaphore, #tpu.memory_space<semaphore_mem>>)
        } else {
        }
        scf.yield %cond3A_165#0, %cond3A_165#1 : i32, i32
      } else {
        scf.yield %scan3A_139, %scan3A_140 : i32, i32
      }
      scf.yield %cond3A_156#0, %cond3A_156#1, %cond3A_149#0, %cond3A_149#1 : i32, i32, i32, i32
    }
    %scan3A_129 = arith.constant 20 : i32
    %dma_wait3A_130 = arith.constant 0 : i32
    %dma_wait3A_131 = tpu.memref_slice %arg8[%dma_wait3A_130] : memref<1600000xf32, #tpu.memory_space<hbm>> -> memref<1280xf32, #tpu.memory_space<hbm>>
    %dma_wait3A_132 = arith.constant 0 : i32
    %dma_wait3A_133 = tpu.memref_slice %arg8[%dma_wait3A_132] : memref<1600000xf32, #tpu.memory_space<hbm>> -> memref<1280xf32, #tpu.memory_space<hbm>>
    tpu.wait_dma2 semaphore(%arg33 : memref<!tpu.dma_semaphore, #tpu.memory_space<semaphore_mem>>) src(%arg18 : memref<1280xf32, #tpu.memory_space<vmem>>) dst(%dma_wait3A_133 : memref<1280xf32, #tpu.memory_space<hbm>>)
    %dma_wait3A_134 = arith.constant 0 : i32
    %dma_wait3A_135 = tpu.memref_slice %arg9[%dma_wait3A_134] : memref<1600000xf32, #tpu.memory_space<hbm>> -> memref<1280xf32, #tpu.memory_space<hbm>>
    %dma_wait3A_136 = arith.constant 0 : i32
    %dma_wait3A_137 = tpu.memref_slice %arg9[%dma_wait3A_136] : memref<1600000xf32, #tpu.memory_space<hbm>> -> memref<1280xf32, #tpu.memory_space<hbm>>
    tpu.wait_dma2 semaphore(%arg33 : memref<!tpu.dma_semaphore, #tpu.memory_space<semaphore_mem>>) src(%arg20 : memref<1280xf32, #tpu.memory_space<vmem>>) dst(%dma_wait3A_137 : memref<1280xf32, #tpu.memory_space<hbm>>)
    return
  }
}

</mosaic_0001>

<sc_bundles>
// kernel: _run_sc.3.cloned.1.call-start
scs
__scs_entry_jumppad:
0x0: {  	(pc) =	sbr.rel $0x88, $3  }
0x1: {  	(tag) =	ssettag $0x0;
	lr =	simm.s32 $0x1  }
0x2: {  	[smem:$0x3F9B] =	sst lr;
	_ =	strace $0xD0000000  }
0x3: {  	_ = 	snop  }
0x4: {  	_ = 	snop  }
0x5: {  	_ = 	snop  }
0x6: {  	_ = 	snop  }
0x7: {  	_ = 	snop  }
__scs_overlays_trampoline_lowered:
0x8: {  	[smem:$0x3FAA] =	sst s0  }
0x9: {  	[smem:$0x3FAB] =	sst s1  }
0xa: {  	[smem:$0x3FAC] =	sst s2  }
0xb: {  	[smem:$0x3FAD] =	sst s3  }
0xc: {  	[smem:$0x3FAE] =	sst s4  }
0xd: {  	[smem:$0x3FAF] =	sst s5  }
0xe: {  	[smem:$0x3FB0] =	sst s6  }
0xf: {  	[smem:$0x3FB1] =	sst s7  }
0x10: {  	[smem:$0x3FB2] =	sst s8  }
0x11: {  	[smem:$0x3FB3] =	sst s9;
	s0 =	simm.s32 @!p0 $0x0  }
0x12: {  	s1 =	sld [smem:$0x3F99];
	s0 =	simm.s32 @p0 $0x1  }
0x13: {  	[smem:$0x3FB4] =	sst s0;
	s0 =	simm.s32 @!p1 $0x0  }
0x14: {  	s2 =	sld [smem:$0x3F98];
	s0 =	simm.s32 @p1 $0x1  }
0x15: {  	[smem:$0x3FB5] =	sst s0;
	s0 =	simm.s32 @!p2 $0x0  }
0x16: {  	s3 =	sld [smem:$0x3FDB];
	s0 =	simm.s32 @p2 $0x1  }
0x17: {  	s4 =	simm.s32 $0x1BF5;
	[smem:$0x3FB7] =	sst s0  }
0x18: {  	s0 =	sld [smem:$0x3F9A];
	_ =	swait.ge [sflag:s4], $0x0  }
0x19: {  	s7 =	sld [smem:$0x3F9B]  }
0x1a: {  	s8 =	sadd.s32 $0xFFFFE003, lr  }
0x1b: {  	s9 =	sadd.s32 $0xFFFFFEF7, lr;
	s5 =	simm.s32 $0xFFFFFFFF;
	p2 =	slt.u32 s8, $0xFFFFF086  }
0x1c: {  	p1 =	slt.u32 s9, $0xF7A;
	s5 =	simm.s32 @!p2 $0x0  }
0x1d: {  	s5 =	simm.s32 @p1 $0x1;
	p0 =	seq.s32 s7, s2  }
0x1e: {  	s7 =	smul.u32 @!p0 $0xF7A, s2;
	p2 =	seq.s32 @!p0 s5, $0x0  }
0x1f: {  	s9 =	smul.u32 $0xF7A, s1;
	s8 =	simm.s32 @!p0 $0x1BF5;
	p2 =	por !p2, p0  }
0x20: {  	[sflag:s8] =	ssyncset.s32 @!p0 $0xFFFFF086;
	s6 =	sadd.s32 @!p0 s3, s7;
	s7 =	simm.s32 @!p0 $0x108  }
0x21: {  	s3 =	sadd.s32 s3, s9;
	s6 =	sadd.s32 @!p0 $0x88, s6;
	s7 =	simm.s32 @p2 $0x1082  }
0x22: {  	[simem:s7], [sflag:s8] =	dma.local @!p0 [hbm:s6], $0xF7A  }
0x23: {  	s9 =	sor.u32 $0xD0000000, s2;
	s6 =	simm.s32 $0x108;
	_ =	swait.ge @!p0 [sflag:s8], $0x0  }
0x24: {  	s3 =	sadd.s32 $0x88, s3;
	s6 =	simm.s32 @!p1 $0x1082;
	[sflag:s4] =	ssyncset.s32 $0xFFFFF086  }
0x25: {  	[simem:s6], [sflag:s4] =	dma.local [hbm:s3], $0xF7A  }
0x26: {  	[smem:$0x3F9B] =	sst s1;
	(tag) =	ssettag s2;
	_ =	strace s9  }
0x27: {  	s1 =	sld [smem:$0x3FAB]  }
0x28: {  	s2 =	sld [smem:$0x3FAC]  }
0x29: {  	s4 =	sld [smem:$0x3FAE]  }
0x2a: {  	p0 =	seq.s32 s5, $0x0;
	s5 =	sld [smem:$0x3FAF]  }
0x2b: {  	s6 =	sld [smem:$0x3FB0]  }
0x2c: {  	s7 =	sld [smem:$0x3FB1]  }
0x2d: {  	s3 =	simm.s32 $0x108;
	s8 =	sld [smem:$0x3FB2]  }
0x2e: {  	s3 =	simm.s32 @!p0 $0x1082;
	s9 =	sld [smem:$0x3FB3]  }
0x2f: {  	lr =	sadd.s32 s0, s3;
	s0 =	sld [smem:$0x3FAA]  }
0x30: {  	s3 =	sld [smem:$0x3FAD]  }
0x31: {  	[smem:$0x3FB6] =	sst s10  }
0x32: {  	s10 =	sld [smem:$0x3FB4];
	_ =	sdelay $0x3  }
0x33: {  	p0 =	seq.s32 s10, $0x1;
	s10 =	sld [smem:$0x3FB6];
	_ =	sdelay $0x3  }
0x34: {  	[smem:$0x3FB6] =	sst s10  }
0x35: {  	s10 =	sld [smem:$0x3FB5];
	_ =	sdelay $0x3  }
0x36: {  	p1 =	seq.s32 s10, $0x1;
	s10 =	sld [smem:$0x3FB6];
	_ =	sdelay $0x3  }
0x37: {  	[smem:$0x3FB6] =	sst s10  }
0x38: {  	s10 =	sld [smem:$0x3FB7]  }
0x39: {  	_ = 	snop;
	(pc) =	sbr.ind lr, $3  }
0x3a: {  	_ = 	snop  }
0x3b: {  	_ = 	snop  }
0x3c: {  	p2 =	seq.s32 s10, $0x1;
	s10 =	sld [smem:$0x3FB6]  }
0x3d: {  	_ =	shalt  }
0x3e: {  	_ =	shalt  }
0x3f: {  	_ =	shalt  }
0x40: {  	_ =	shalt  }
0x41: {  	_ =	shalt  }
0x42: {  	_ =	shalt  }
0x43: {  	_ =	shalt  }
0x44: {  	_ =	shalt  }
0x45: {  	_ =	shalt  }
0x46: {  	_ =	shalt  }
0x47: {  	_ =	shalt  }
0x48: {  	_ =	shalt  }
0x49: {  	_ =	shalt  }
0x4a: {  	_ =	shalt  }
0x4b: {  	_ =	shalt  }
0x4c: {  	_ =	shalt  }
0x4d: {  	_ =	shalt  }
0x4e: {  	_ =	shalt  }
0x4f: {  	_ =	shalt  }
0x50: {  	_ =	shalt  }
0x51: {  	_ =	shalt  }
0x52: {  	_ =	shalt  }
0x53: {  	_ =	shalt  }
0x54: {  	_ =	shalt  }
0x55: {  	_ =	shalt  }
0x56: {  	_ =	shalt  }
0x57: {  	_ =	shalt  }
0x58: {  	_ =	shalt  }
0x59: {  	_ =	shalt  }
0x5a: {  	_ =	shalt  }
0x5b: {  	_ =	shalt  }
0x5c: {  	_ =	shalt  }
0x5d: {  	_ =	shalt  }
0x5e: {  	_ =	shalt  }
0x5f: {  	_ =	shalt  }
0x60: {  	_ =	shalt  }
0x61: {  	_ =	shalt  }
0x62: {  	_ =	shalt  }
0x63: {  	_ =	shalt  }
0x64: {  	_ =	shalt  }
0x65: {  	_ =	shalt  }
0x66: {  	_ =	shalt  }
0x67: {  	_ =	shalt  }
0x68: {  	_ =	shalt  }
0x69: {  	_ =	shalt  }
0x6a: {  	_ =	shalt  }
0x6b: {  	_ =	shalt  }
0x6c: {  	_ =	shalt  }
0x6d: {  	_ =	shalt  }
0x6e: {  	_ =	shalt  }
0x6f: {  	_ =	shalt  }
0x70: {  	_ =	shalt  }
0x71: {  	_ =	shalt  }
0x72: {  	_ =	shalt  }
0x73: {  	_ =	shalt  }
0x74: {  	_ =	shalt  }
0x75: {  	_ =	shalt  }
0x76: {  	_ =	shalt  }
0x77: {  	_ =	shalt  }
0x78: {  	_ =	shalt  }
0x79: {  	_ =	shalt  }
0x7a: {  	_ =	shalt  }
0x7b: {  	_ =	shalt  }
0x7c: {  	_ =	shalt  }
0x7d: {  	_ =	shalt  }
0x7e: {  	_ =	shalt  }
0x7f: {  	_ =	shalt  }
0x80: {  	_ =	shalt  }
0x81: {  	_ =	shalt  }
0x82: {  	_ =	shalt  }
0x83: {  	_ =	shalt  }
0x84: {  	_ =	shalt  }
0x85: {  	_ =	shalt  }
0x86: {  	_ =	shalt  }
0x87: {  	_ =	shalt  }
.Lfunc_end0:
.L_simem_size_0:
called_computation_lowered:
.L_overlay_start_0:
0x88: {  	s2 =	sld [smem:$0x3FD9]  }
0x89: {  	s3 =	sld [smem:$0x3FFE];
	_ =	sdelay $0x1  }
0x8a: {  	s1 =	srdreg.scid  }
0x8b: {  	s0 =	sand.u32 $0x1, s1  }
0x8c: {  	s15 =	sshll.u32 s0, $0xA;
	s2 =	sadd.s32 s3, s2  }
0x8d: {  	s2 =	sadd.s32 s2, s15  }
0x8e: {  	[smem:$0x3FC2] =	sst s2  }
0x8f: {  	_ = 	snop  }
0x90: {  	s2 =	sld [smem:$0x3FC9]  }
0x91: {  	s16 =	sld [smem:$0x3FC8]  }
0x92: {  	s4 =	sld [smem:$0x3FC7]  }
0x93: {  	s5 =	sld [smem:$0x3FD0]  }
0x94: {  	s6 =	sld [smem:$0x3FC6]  }
0x95: {  	s7 =	sld [smem:$0x3FC5]  }
0x96: {  	s9 =	simm.s32 $0xA;
	s10 =	simm.s32 $0x10;
	s8 =	sld [smem:$0x3FC4]  }
0x97: {  	[smem:s10], [sflag:s9] =	dma.local [hbm:s5], $0x1  }
0x98: {  	_ =	swait.eq [sflag:s9], $0x1  }
0x99: {  	[sflag:s9] =	ssyncset.done $0x0  }
0x9a: {  	s17 =	sld [smem:$0x10];
	[sflag:s9] =	ssyncadd.s32 $0xFFFFFFFF  }
0x9b: {  	s18 =	sld [smem:$0x11];
	(tm) =	ssettm $0x1  }
0x9c: {  	s19 =	sld [smem:$0x3FFB];
	_ =	sdelay $0x3  }
0x9d: {  	_ =	strace s19  }
0x9e: {  	s10 =	sld [smem:$0x3FFC];
	_ =	sdelay $0x3  }
0x9f: {  	_ =	strace s10  }
0xa0: {  	s10 =	sld [smem:$0x3FFD];
	_ =	sdelay $0x3  }
0xa1: {  	_ =	strace s10  }
0xa2: {  	_ =	strace $0x8FFFFFFF  }
0xa3: {  	s20 =	sld [smem:$0x3FDB];
	_ =	sdelay $0x1  }
0xa4: {  	s11 =	simm.s32 $_scs_section_size  }
0xa5: {  	s12 =	simm.s32 $_size__tile_overlayer_lowered;
	s13 =	simm.s32 $_tile_overlayer_lowered  }
0xa6: {  	s23 =	simm.s32 $0x1BFF;
	s22 =	sshll.u32 s13, $0x1;
	s10 =	sadd.s32 s11, s20  }
0xa7: {  	s14 =	simm.s32 $0x0;
	s21 =	sshll.u32 s12, $0x1;
	s12 =	sadd.s32 s22, s10  }
0xa8: {  	[timem:s14], [sflag:s23] =	dma.local [hbm:s12], s21  }
0xa9: {  	_ =	swait.ge [sflag:s23], s21  }
0xaa: {  	s11 =	ssub.s32 $0x0, s21;
	[sflag:s23] =	ssyncset.done $0x0  }
0xab: {  	[sflag:s23] =	ssyncadd.s32 s11;
	_ =	sdelay $0x1  }
0xac: {  	s24 =	simm.s32 $0x1B8B  }
0xad: {  	_ =	swait.ge [sflag:s24], $0x1  }
0xae: {  	[sflag:s24] =	ssyncset.done $0x0  }
0xaf: {  	s25 =	simm.s32 $0x1B8E;
	[sflag:s24] =	ssyncadd.s32 $0xFFFFFFFF  }
0xb0: {  	s26 =	simm.s32 $execute0_lowered;
	[smem:$0x3FD2] =	sst s25  }
0xb1: {  	s11 =	sshll.u32 s26, $0x1;
	_ =	strace $0x80000046;
	[dreg:$0x1] =	wrdreg $0xFFFFFFFF  }
0xb2: {  	s28 =	simm.s32 $_size_execute0_lowered;
	s10 =	sadd.s32 s10, s11;
	[dreg:$0x0] =	wrdreg $0x0  }
0xb3: {  	s11 =	sshll.u32 s28, $0x1;
	[dreg:$0x2] =	wrdreg s10  }
0xb4: {  	[dreg:$0x3] =	wrdreg s11  }
0xb5: {  	[dreg:$0x4] =	wrdreg $0xC0  }
0xb6: {  	_ =	task [dreg:s14], $0x5FFFF  }
0xb7: {  	[dreg:$0x1] =	wrdreg $0xFFFFFFFF  }
0xb8: {  	[dreg:$0x0] =	wrdreg $0x60  }
0xb9: {  	[dreg:$0x2] =	wrdreg s2  }
0xba: {  	[dreg:$0x3] =	wrdreg s16  }
0xbb: {  	[dreg:$0x4] =	wrdreg s4  }
0xbc: {  	[dreg:$0x5] =	wrdreg s6  }
0xbd: {  	[dreg:$0x6] =	wrdreg s7  }
0xbe: {  	[dreg:$0x7] =	wrdreg s8  }
0xbf: {  	[dreg:$0x8] =	wrdreg s17  }
0xc0: {  	[dreg:$0x9] =	wrdreg s18  }
0xc1: {  	[dreg:$0xa] =	wrdreg $0x9  }
0xc2: {  	_ =	task.clear_ibuf [dreg:s14], $0xBFFFF;
	_ =	strace $0x90000046  }
0xc3: {  	s29 =	simm.s32 $0x9;
	_ =	strace $0x80000048  }
0xc4: {  	_ =	swait.ge [sflag:s29], $0x1  }
0xc5: {  	[sflag:s29] =	ssyncadd.s32 $0xFFFFFFFF  }
0xc6: {  	_ =	strace $0x90000048  }
0xc7: {  	_ =	sfence  }
0xc8: {  	s30 =	sld [smem:$0x0];
	_ =	sdelay $0x2  }
0xc9: {  	s31 =	sshll.u32 s1, $0xD;
	s1 =	sshrl.u32 s1, $0x2  }
0xca: {  	s3 =	sand.u32 $0x4000, s31;
	s1 =	sadd.s32 s1, s30  }
0xcb: {  	s0 =	sor.u32 s3, s0;
	s1 =	sshll.u32 s1, $0x11  }
0xcc: {  	s0 =	sor.u32 s1, s0  }
0xcd: {  	s0 =	sadd.s32 $0x8F2B, s0  }
0xce: {  	[sflag:s0] =	ssyncadd.remote.s32 $0x1  }
0xcf: {  	_ =	sfence.sel $0xFFFF  }
0xd0: {  	[dreg:$0x0] =	wrdreg $0xFFFFFFFF;
	(pc) =	sbr.abs _section_cstart, $3  }
0xd1: {  	[dreg:$0x1] =	wrdreg $0xFFFFFFFF  }
0xd2: {  	_ =	task.clear_ibuf [dreg:s14], $0x2FFFF;
	_ =	strace $0x9FFFFFFF  }
0xd3: {  	(tm) =	ssettm $0x7FFFFFFF  }
tec
execute0_lowered:
.L_overlay_start_1:
0x0: {  	(tag) =	ssettag $0x1  }
0x1: {  	s0 =	rddreg [dreg:$0x0]  }
0x2: {  	s1 =	rddreg [dreg:$0x1]  }
0x3: {  	s2 =	rddreg [dreg:$0x2]  }
0x4: {  	s4 =	rddreg [dreg:$0x3]  }
0x5: {  	s5 =	rddreg [dreg:$0x4]  }
0x6: {  	s7 =	rddreg [dreg:$0x6]  }
0x7: {  	s9 =	rddreg [dreg:$0x7];
	s3 =	srdreg.scid  }
0x8: {  	s13 =	stileid.u32;
	s10 =	simm.s32 $0x0;
	s31 =	simm.s32 $0x1  }
0x9: {  	s28 =	simm.s32 $0x2;
	s3 =	sand.u32 $0x1, s3;
	s8 =	sshll.u32 s13, $0x1  }
0xa: {  	s29 =	simm.s32 $0x3;
	s30 =	simm.s32 $0x4600;
	s11 =	sor.u32 s3, s8  }
0xb: {  	[smem:$0x7FF] =	sst s10;
	p0 =	seq.s32 s13, $0x0;
	s16 =	smul.u32 $0xA0, s11  }
0xc: {  	s6 =	ssub.s32 $0x2, s3;
	_ =	strace $0x80000047;
	s8 =	smul.u32 $0x2800, s11  }
0xd: {  	s12 =	sshrl.u32 s6, $0x1;
	s18 =	smul.u32 $0x500, s11;
	s17 =	sadd.s32 s0, s16  }
0xe: {  	s15 =	ssub.s32 s6, s12;
	s14 =	sadd.s32 s2, s16;
	[dreg:$0x9] =	wrdreg s17  }
0xf: {  	s12 =	simm.s32 $0x28;
	s19 =	sadd.s32 s4, s16;
	[dreg:$0xa] =	wrdreg s14  }
0x10: {  	s12 =	simm.s32 @!p0 $0x27;
	s6 =	sadd.s32 s5, s16;
	[dreg:$0xb] =	wrdreg s19  }
0x11: {  	s8 =	sshrl.u32 s8, $0x3;
	s13 =	sadd.s32 s1, s18;
	[dreg:$0xc] =	wrdreg s6  }
0x12: {  	s3 =	smax.u32 s15, $0x1;
	s20 =	sadd.s32 s1, s8;
	[dreg:$0xd] =	wrdreg s13  }
0x13: {  	s21 =	sshrl.u32 s18, $0x3;
	[dreg:$0x14] =	wrdreg s3;
	s22 =	sadd.s32 $0x186A00, s20  }
0x14: {  	s8 =	sadd.s32 $0x1400, s21;
	s6 =	sadd.s32 $0x30D400, s20;
	[dreg:$0xe] =	wrdreg s22  }
.Ltmp0:
0x15: {  	s23 =	sadd.s32 s0, s8;
	[dreg:$0xf] =	wrdreg s6;
	(pc) =	sbr.rel .LBB2_1-.Ltmp0, $4  }
0x16: {  	s15 =	simm.s32 $0x3700;
	s24 =	sadd.s32 s2, s8;
	[dreg:$0x10] =	wrdreg s23  }
0x17: {  	s13 =	simm.s32 $0xBE00;
	s25 =	sadd.s32 s4, s8;
	[dreg:$0x11] =	wrdreg s24  }
0x18: {  	s26 =	sadd.s32 s5, s8;
	s8 =	simm.s32 $0x0;
	[dreg:$0x12] =	wrdreg s25  }
0x19: {  	v0 =	vlaneseq.u32;
	[dreg:$0x13] =	wrdreg s26;
	s6 =	simm.s32 $0x7;
	s25 =	simm.s32 $0x4  }
.LBB2_21:
0x1a: {  	_ =	swait.ge [sflag:s6], $0x500  }
0x1b: {  	[sflag:s6] =	ssyncset.done $0x0  }
0x1c: {  	[sflag:s6] =	ssyncadd.s32 $0xFFFFFB00  }
0x1d: {  	_ =	swait.ge [sflag:s6], $0x500  }
0x1e: {  	s8 =	rddreg [dreg:$0x15]  }
0x1f: {  	s3 =	rddreg [dreg:$0x14];
	s8 =	sadd.s32 $0x1, s8  }
0x20: {  	p0 =	sne.s32 s8, s3  }
.Ltmp1:
0x21: {  	_ = 	snop;
	(pc) =	sbr.rel @!p0 .LBB2_22-.Ltmp1, $3  }
0x22: {  	_ =	sdelay $0x1  }
0x23: {  	[sflag:s6] =	ssyncset.done $0x0  }
0x24: {  	[sflag:s6] =	ssyncadd.s32 $0xFFFFFB00  }
.LBB2_1:
0x25: {  	[dreg:$0x15] =	wrdreg s8  }
0x26: {  	s3 =	rddreg [dreg:$0x5];
	s17 =	simm.s32 $0x13600;
	s18 =	simm.s32 $0x8  }
0x27: {  	[tilespmem:s17], [sflag:$0x8] =	stream.linear.gather [hbm4b:s3+s10], $0x80, $0x38;
	[tilespmem:$0x13680] =	vst v63  }
0x28: {  	_ =	swait.ge [sflag:s18], $0x80  }
0x29: {  	[sflag:s18] =	ssyncset.done $0x0  }
0x2a: {  	s19 =	rddreg [dreg:$0x9];
	[sflag:s18] =	ssyncadd.s32 $0xFFFFFF80  }
0x2b: {  	[tilespmem:s10], [sflag:$0x1] =	stream.linear.gather [hbm4b:s19+s10], $0x500, $0x38;
	[tilespmem:$0x13680] =	vst v63  }
0x2c: {  	s21 =	simm.s32 $0xA00;
	s20 =	rddreg [dreg:$0xa]  }
0x2d: {  	[tilespmem:s21], [sflag:$0x3] =	stream.linear.gather [hbm4b:s20+s10], $0x500, $0x38;
	[tilespmem:$0x13680] =	vst v63  }
0x2e: {  	s23 =	simm.s32 $0x1400;
	s22 =	rddreg [dreg:$0xb]  }
0x2f: {  	[tilespmem:s23], [sflag:$0x3] =	stream.linear.gather [hbm4b:s22+s10], $0x500, $0x38;
	[tilespmem:$0x13680] =	vst v63  }
0x30: {  	s26 =	simm.s32 $0x1E00;
	s24 =	rddreg [dreg:$0xc]  }
0x31: {  	[tilespmem:s26], [sflag:$0x3] =	stream.linear.gather [hbm4b:s24+s10], $0x500, $0x38;
	[tilespmem:$0x13680] =	vst v63  }
0x32: {  	_ =	swait.ge [sflag:s31], $0x500  }
0x33: {  	[sflag:s31] =	ssyncset.done $0x0  }
0x34: {  	s3 =	simm.s32 $0x0;
	[sflag:s31] =	ssyncadd.s32 $0xFFFFFB00  }
0x35: {  	v1 =	vld [tilespmem:s3+$0x30]  }
0x36: {  	v2 =	vld [tilespmem:s3+$0x20]  }
0x37: {  	v3 =	vld [tilespmem:s3+$0x10]  }
0x38: {  	v4 =	vld [tilespmem:s3+$0x0];
	_ =	sdelay $0x1  }
0x39: {  	s16 =	simm.s32 $0x40  }
0x3a: {  	v5 =	vld [tilespmem:s16+$0x30]  }
0x3b: {  	v1 =	vadd.f32 $1.258291200e+07, v1;
	v2 =	vadd.f32 $1.258291200e+07, v2  }
0x3c: {  	v3 =	vadd.f32 $1.258291200e+07, v3;
	v4 =	vadd.f32 $1.258291200e+07, v4  }
0x3d: {  	v2 =	vadd.f32 $-1.258291200e+07, v2;
	v1 =	vadd.f32 $-1.258291200e+07, v1  }
0x3e: {  	v9 =	vimm.s32 $0x13;
	v6 =	vld [tilespmem:s16+$0x20];
	v3 =	vadd.f32 $-1.258291200e+07, v3;
	v4 =	vadd.f32 $-1.258291200e+07, v4  }
0x3f: {  	v10 =	vimm.s32 $0x0;
	v7 =	vld [tilespmem:s16+$0x10];
	v8 =	vadd.f32 $1.258291200e+07, v5;
	v5 =	vmax.f32 v1, $1.000000000e+00  }
0x40: {  	v11 =	vld [tilespmem:s16+$0x0];
	v4 =	vmax.f32 v4, $1.000000000e+00;
	v3 =	vmax.f32 v3, $1.000000000e+00;
	v2 =	vmax.f32 v2, $1.000000000e+00  }
0x41: {  	v1 =	vld [tilespmem:$0x13600];
	v3 =	vmin.f32 v3, $1.900000000e+01;
	v2 =	vmin.f32 v2, $1.900000000e+01;
	v5 =	vmin.f32 v5, $1.900000000e+01  }
0x42: {  	v4 =	vmin.f32 v4, $1.900000000e+01;
	v2 =	vtrunc.f32 v2;
	v12 =	vtrunc.f32 v5  }
0x43: {  	v13 =	vadd.f32 $1.258291200e+07, v6;
	v4 =	vtrunc.f32 v4;
	v3 =	vtrunc.f32 v3  }
0x44: {  	v5 =	vadd.f32 $1.258291200e+07, v7;
	v2 =	vcvt.f32.s32 v2;
	v7 =	vcvt.f32.s32 v12  }
0x45: {  	v6 =	vadd.f32 $1.258291200e+07, v11;
	v11 =	vcvt.f32.s32 v4;
	v63 =	vcvt.f32.s32 v3  }
0x46: {  	v3 =	vadd.f32 $-1.258291200e+07, v13;
	v4 =	vadd.f32 $-1.258291200e+07, v8;
	v7 =	vsub.s32 v1, v7  }
0x47: {  	v11 =	vsub.s32 v1, v11;
	v12 =	vsub.s32 v1, v63;
	v8 =	vsub.s32 v1, v2  }
0x48: {  	vm1 =	vlt.s32 v11, $0x0;
	v2 =	vadd.s32 $0x14, v11;
	vm0 =	vlt.s32 v7, $0x0  }
0x49: {  	vm2 =	vlt.s32 v12, $0x0;
	v2 =	vsel vm1, v2, v11;
	vm1 =	vlt.s32 v8, $0x0  }
0x4a: {  	v11 =	vadd.s32 $0x14, v12;
	vm3 =	vlt.s32 v9, v2;
	vm4 =	vgt.s32 v10, v2  }
0x4b: {  	s8 =	simm.s32 $0x200;
	[tilespmem:s3+$0x3C00] =	vst v2;
	v9 =	vsel vm3, v9, v2;
	v10 =	vsel vm4, v10, v2;
	v2 =	vsel vm2, v11, v12  }
.LBB2_2:
0x4c: {  	s17 =	sshra.s32 s8, $0x2;
	p0 =	sne.s32 s8, $0x1300;
	[tilespmem:s3+$0x3C10] =	vst v2;
	vm2 =	vlt.s32 v9, v2;
	vm3 =	vgt.s32 v10, v2;
	v11 =	vadd.s32 $0x14, v8  }
0x4d: {  	v12 =	vld [tilespmem:s17+$0x30];
	v9 =	vsel vm2, v9, v2;
	v2 =	vsel vm3, v10, v2;
	v8 =	vsel vm1, v11, v8  }
0x4e: {  	v10 =	vadd.s32 $0x14, v7;
	[tilespmem:s3+$0x3C20] =	vst v8;
	vm1 =	vlt.s32 v9, v8;
	vm2 =	vgt.s32 v2, v8  }
0x4f: {  	v7 =	vsel vm0, v10, v7;
	v9 =	vsel vm1, v9, v8;
	v2 =	vsel vm2, v2, v8  }
0x50: {  	v5 =	vadd.f32 $-1.258291200e+07, v5;
	[tilespmem:s3+$0x3C30] =	vst v7;
	vm0 =	vlt.s32 v9, v7;
	vm1 =	vgt.s32 v2, v7;
	s3 =	smov.u32 s16;
	s16 =	smov.u32 s17  }
0x51: {  	v6 =	vadd.f32 $-1.258291200e+07, v6;
	v8 =	vld [tilespmem:s16+$0x20];
	v9 =	vsel vm0, v9, v7;
	v2 =	vsel vm1, v2, v7  }
0x52: {  	v4 =	vmax.f32 v4, $1.000000000e+00;
	v7 =	vld [tilespmem:s16+$0x10];
	v10 =	vadd.f32 $1.258291200e+07, v12  }
0x53: {  	v3 =	vmax.f32 v3, $1.000000000e+00;
	v6 =	vmax.f32 v6, $1.000000000e+00;
	v5 =	vmax.f32 v5, $1.000000000e+00;
	v11 =	vld [tilespmem:s16+$0x0]  }
0x54: {  	v3 =	vmin.f32 v3, $1.900000000e+01;
	v4 =	vmin.f32 v4, $1.900000000e+01;
	v5 =	vmin.f32 v5, $1.900000000e+01  }
0x55: {  	v3 =	vtrunc.f32 v3;
	v4 =	vtrunc.f32 v4;
	v6 =	vmin.f32 v6, $1.900000000e+01  }
0x56: {  	v13 =	vtrunc.f32 v5;
	v12 =	vtrunc.f32 v6;
	v8 =	vadd.f32 $1.258291200e+07, v8  }
0x57: {  	v14 =	vcvt.f32.s32 v3;
	v5 =	vadd.f32 $1.258291200e+07, v7;
	v7 =	vcvt.f32.s32 v4  }
0x58: {  	v6 =	vadd.f32 $1.258291200e+07, v11;
	v11 =	vcvt.f32.s32 v12;
	v12 =	vcvt.f32.s32 v13  }
0x59: {  	v4 =	vadd.f32 $-1.258291200e+07, v10;
	v3 =	vadd.f32 $-1.258291200e+07, v8;
	v7 =	vsub.s32 v1, v7  }
.Ltmp2:
0x5a: {  	v8 =	vsub.s32 v1, v14;
	v10 =	vsub.s32 v1, v11;
	v11 =	vsub.s32 v1, v12;
	(pc) =	sbr.rel @p0 .LBB2_2-.Ltmp2, $4  }
0x5b: {  	vm0 =	vlt.s32 v7, $0x0;
	vm1 =	vlt.s32 v10, $0x0;
	v12 =	vadd.s32 $0x14, v10  }
0x5c: {  	vm2 =	vlt.s32 v11, $0x0;
	v10 =	vsel vm1, v12, v10;
	vm1 =	vlt.s32 v8, $0x0  }
0x5d: {  	v12 =	vadd.s32 $0x14, v11;
	[tilespmem:s3+$0x3C00] =	vst v10;
	vm3 =	vlt.s32 v9, v10;
	vm4 =	vgt.s32 v2, v10  }
0x5e: {  	s8 =	sadd.s32 $0x100, s8;
	v9 =	vsel vm3, v9, v10;
	v10 =	vsel vm4, v2, v10;
	v2 =	vsel vm2, v12, v11  }
0x5f: {  	vm2 =	vlt.s32 v9, v2;
	vm3 =	vgt.s32 v10, v2  }
0x60: {  	v11 =	vadd.s32 $0x14, v8;
	v54 =	vadd.s32 $0x14, v7;
	v6 =	vadd.f32 $-1.258291200e+07, v6  }
0x61: {  	v5 =	vadd.f32 $-1.258291200e+07, v5;
	v4 =	vmax.f32 v4, $1.000000000e+00;
	v3 =	vmax.f32 v3, $1.000000000e+00  }
0x62: {  	v9 =	vsel vm2, v9, v2;
	v10 =	vsel vm3, v10, v2;
	v8 =	vsel vm1, v11, v8  }
0x63: {  	v7 =	vsel vm0, v54, v7;
	v3 =	vmin.f32 v3, $1.900000000e+01;
	v4 =	vmin.f32 v4, $1.900000000e+01  }
0x64: {  	vm1 =	vlt.s32 v9, v8;
	vm6 =	vgt.s32 v10, v8;
	v6 =	vmax.f32 v6, $1.000000000e+00  }
0x65: {  	v5 =	vmax.f32 v5, $1.000000000e+00;
	v3 =	vtrunc.f32 v3;
	v4 =	vtrunc.f32 v4  }
0x66: {  	v9 =	vsel vm1, v9, v8;
	v10 =	vsel vm6, v10, v8;
	v6 =	vmin.f32 v6, $1.900000000e+01  }
0x67: {  	v5 =	vmin.f32 v5, $1.900000000e+01;
	v3 =	vcvt.f32.s32 v3;
	v6 =	vtrunc.f32 v6  }
0x68: {  	v4 =	vcvt.f32.s32 v4;
	vm0 =	vlt.s32 v9, v7;
	v6 =	vcvt.f32.s32 v6  }
0x69: {  	vm7 =	vgt.s32 v10, v7;
	v5 =	vtrunc.f32 v5;
	v9 =	vsel vm0, v9, v7  }
0x6a: {  	v10 =	vsel vm7, v10, v7;
	v5 =	vcvt.f32.s32 v5;
	v6 =	vsub.s32 v1, v6  }
0x6b: {  	v3 =	vsub.s32 v1, v3;
	vm8 =	vlt.s32 v6, $0x0;
	v55 =	vadd.s32 $0x14, v6  }
0x6c: {  	vm11 =	vlt.s32 v3, $0x0;
	v5 =	vsub.s32 v1, v5;
	v6 =	vsel vm8, v55, v6  }
0x6d: {  	vm9 =	vlt.s32 v5, $0x0;
	v56 =	vadd.s32 $0x14, v5;
	vm10 =	vlt.s32 v9, v6  }
0x6e: {  	v57 =	vadd.s32 $0x14, v3;
	v5 =	vsel vm9, v56, v5;
	v9 =	vsel vm10, v9, v6  }
0x6f: {  	v1 =	vsub.s32 v1, v4;
	v3 =	vsel vm11, v57, v3;
	vm1 =	vlt.s32 v9, v5  }
0x70: {  	vm12 =	vlt.s32 v1, $0x0;
	vm13 =	vgt.s32 v10, v6;
	v58 =	vsel vm1, v9, v5  }
0x71: {  	v59 =	vadd.s32 $0x14, v1;
	v60 =	vsel vm13, v10, v6;
	vm1 =	vlt.s32 v58, v3  }
0x72: {  	v1 =	vsel vm12, v59, v1;
	vm14 =	vgt.s32 v60, v5;
	v4 =	vsel vm1, v58, v3  }
0x73: {  	v9 =	vsel vm14, v60, v5;
	vm0 =	vlt.s32 v4, v1  }
0x74: {  	vm15 =	vgt.s32 v9, v3;
	v4 =	vsel vm0, v4, v1  }
0x75: {  	v61 =	vsel vm15, v9, v3;
	v4 =	vxor.u32 $0x80000000, v4  }
0x76: {  	vm0 =	vgt.s32 v61, v1;
	(xrf0) =	vmin.scan.msk.u32 $0xffff, v4  }
0x77: {  	v4 =	vsel vm0, v61, v1  }
0x78: {  	v4 =	vxor.u32 $0x80000000, v4  }
0x79: {  	(xrf0) =	vmax.scan.msk.u32 $0xffff, v4;
	_ =	sdelay $0x2  }
0x7a: {  	v62, _, _ =	vpop (xrf0)  }
0x7b: {  	(v2sf) =	vpush v62, $0xF;
	_ =	sdelay $0x1  }
0x7c: {  	v63, _, _ =	vpop (xrf0)  }
0x7d: {  	(v2sf) =	vpush v63, $0xF;
	_ =	sdelay $0xb  }
0x7e: {  	s8 =	spop (v2sf)  }
0x7f: {  	s20 =	simm.s32 $0x1;
	s17 =	sxor.u32 $0x80000000, s8;
	p1 =	sgt.s32 s8, $0xFFFFFFFF  }
0x80: {  	s8 =	sand.u32 $0x7, s8;
	p0 =	slt.s32 s17, $0x1;
	s18 =	sshra.s32 s17, $0x1F  }
0x81: {  	p3 =	sne.s32 s8, $0x0;
	s19 =	spop (v2sf);
	p0 =	por p1, p0  }
0x82: {  	s23 =	sshrl.u32 s18, $0x1D;
	s18 =	simm.s32 $0x1;
	s24 =	sxor.u32 $0x80000000, s19  }
0x83: {  	p5 =	sgt.s32 s19, $0xFFFFFFFF;
	s19 =	sand.u32 $0x7, s19;
	p0 =	por !p3, !p0  }
0x84: {  	p4 =	slt.s32 s24, $0x1;
	p6 =	sne.s32 s19, $0x0;
	p0 =	por !p0, !p0  }
0x85: {  	s26 =	sshra.s32 s24, $0x1F;
	s18 =	simm.s32 @!p0 $0x0;
	p0 =	por p5, p4  }
0x86: {  	[tilespmem:s3+$0x3C10] =	vst v2;
	s8 =	sadd.s32 s23, s17;
	s19 =	sshrl.u32 s26, $0x1D;
	p0 =	por !p6, !p0  }
0x87: {  	[tilespmem:s3+$0x3C20] =	vst v8;
	s8 =	sshra.s32 s8, $0x3;
	s17 =	sadd.s32 s19, s24;
	p0 =	por !p0, !p0  }
0x88: {  	[tilespmem:s3+$0x3C30] =	vst v7;
	s19 =	ssub.s32 s8, s18;
	s8 =	sshra.s32 s17, $0x3;
	s20 =	simm.s32 @!p0 $0x0  }
0x89: {  	[tilespmem:s16+$0x3C20] =	vst v3;
	p0 =	sgt.s32 s19, $0x0;
	s20 =	ssub.s32 s8, s20  }
0x8a: {  	[tilespmem:s16+$0x3C00] =	vst v6;
	p1 =	slt.s32 @!p0 s20, $0x0  }
0x8b: {  	[tilespmem:s16+$0x3C10] =	vst v5;
	p0 =	por p1, p0  }
0x8c: {  	s14 =	rddreg [dreg:$0xd];
	[tilespmem:s16+$0x3C30] =	vst v1;
	s3 =	simm.s32 @!p0 $0x0;
	s8 =	simm.s32 @!p0 $0x4600  }
0x8d: {  	[tilespmem:s8], [sflag:$0x5] =	stream.linear.gather @!p0 [hbm4b:s14+s3], $0x2800, $0x38;
	[tilespmem:$0x13680] =	vst v63  }
0x8e: {  	p0 =	sgt.s32 s19, $0x1  }
0x8f: {  	p1 =	slt.s32 @!p0 s20, $0x1  }
0x90: {  	p0 =	por p1, p0  }
0x91: {  	s14 =	rddreg [dreg:$0xe];
	s3 =	simm.s32 @!p0 $0x0;
	s8 =	simm.s32 @!p0 $0x6E00  }
0x92: {  	[tilespmem:s8], [sflag:$0x5] =	stream.linear.gather @!p0 [hbm4b:s14+s3], $0x2800, $0x38;
	[tilespmem:$0x13680] =	vst v63  }
0x93: {  	p0 =	sgt.s32 s19, $0x2  }
0x94: {  	p1 =	slt.s32 @!p0 s20, $0x2  }
0x95: {  	p0 =	por p1, p0  }
0x96: {  	s14 =	rddreg [dreg:$0xf];
	s3 =	simm.s32 @!p0 $0x0;
	s8 =	simm.s32 @!p0 $0x9600  }
0x97: {  	[tilespmem:s8], [sflag:$0x5] =	stream.linear.gather @!p0 [hbm4b:s14+s3], $0x2800, $0x38;
	[tilespmem:$0x13680] =	vst v63  }
0x98: {  	s21 =	simm.s32 $0x0;
	s16 =	simm.s32 $0x500;
	s14 =	rddreg [dreg:$0x10]  }
0x99: {  	[tilespmem:s16], [sflag:$0x2] =	stream.linear.gather [hbm4b:s14+s21], $0x500, $0x38;
	[tilespmem:$0x13680] =	vst v63  }
0x9a: {  	s17 =	rddreg [dreg:$0x11];
	s18 =	simm.s32 $0xF00  }
0x9b: {  	[tilespmem:s18], [sflag:$0x4] =	stream.linear.gather [hbm4b:s17+s21], $0x500, $0x38;
	[tilespmem:$0x13680] =	vst v63  }
.Ltmp3:
0x9c: {  	_ = 	snop;
	(pc) =	sbr.rel .LBB2_4-.Ltmp3, $4  }
0x9d: {  	s22 =	rddreg [dreg:$0x12];
	s23 =	simm.s32 $0x1900;
	s26 =	simm.s32 $0x2300  }
0x9e: {  	[tilespmem:s23], [sflag:$0x4] =	stream.linear.gather [hbm4b:s22+s21], $0x500, $0x38;
	[tilespmem:$0x13680] =	vst v63  }
0x9f: {  	s24 =	rddreg [dreg:$0x13];
	s17 =	simm.s32 $0x0;
	s22 =	simm.s32 $0x2  }
0xa0: {  	[tilespmem:s26], [sflag:$0x4] =	stream.linear.gather [hbm4b:s24+s21], $0x500, $0x38;
	[tilespmem:$0x13680] =	vst v63  }
.LBB2_20:
0xa1: {  	s17 =	sadd.s32 $0x1, s17  }
0xa2: {  	p0 =	sne.s32 s17, $0x14  }
.Ltmp4:
0xa3: {  	_ = 	snop;
	(pc) =	sbr.rel @!p0 .LBB2_21-.Ltmp4, $1  }
0xa4: {  	_ =	sdelay $0x3  }
.LBB2_4:
0xa5: {  	s18 =	sshll.u32 s17, $0x1  }
0xa6: {  	p1 =	sge.u32 s18, s12  }
.Ltmp5:
0xa7: {  	_ = 	snop;
	(pc) =	sbr.rel @p1 .LBB2_12-.Ltmp5, $3  }
0xa8: {  	_ =	sdelay $0x1  }
0xa9: {  	s23 =	sshllo.u32 s17, $0x1  }
0xaa: {  	p0 =	sge.u32 s23, s12  }
.Ltmp6:
0xab: {  	(pc) =	sbr.rel @p0 .LBB2_9-.Ltmp6, $2  }
0xac: {  	_ =	sdelay $0x2  }
0xad: {  	s22 =	simm.s32 $0x2;
	s24 =	simm.s32 $0x0;
	s21 =	simm.s32 $0x0  }
0xae: {  	_ =	swait.ge [sflag:s28], $0x500  }
0xaf: {  	[sflag:s28] =	ssyncset.done $0x0  }
0xb0: {  	s26 =	simm.s32 $0x0;
	[sflag:s28] =	ssyncadd.s32 $0xFFFFFB00  }
0xb1: {  	v1 =	vld [tilespmem:s26+$0x530]  }
0xb2: {  	v2 =	vld [tilespmem:s26+$0x520]  }
0xb3: {  	v3 =	vld [tilespmem:s26+$0x510]  }
0xb4: {  	v4 =	vld [tilespmem:s26+$0x500];
	_ =	sdelay $0x1  }
0xb5: {  	s16 =	simm.s32 $0x40  }
0xb6: {  	v5 =	vld [tilespmem:s16+$0x530]  }
0xb7: {  	v1 =	vadd.f32 $1.258291200e+07, v1;
	v2 =	vadd.f32 $1.258291200e+07, v2  }
0xb8: {  	v3 =	vadd.f32 $1.258291200e+07, v3;
	v4 =	vadd.f32 $1.258291200e+07, v4  }
0xb9: {  	v2 =	vadd.f32 $-1.258291200e+07, v2;
	v1 =	vadd.f32 $-1.258291200e+07, v1  }
0xba: {  	v9 =	vimm.s32 $0x13;
	v6 =	vld [tilespmem:s16+$0x520];
	v3 =	vadd.f32 $-1.258291200e+07, v3;
	v4 =	vadd.f32 $-1.258291200e+07, v4  }
0xbb: {  	v10 =	vimm.s32 $0x0;
	v7 =	vld [tilespmem:s16+$0x510];
	v8 =	vadd.f32 $1.258291200e+07, v5;
	v5 =	vmax.f32 v1, $1.000000000e+00  }
0xbc: {  	v11 =	vld [tilespmem:s16+$0x500];
	v4 =	vmax.f32 v4, $1.000000000e+00;
	v3 =	vmax.f32 v3, $1.000000000e+00;
	v2 =	vmax.f32 v2, $1.000000000e+00  }
0xbd: {  	v1 =	vld [tilespmem:$0x13600];
	v3 =	vmin.f32 v3, $1.900000000e+01;
	v2 =	vmin.f32 v2, $1.900000000e+01;
	v5 =	vmin.f32 v5, $1.900000000e+01  }
0xbe: {  	v4 =	vmin.f32 v4, $1.900000000e+01;
	v2 =	vtrunc.f32 v2;
	v12 =	vtrunc.f32 v5  }
0xbf: {  	v13 =	vadd.f32 $1.258291200e+07, v6;
	v4 =	vtrunc.f32 v4;
	v3 =	vtrunc.f32 v3  }
0xc0: {  	v5 =	vadd.f32 $1.258291200e+07, v7;
	v2 =	vcvt.f32.s32 v2;
	v7 =	vcvt.f32.s32 v12  }
0xc1: {  	v6 =	vadd.f32 $1.258291200e+07, v11;
	v11 =	vcvt.f32.s32 v4;
	v63 =	vcvt.f32.s32 v3  }
0xc2: {  	v3 =	vadd.f32 $-1.258291200e+07, v13;
	v4 =	vadd.f32 $-1.258291200e+07, v8;
	v7 =	vsub.s32 v1, v7  }
0xc3: {  	v11 =	vsub.s32 v1, v11;
	v12 =	vsub.s32 v1, v63;
	v8 =	vsub.s32 v1, v2  }
0xc4: {  	vm1 =	vlt.s32 v11, $0x0;
	v2 =	vadd.s32 $0x14, v11;
	vm0 =	vlt.s32 v7, $0x0  }
0xc5: {  	vm2 =	vlt.s32 v12, $0x0;
	v2 =	vsel vm1, v2, v11;
	vm1 =	vlt.s32 v8, $0x0  }
0xc6: {  	v11 =	vadd.s32 $0x14, v12;
	vm3 =	vlt.s32 v9, v2;
	vm4 =	vgt.s32 v10, v2  }
0xc7: {  	s3 =	simm.s32 $0x200;
	[tilespmem:s26+$0x4100] =	vst v2;
	v9 =	vsel vm3, v9, v2;
	v10 =	vsel vm4, v10, v2;
	v2 =	vsel vm2, v11, v12  }
.LBB2_7:
0xc8: {  	s8 =	sshra.s32 s3, $0x2;
	p1 =	sne.s32 s3, $0x1300;
	[tilespmem:s26+$0x4110] =	vst v2;
	vm2 =	vlt.s32 v9, v2;
	vm3 =	vgt.s32 v10, v2;
	v11 =	vadd.s32 $0x14, v8  }
0xc9: {  	v12 =	vld [tilespmem:s8+$0x530];
	v9 =	vsel vm2, v9, v2;
	v2 =	vsel vm3, v10, v2;
	v8 =	vsel vm1, v11, v8  }
0xca: {  	v10 =	vadd.s32 $0x14, v7;
	[tilespmem:s26+$0x4120] =	vst v8;
	vm1 =	vlt.s32 v9, v8;
	vm2 =	vgt.s32 v2, v8  }
0xcb: {  	v7 =	vsel vm0, v10, v7;
	v9 =	vsel vm1, v9, v8;
	v2 =	vsel vm2, v2, v8  }
0xcc: {  	v5 =	vadd.f32 $-1.258291200e+07, v5;
	[tilespmem:s26+$0x4130] =	vst v7;
	vm0 =	vlt.s32 v9, v7;
	vm1 =	vgt.s32 v2, v7;
	s26 =	smov.u32 s16;
	s16 =	smov.u32 s8  }
0xcd: {  	v6 =	vadd.f32 $-1.258291200e+07, v6;
	v8 =	vld [tilespmem:s16+$0x520];
	v9 =	vsel vm0, v9, v7;
	v2 =	vsel vm1, v2, v7  }
0xce: {  	v4 =	vmax.f32 v4, $1.000000000e+00;
	v7 =	vld [tilespmem:s16+$0x510];
	v10 =	vadd.f32 $1.258291200e+07, v12  }
0xcf: {  	v3 =	vmax.f32 v3, $1.000000000e+00;
	v6 =	vmax.f32 v6, $1.000000000e+00;
	v5 =	vmax.f32 v5, $1.000000000e+00;
	v11 =	vld [tilespmem:s16+$0x500]  }
0xd0: {  	v3 =	vmin.f32 v3, $1.900000000e+01;
	v4 =	vmin.f32 v4, $1.900000000e+01;
	v5 =	vmin.f32 v5, $1.900000000e+01  }
0xd1: {  	v3 =	vtrunc.f32 v3;
	v4 =	vtrunc.f32 v4;
	v6 =	vmin.f32 v6, $1.900000000e+01  }
0xd2: {  	v13 =	vtrunc.f32 v5;
	v12 =	vtrunc.f32 v6;
	v8 =	vadd.f32 $1.258291200e+07, v8  }
0xd3: {  	v14 =	vcvt.f32.s32 v3;
	v5 =	vadd.f32 $1.258291200e+07, v7;
	v7 =	vcvt.f32.s32 v4  }
0xd4: {  	v6 =	vadd.f32 $1.258291200e+07, v11;
	v11 =	vcvt.f32.s32 v12;
	v12 =	vcvt.f32.s32 v13  }
0xd5: {  	v4 =	vadd.f32 $-1.258291200e+07, v10;
	v3 =	vadd.f32 $-1.258291200e+07, v8;
	v7 =	vsub.s32 v1, v7  }
.Ltmp7:
0xd6: {  	v8 =	vsub.s32 v1, v14;
	v10 =	vsub.s32 v1, v11;
	v11 =	vsub.s32 v1, v12;
	(pc) =	sbr.rel @p1 .LBB2_7-.Ltmp7, $4  }
0xd7: {  	vm0 =	vlt.s32 v7, $0x0;
	vm1 =	vlt.s32 v10, $0x0;
	v12 =	vadd.s32 $0x14, v10  }
0xd8: {  	vm2 =	vlt.s32 v11, $0x0;
	v10 =	vsel vm1, v12, v10;
	vm1 =	vlt.s32 v8, $0x0  }
0xd9: {  	v12 =	vadd.s32 $0x14, v11;
	[tilespmem:s26+$0x4100] =	vst v10;
	vm3 =	vlt.s32 v9, v10;
	vm4 =	vgt.s32 v2, v10  }
0xda: {  	s3 =	sadd.s32 $0x100, s3;
	v9 =	vsel vm3, v9, v10;
	v10 =	vsel vm4, v2, v10;
	v2 =	vsel vm2, v12, v11  }
0xdb: {  	vm2 =	vlt.s32 v9, v2;
	vm3 =	vgt.s32 v10, v2  }
0xdc: {  	v11 =	vadd.s32 $0x14, v8;
	v55 =	vadd.s32 $0x14, v7;
	v6 =	vadd.f32 $-1.258291200e+07, v6  }
0xdd: {  	v5 =	vadd.f32 $-1.258291200e+07, v5;
	v4 =	vmax.f32 v4, $1.000000000e+00;
	v3 =	vmax.f32 v3, $1.000000000e+00  }
0xde: {  	v9 =	vsel vm2, v9, v2;
	v10 =	vsel vm3, v10, v2;
	v8 =	vsel vm1, v11, v8  }
0xdf: {  	v7 =	vsel vm0, v55, v7;
	v3 =	vmin.f32 v3, $1.900000000e+01;
	v4 =	vmin.f32 v4, $1.900000000e+01  }
0xe0: {  	vm1 =	vlt.s32 v9, v8;
	vm10 =	vgt.s32 v10, v8;
	v6 =	vmax.f32 v6, $1.000000000e+00  }
0xe1: {  	v5 =	vmax.f32 v5, $1.000000000e+00;
	v3 =	vtrunc.f32 v3;
	v6 =	vmin.f32 v6, $1.900000000e+01  }
0xe2: {  	v4 =	vtrunc.f32 v4;
	v9 =	vsel vm1, v9, v8;
	v6 =	vtrunc.f32 v6  }
0xe3: {  	v5 =	vmin.f32 v5, $1.900000000e+01;
	v3 =	vcvt.f32.s32 v3;
	v6 =	vcvt.f32.s32 v6  }
0xe4: {  	v10 =	vsel vm10, v10, v8;
	v4 =	vcvt.f32.s32 v4;
	v5 =	vtrunc.f32 v5  }
0xe5: {  	vm1 =	vlt.s32 v9, v7;
	v5 =	vcvt.f32.s32 v5;
	v6 =	vsub.s32 v1, v6  }
0xe6: {  	vm0 =	vgt.s32 v10, v7;
	vm11 =	vlt.s32 v6, $0x0;
	v56 =	vadd.s32 $0x14, v6  }
0xe7: {  	v9 =	vsel vm1, v9, v7;
	v5 =	vsub.s32 v1, v5;
	v6 =	vsel vm11, v56, v6  }
0xe8: {  	vm12 =	vlt.s32 v5, $0x0;
	v57 =	vadd.s32 $0x14, v5;
	vm13 =	vlt.s32 v9, v6  }
0xe9: {  	v3 =	vsub.s32 v1, v3;
	v5 =	vsel vm12, v57, v5;
	v9 =	vsel vm13, v9, v6  }
0xea: {  	vm14 =	vlt.s32 v3, $0x0;
	v58 =	vadd.s32 $0x14, v3;
	vm2 =	vlt.s32 v9, v5  }
0xeb: {  	v1 =	vsub.s32 v1, v4;
	v3 =	vsel vm14, v58, v3;
	v59 =	vsel vm2, v9, v5  }
0xec: {  	vm15 =	vlt.s32 v1, $0x0;
	v60 =	vadd.s32 $0x14, v1;
	vm2 =	vlt.s32 v59, v3  }
0xed: {  	v10 =	vsel vm0, v10, v7;
	v1 =	vsel vm15, v60, v1;
	v4 =	vsel vm2, v59, v3  }
0xee: {  	vm0 =	vgt.s32 v10, v6;
	vm1 =	vlt.s32 v4, v1  }
0xef: {  	v61 =	vsel vm0, v10, v6;
	v4 =	vsel vm1, v4, v1  }
0xf0: {  	vm0 =	vgt.s32 v61, v5;
	v4 =	vxor.u32 $0x80000000, v4  }
0xf1: {  	v9 =	vsel vm0, v61, v5;
	(xrf0) =	vmin.scan.msk.u32 $0xffff, v4  }
0xf2: {  	vm0 =	vgt.s32 v9, v3  }
0xf3: {  	v62 =	vsel vm0, v9, v3  }
0xf4: {  	vm0 =	vgt.s32 v62, v1  }
0xf5: {  	v4 =	vsel vm0, v62, v1  }
0xf6: {  	v4 =	vxor.u32 $0x80000000, v4  }
0xf7: {  	v63, _, _ =	vpop (xrf0);
	(xrf0) =	vmax.scan.msk.u32 $0xffff, v4;
	_ =	sdelay $0x1  }
0xf8: {  	(v2sf) =	vpush v63, $0xF;
	_ =	sdelay $0x3  }
0xf9: {  	v4, _, _ =	vpop (xrf0)  }
0xfa: {  	(v2sf) =	vpush v4, $0xF;
	_ =	sdelay $0x9  }
0xfb: {  	s3 =	spop (v2sf)  }
0xfc: {  	s8 =	sxor.u32 $0x80000000, s3  }
0xfd: {  	p2 =	sgt.s32 s3, $0xFFFFFFFF;
	s21 =	sshra.s32 s8, $0x1F  }
0xfe: {  	s3 =	sand.u32 $0x7, s3;
	p1 =	slt.s32 s8, $0x1;
	s21 =	sshrl.u32 s21, $0x1D  }
0xff: {  	p3 =	sne.s32 s3, $0x0;
	p1 =	por p2, p1;
	s8 =	sadd.s32 s21, s8  }
0x100: {  	p1 =	por !p3, !p1;
	s21 =	simm.s32 $0x1;
	s14 =	spop (v2sf)  }
0x101: {  	s3 =	sshra.s32 s8, $0x3;
	p1 =	por !p1, !p1;
	s22 =	sxor.u32 $0x80000000, s14  }
0x102: {  	p3 =	sgt.s32 s14, $0xFFFFFFFF;
	s8 =	sand.u32 $0x7, s14;
	p4 =	slt.s32 s22, $0x1  }
0x103: {  	s14 =	sshra.s32 s22, $0x1F;
	p5 =	sne.s32 s8, $0x0;
	p2 =	por p3, p4  }
0x104: {  	s21 =	simm.s32 @!p1 $0x0;
	s14 =	sshrl.u32 s14, $0x1D;
	p6 =	por !p5, !p2  }
0x105: {  	s8 =	sadd.s32 s14, s22;
	s14 =	simm.s32 $0x1;
	p1 =	por !p6, !p6  }
0x106: {  	[tilespmem:s26+$0x4110] =	vst v2;
	s21 =	ssub.s32 s3, s21;
	s8 =	sshra.s32 s8, $0x3;
	s14 =	simm.s32 @!p1 $0x0  }
0x107: {  	[tilespmem:s26+$0x4120] =	vst v8;
	p1 =	sgt.s32 s21, $0x0;
	s22 =	ssub.s32 s8, s14  }
0x108: {  	[tilespmem:s26+$0x4130] =	vst v7;
	s14 =	sshll.u32 s23, $0x5;
	p2 =	slt.s32 @!p1 s22, $0x0  }
0x109: {  	[tilespmem:s16+$0x4120] =	vst v3;
	s3 =	sor.u32 s11, s14;
	p2 =	por p2, p1;
	p1 =	sgt.s32 s21, $0x1  }
0x10a: {  	[tilespmem:s16+$0x4100] =	vst v6;
	s8 =	smul.u32 @!p2 $0x500, s3;
	p3 =	slt.s32 @!p1 s22, $0x1  }
0x10b: {  	[tilespmem:s16+$0x4110] =	vst v5;
	s14 =	simm.s32 @!p2 $0x0;
	p1 =	por p3, p1  }
0x10c: {  	[tilespmem:s16+$0x4130] =	vst v1;
	s16 =	simm.s32 @!p2 $0xBE00;
	s8 =	sadd.s32 @!p2 s1, s8;
	s26 =	smul.u32 @!p1 $0x2800, s3  }
0x10d: {  	[tilespmem:s16], [sflag:$0x6] =	stream.linear.gather @!p2 [hbm4b:s8+s14], $0x2800, $0x38;
	[tilespmem:$0x13680] =	vst v63  }
0x10e: {  	p2 =	sgt.s32 s21, $0x2  }
0x10f: {  	s8 =	sshrl.u32 @!p1 s26, $0x3;
	p3 =	slt.s32 @!p2 s22, $0x2  }
0x110: {  	s14 =	simm.s32 @!p1 $0x0;
	s8 =	sadd.s32 @!p1 s1, s8;
	p2 =	por p3, p2  }
0x111: {  	s16 =	simm.s32 @!p1 $0xE600;
	s8 =	sadd.s32 @!p1 $0x186A00, s8;
	s3 =	smul.u32 @!p2 $0x2800, s3  }
0x112: {  	[tilespmem:s16], [sflag:$0x6] =	stream.linear.gather @!p1 [hbm4b:s8+s14], $0x2800, $0x38;
	[tilespmem:$0x13680] =	vst v63  }
0x113: {  	s3 =	sshrl.u32 @!p2 s3, $0x3  }
0x114: {  	s3 =	sadd.s32 @!p2 s1, s3  }
0x115: {  	s8 =	simm.s32 @!p2 $0x0;
	s14 =	simm.s32 @!p2 $0x10E00;
	s3 =	sadd.s32 @!p2 $0x30D400, s3  }
0x116: {  	[tilespmem:s14], [sflag:$0x6] =	stream.linear.gather @!p2 [hbm4b:s3+s8], $0x2800, $0x38;
	[tilespmem:$0x13680] =	vst v63  }
.LBB2_9:
0x117: {  	p1 =	seq.s32 s17, $0x0  }
0x118: {  	s3 =	simm.s32 @!p1 $0x7  }
0x119: {  	_ =	swait.ge @!p1 [sflag:s3], $0x500  }
0x11a: {  	[sflag:s3] =	ssyncset.done @!p1 $0x0  }
0x11b: {  	p2 =	sgt.s32 s19, $0x0;
	[sflag:s3] =	ssyncadd.s32 @!p1 $0xFFFFFB00  }
0x11c: {  	p3 =	slt.s32 @!p2 s20, $0x0;
	_ =	swait.ge @!p1 [sflag:s3], $0x500  }
0x11d: {  	p2 =	por p3, p2;
	[sflag:s3] =	ssyncset.done @!p1 $0x0  }
0x11e: {  	[sflag:s3] =	ssyncadd.s32 @!p1 $0xFFFFFB00;
	s3 =	simm.s32 @!p2 $0x5;
	p1 =	sgt.s32 s19, $0x1  }
0x11f: {  	_ =	swait.ge @!p2 [sflag:s3], $0x2800;
	p3 =	slt.s32 @!p1 s20, $0x1  }
0x120: {  	[sflag:s3] =	ssyncset.done @!p2 $0x0;
	p1 =	por p3, p1  }
0x121: {  	[sflag:s3] =	ssyncadd.s32 @!p2 $0xFFFFD800;
	s3 =	simm.s32 @!p1 $0x5;
	p2 =	sgt.s32 s19, $0x2  }
0x122: {  	_ =	swait.ge @!p1 [sflag:s3], $0x2800;
	p3 =	slt.s32 @!p2 s20, $0x2  }
0x123: {  	p2 =	por p3, p2;
	[sflag:s3] =	ssyncset.done @!p1 $0x0  }
0x124: {  	[sflag:s3] =	ssyncadd.s32 @!p1 $0xFFFFD800;
	s3 =	simm.s32 @!p2 $0x5  }
0x125: {  	_ =	swait.ge @!p2 [sflag:s3], $0x2800  }
0x126: {  	[sflag:s3] =	ssyncset.done @!p2 $0x0  }
0x127: {  	[sflag:s3] =	ssyncadd.s32 @!p2 $0xFFFFD800  }
0x128: {  	_ =	swait.ge [sflag:s29], $0x500  }
0x129: {  	[sflag:s29] =	ssyncset.done $0x0  }
0x12a: {  	[sflag:s29] =	ssyncadd.s32 $0xFFFFFB00  }
0x12b: {  	_ =	swait.ge [sflag:s29], $0x500  }
0x12c: {  	[sflag:s29] =	ssyncset.done $0x0  }
0x12d: {  	[sflag:s29] =	ssyncadd.s32 $0xFFFFFB00  }
0x12e: {  	_ =	swait.ge [sflag:s29], $0x500  }
0x12f: {  	[sflag:s29] =	ssyncset.done $0x0  }
0x130: {  	s26 =	simm.s32 $0x0;
	[sflag:s29] =	ssyncadd.s32 $0xFFFFFB00  }
0x131: {  	v1 =	vld [tilespmem:s26+$0x3C00];
	_ =	sdelay $0x4  }
0x132: {  	v2 =	vmov s24;
	v3 =	vshrl.u32 v1, $0x3  }
0x133: {  	v2 =	vshll.u32 v2, $0x3;
	v3 =	vmul.u32 $0x2800, v3  }
0x134: {  	v2 =	vand.u32 $0x3C00, v2;
	v1 =	vshll.u32 v1, $0x7  }
0x135: {  	v4 =	vor.u32 s24, v0;
	v1 =	vand.u32 $0x380, v1;
	v2 =	vadd.s32 v2, v3  }
0x136: {  	v3 =	vand.u32 $0x4F, v4;
	v1 =	vor.u32 v1, v2  }
0x137: {  	v1 =	vor.u32 v3, v1  }
0x138: {  	v4 =	vld [tilespmem:s26+$0x1400]  }
0x139: {  	v2 =	vld [tilespmem:s26+$0xA00]  }
0x13a: {  	v3 =	vld [tilespmem:s26+$0x3C10]  }
0x13b: {  	v5 =	vld [tilespmem:s26+$0x1E00]  }
0x13c: {  	s16 =	simm.s32 $0x10;
	v1 =	vld.idx.msk [tilespmem:v1+s30+$0x0], $0xffff  }
0x13d: {  	v6 =	vmov s16  }
0x13e: {  	v6 =	vshll.u32 v6, $0x3  }
0x13f: {  	v4 =	vmul.f32 $9.499999880e-01, v4;
	v2 =	vmul.f32 $9.499999880e-01, v2;
	v7 =	vshrl.u32 v3, $0x3  }
0x140: {  	v8 =	vor.u32 s16, v0;
	v6 =	vand.u32 $0x3C00, v6;
	v7 =	vmul.u32 $0x2800, v7  }
0x141: {  	v3 =	vshll.u32 v3, $0x7;
	v4 =	vadd.f32 v4, v5;
	v2 =	vadd.f32 v2, v1  }
0x142: {  	v3 =	vand.u32 $0x380, v3;
	v6 =	vadd.s32 v6, v7;
	v7 =	vand.u32 $0x5F, v8  }
0x143: {  	v3 =	vor.u32 v3, v6;
	v4 =	vmul.f32 v4, v1;
	v2 =	vmul.f32 v2, v5  }
0x144: {  	[tilespmem:s26+$0x2800] =	vst v1;
	v1 =	vor.u32 v7, v3  }
0x145: {  	v3 =	vld [tilespmem:s26+$0xA10];
	v2 =	vsub.f32 v4, v2  }
0x146: {  	v4 =	vld [tilespmem:s26+$0x3C20]  }
0x147: {  	[tilespmem:s26+$0x3200] =	vst v2;
	v2 =	vld [tilespmem:s26+$0x1410]  }
0x148: {  	v5 =	vld [tilespmem:s26+$0x1E10]  }
0x149: {  	s8 =	simm.s32 $0x20;
	v1 =	vld.idx.msk [tilespmem:v1+s30+$0x0], $0xffff  }
0x14a: {  	v6 =	vmov s8  }
0x14b: {  	v6 =	vshll.u32 v6, $0x3;
	v3 =	vmul.f32 $9.499999880e-01, v3;
	v7 =	vshrl.u32 v4, $0x3  }
0x14c: {  	v4 =	vshll.u32 v4, $0x7;
	v7 =	vmul.u32 $0x2800, v7;
	v2 =	vmul.f32 $9.499999880e-01, v2  }
0x14d: {  	v62 =	vor.u32 s8, v0;
	v6 =	vand.u32 $0x3C00, v6;
	v4 =	vand.u32 $0x380, v4  }
0x14e: {  	v3 =	vadd.f32 v3, v1;
	v6 =	vadd.s32 v6, v7;
	v2 =	vadd.f32 v2, v5  }
0x14f: {  	v7 =	vand.u32 $0x6F, v62;
	v4 =	vor.u32 v4, v6  }
0x150: {  	[tilespmem:s26+$0x2810] =	vst v1;
	v3 =	vmul.f32 v3, v5;
	v2 =	vmul.f32 v2, v1;
	v1 =	vor.u32 v7, v4;
	_ =	sdelay $0x1  }
0x151: {  	v4 =	vld [tilespmem:s26+$0x3C30];
	v2 =	vsub.f32 v2, v3  }
0x152: {  	v3 =	vld [tilespmem:s26+$0xA20]  }
0x153: {  	[tilespmem:s26+$0x3210] =	vst v2;
	v2 =	vld [tilespmem:s26+$0x1420]  }
0x154: {  	v1 =	vld.idx.msk [tilespmem:v1+s30+$0x0], $0xffff  }
0x155: {  	s14 =	simm.s32 $0x30;
	v5 =	vld [tilespmem:s26+$0x1E20]  }
0x156: {  	v63 =	vor.u32 s14, v0  }
0x157: {  	v6 =	vmov s14;
	v7 =	vshrl.u32 v4, $0x3;
	v3 =	vmul.f32 $9.499999880e-01, v3  }
0x158: {  	v6 =	vshll.u32 v6, $0x3;
	v7 =	vmul.u32 $0x2800, v7;
	v2 =	vmul.f32 $9.499999880e-01, v2  }
0x159: {  	v6 =	vand.u32 $0x3C00, v6;
	v4 =	vshll.u32 v4, $0x7;
	v3 =	vadd.f32 v3, v1  }
0x15a: {  	v4 =	vand.u32 $0x380, v4;
	v6 =	vadd.s32 v6, v7;
	v2 =	vadd.f32 v2, v5  }
0x15b: {  	v4 =	vor.u32 v4, v6;
	v5 =	vmul.f32 v3, v5;
	v3 =	vand.u32 $0x7F, v63  }
0x15c: {  	v2 =	vmul.f32 v2, v1;
	v3 =	vor.u32 v3, v4  }
0x15d: {  	s16 =	sshll.u32 s17, $0x6  }
0x15e: {  	s16 =	sor.u32 s11, s16;
	s3 =	simm.s32 $0x40;
	s8 =	simm.s32 $0x200;
	v4 =	vsub.f32 v2, v5;
	v2 =	vld [tilespmem:s26+$0xA30]  }
.LBB2_10:
0x15f: {  	p1 =	sne.s32 s8, $0x1300;
	v5 =	vld [tilespmem:s3+$0x3C00];
	[tilespmem:s26+$0x2820] =	vst v1  }
0x160: {  	[tilespmem:s26+$0x3220] =	vst v4;
	v1 =	vld [tilespmem:s26+$0x1430]  }
0x161: {  	v3 =	vld.idx.msk [tilespmem:v3+s30+$0x0], $0xffff  }
0x162: {  	s24 =	sadd.s32 $0x40, s24;
	v4 =	vld [tilespmem:s26+$0x1E30]  }
0x163: {  	v6 =	vmov s24  }
0x164: {  	v6 =	vshll.u32 v6, $0x3;
	v2 =	vmul.f32 $9.499999880e-01, v2;
	v7 =	vshrl.u32 v5, $0x3  }
0x165: {  	v5 =	vshll.u32 v5, $0x7;
	v7 =	vmul.u32 $0x2800, v7;
	v1 =	vmul.f32 $9.499999880e-01, v1  }
0x166: {  	v8 =	vor.u32 s24, v0;
	v6 =	vand.u32 $0x3C00, v6;
	v5 =	vand.u32 $0x380, v5  }
0x167: {  	v2 =	vadd.f32 v2, v3;
	v6 =	vadd.s32 v6, v7;
	v1 =	vadd.f32 v1, v4;
	[tilespmem:s26+$0x2830] =	vst v3  }
0x168: {  	v7 =	vand.u32 $0x4F, v8;
	v5 =	vor.u32 v5, v6  }
0x169: {  	v2 =	vmul.f32 v2, v4;
	v5 =	vor.u32 v7, v5;
	v1 =	vmul.f32 v1, v3;
	_ =	sdelay $0x1  }
0x16a: {  	v3 =	vld [tilespmem:s3+$0xA00];
	v1 =	vsub.f32 v1, v2  }
0x16b: {  	v2 =	vld [tilespmem:s3+$0x3C10]  }
0x16c: {  	v4 =	vld [tilespmem:s3+$0x1400];
	[tilespmem:s26+$0x3230] =	vst v1;
	s26 =	smov.u32 s3  }
0x16d: {  	v1 =	vld.idx.msk [tilespmem:v5+s30+$0x0], $0xffff  }
0x16e: {  	s3 =	sadd.s32 $0x10, s24;
	v5 =	vld [tilespmem:s26+$0x1E00]  }
0x16f: {  	v6 =	vmov s3  }
0x170: {  	v6 =	vshll.u32 v6, $0x3;
	v7 =	vshrl.u32 v2, $0x3;
	v2 =	vshll.u32 v2, $0x7  }
0x171: {  	v3 =	vmul.f32 $9.499999880e-01, v3;
	v4 =	vmul.f32 $9.499999880e-01, v4;
	v7 =	vmul.u32 $0x2800, v7  }
0x172: {  	v8 =	vor.u32 s3, v0;
	v6 =	vand.u32 $0x3C00, v6;
	v2 =	vand.u32 $0x380, v2  }
0x173: {  	v3 =	vadd.f32 v3, v1;
	v4 =	vadd.f32 v4, v5;
	[tilespmem:s26+$0x2800] =	vst v1;
	v6 =	vadd.s32 v6, v7  }
0x174: {  	v7 =	vand.u32 $0x5F, v8;
	v2 =	vor.u32 v2, v6  }
0x175: {  	v3 =	vmul.f32 v3, v5;
	v1 =	vmul.f32 v4, v1;
	v2 =	vor.u32 v7, v2;
	_ =	sdelay $0x1  }
0x176: {  	v1 =	vsub.f32 v1, v3;
	v3 =	vld [tilespmem:s26+$0xA10]  }
0x177: {  	v4 =	vld [tilespmem:s26+$0x3C20]  }
0x178: {  	[tilespmem:s26+$0x3200] =	vst v1;
	v1 =	vld [tilespmem:s26+$0x1410]  }
0x179: {  	v2 =	vld.idx.msk [tilespmem:v2+s30+$0x0], $0xffff  }
0x17a: {  	s3 =	sadd.s32 $0x20, s24;
	v5 =	vld [tilespmem:s26+$0x1E10]  }
0x17b: {  	v6 =	vmov s3  }
0x17c: {  	v6 =	vshll.u32 v6, $0x3;
	v7 =	vshrl.u32 v4, $0x3;
	v4 =	vshll.u32 v4, $0x7  }
0x17d: {  	v3 =	vmul.f32 $9.499999880e-01, v3;
	v1 =	vmul.f32 $9.499999880e-01, v1;
	v7 =	vmul.u32 $0x2800, v7  }
0x17e: {  	v8 =	vor.u32 s3, v0;
	v6 =	vand.u32 $0x3C00, v6;
	v4 =	vand.u32 $0x380, v4  }
0x17f: {  	v3 =	vadd.f32 v3, v2;
	v1 =	vadd.f32 v1, v5;
	[tilespmem:s26+$0x2810] =	vst v2;
	v6 =	vadd.s32 v6, v7  }
0x180: {  	v7 =	vand.u32 $0x6F, v8;
	v4 =	vor.u32 v4, v6  }
0x181: {  	v1 =	vmul.f32 v1, v2;
	v2 =	vmul.f32 v3, v5;
	v3 =	vor.u32 v7, v4;
	_ =	sdelay $0x1  }
0x182: {  	v1 =	vsub.f32 v1, v2;
	v2 =	vld [tilespmem:s26+$0xA20]  }
0x183: {  	v4 =	vld [tilespmem:s26+$0x3C30]  }
0x184: {  	[tilespmem:s26+$0x3210] =	vst v1;
	v5 =	vld [tilespmem:s26+$0x1420]  }
0x185: {  	v1 =	vld.idx.msk [tilespmem:v3+s30+$0x0], $0xffff  }
0x186: {  	s3 =	sadd.s32 $0x30, s24;
	v3 =	vld [tilespmem:s26+$0x1E20]  }
0x187: {  	v6 =	vmov s3  }
0x188: {  	v6 =	vshll.u32 v6, $0x3;
	v7 =	vshrl.u32 v4, $0x3;
	v4 =	vshll.u32 v4, $0x7  }
0x189: {  	v2 =	vmul.f32 $9.499999880e-01, v2;
	v5 =	vmul.f32 $9.499999880e-01, v5;
	v7 =	vmul.u32 $0x2800, v7  }
0x18a: {  	v8 =	vor.u32 s3, v0;
	v6 =	vand.u32 $0x3C00, v6;
	v4 =	vand.u32 $0x380, v4  }
.Ltmp8:
0x18b: {  	v2 =	vadd.f32 v2, v1;
	v5 =	vadd.f32 v5, v3;
	v6 =	vadd.s32 v6, v7;
	(pc) =	sbr.rel @p1 .LBB2_10-.Ltmp8, $3  }
0x18c: {  	v7 =	vand.u32 $0x7F, v8;
	v4 =	vor.u32 v4, v6  }
0x18d: {  	v2 =	vmul.f32 v2, v3;
	v5 =	vmul.f32 v5, v1;
	v3 =	vor.u32 v7, v4;
	_ =	sdelay $0x1  }
0x18e: {  	s3 =	sshra.s32 s8, $0x2;
	s8 =	sadd.s32 $0x100, s8;
	v4 =	vsub.f32 v5, v2;
	v2 =	vld [tilespmem:s26+$0xA30]  }
0x18f: {  	_ = 	snop  }
0x190: {  	v5 =	vld [tilespmem:s3+$0x3C00]  }
0x191: {  	[tilespmem:s26+$0x2820] =	vst v1;
	v1 =	vld [tilespmem:s26+$0x1430]  }
0x192: {  	v43 =	vld [tilespmem:s26+$0x1E30];
	[tilespmem:s26+$0x3220] =	vst v4  }
0x193: {  	s8 =	sadd.s32 $0x40, s24;
	v3 =	vld.idx.msk [tilespmem:v3+s30+$0x0], $0xffff  }
0x194: {  	v6 =	vmov s8  }
0x195: {  	v6 =	vshll.u32 v6, $0x3  }
0x196: {  	v2 =	vmul.f32 $9.499999880e-01, v2;
	v7 =	vshrl.u32 v5, $0x3;
	v1 =	vmul.f32 $9.499999880e-01, v1  }
0x197: {  	v8 =	vor.u32 s8, v0;
	v6 =	vand.u32 $0x3C00, v6;
	v7 =	vmul.u32 $0x2800, v7  }
0x198: {  	v5 =	vshll.u32 v5, $0x7;
	v2 =	vadd.f32 v2, v3;
	v1 =	vadd.f32 v1, v43  }
0x199: {  	v44 =	vand.u32 $0x4F, v8;
	v5 =	vand.u32 $0x380, v5;
	v6 =	vadd.s32 v6, v7  }
0x19a: {  	v5 =	vor.u32 v5, v6;
	v1 =	vmul.f32 v1, v3;
	v2 =	vmul.f32 v2, v43  }
0x19b: {  	[tilespmem:s26+$0x2830] =	vst v3;
	v5 =	vor.u32 v44, v5  }
0x19c: {  	v45 =	vld [tilespmem:s3+$0x1400];
	v1 =	vsub.f32 v1, v2  }
0x19d: {  	v3 =	vld [tilespmem:s3+$0xA00]  }
0x19e: {  	v2 =	vld [tilespmem:s3+$0x3C10];
	[tilespmem:s26+$0x3230] =	vst v1  }
0x19f: {  	v46 =	vld [tilespmem:s3+$0x1E00]  }
0x1a0: {  	s14 =	sadd.s32 $0x10, s8;
	v1 =	vld.idx.msk [tilespmem:v5+s30+$0x0], $0xffff  }
0x1a1: {  	v47 =	vmov s14  }
0x1a2: {  	v6 =	vshll.u32 v47, $0x3  }
0x1a3: {  	v4 =	vmul.f32 $9.499999880e-01, v45;
	v3 =	vmul.f32 $9.499999880e-01, v3;
	v48 =	vshrl.u32 v2, $0x3  }
0x1a4: {  	v49 =	vor.u32 s14, v0;
	v6 =	vand.u32 $0x3C00, v6;
	v7 =	vmul.u32 $0x2800, v48  }
0x1a5: {  	v2 =	vshll.u32 v2, $0x7;
	v4 =	vadd.f32 v4, v46;
	v3 =	vadd.f32 v3, v1  }
0x1a6: {  	v50 =	vand.u32 $0x5F, v49;
	v2 =	vand.u32 $0x380, v2;
	v6 =	vadd.s32 v6, v7  }
0x1a7: {  	v2 =	vor.u32 v2, v6;
	v4 =	vmul.f32 v4, v1;
	v3 =	vmul.f32 v3, v46  }
0x1a8: {  	[tilespmem:s3+$0x2800] =	vst v1;
	v1 =	vor.u32 v50, v2  }
0x1a9: {  	v51 =	vld [tilespmem:s3+$0x3C20];
	v2 =	vsub.f32 v4, v3  }
0x1aa: {  	v3 =	vld [tilespmem:s3+$0xA10]  }
0x1ab: {  	[tilespmem:s3+$0x3200] =	vst v2;
	v2 =	vld [tilespmem:s3+$0x1410]  }
0x1ac: {  	v52 =	vld [tilespmem:s3+$0x1E10]  }
0x1ad: {  	v1 =	vld.idx.msk [tilespmem:v1+s30+$0x0], $0xffff  }
0x1ae: {  	s24 =	sadd.s32 $0x20, s8  }
0x1af: {  	v53 =	vmov s24;
	v54 =	vshrl.u32 v51, $0x3  }
0x1b0: {  	v6 =	vshll.u32 v53, $0x3;
	v3 =	vmul.f32 $9.499999880e-01, v3;
	v2 =	vmul.f32 $9.499999880e-01, v2  }
0x1b1: {  	v55 =	vor.u32 s24, v0;
	v7 =	vmul.u32 $0x2800, v54;
	v6 =	vand.u32 $0x3C00, v6  }
0x1b2: {  	v4 =	vshll.u32 v51, $0x7;
	v3 =	vadd.f32 v3, v1;
	v2 =	vadd.f32 v2, v52  }
0x1b3: {  	v56 =	vand.u32 $0x6F, v55;
	v6 =	vadd.s32 v6, v7;
	v4 =	vand.u32 $0x380, v4  }
0x1b4: {  	v4 =	vor.u32 v4, v6;
	v3 =	vmul.f32 v3, v52;
	v2 =	vmul.f32 v2, v1  }
0x1b5: {  	[tilespmem:s3+$0x2810] =	vst v1;
	v1 =	vor.u32 v56, v4  }
0x1b6: {  	v57 =	vld [tilespmem:s3+$0x3C30];
	v2 =	vsub.f32 v2, v3  }
0x1b7: {  	v3 =	vld [tilespmem:s3+$0xA20]  }
0x1b8: {  	[tilespmem:s3+$0x3210] =	vst v2;
	v2 =	vld [tilespmem:s3+$0x1420]  }
0x1b9: {  	v58 =	vld [tilespmem:s3+$0x1E20]  }
0x1ba: {  	s8 =	sadd.s32 $0x30, s8;
	v1 =	vld.idx.msk [tilespmem:v1+s30+$0x0], $0xffff  }
0x1bb: {  	v59 =	vmov s8;
	v60 =	vshrl.u32 v57, $0x3  }
0x1bc: {  	v7 =	vmul.u32 $0x2800, v60;
	v6 =	vshll.u32 v59, $0x3  }
0x1bd: {  	v6 =	vand.u32 $0x3C00, v6;
	v3 =	vmul.f32 $9.499999880e-01, v3;
	v2 =	vmul.f32 $9.499999880e-01, v2  }
0x1be: {  	v61 =	vor.u32 s8, v0;
	v6 =	vadd.s32 v6, v7;
	v4 =	vshll.u32 v57, $0x7  }
0x1bf: {  	v4 =	vand.u32 $0x380, v4;
	v3 =	vadd.f32 v3, v1;
	v2 =	vadd.f32 v2, v58  }
0x1c0: {  	v62 =	vand.u32 $0x7F, v61;
	v4 =	vor.u32 v4, v6  }
0x1c1: {  	v4 =	vor.u32 v62, v4;
	v3 =	vmul.f32 v3, v58;
	v2 =	vmul.f32 v2, v1;
	_ =	sdelay $0x1  }
0x1c2: {  	[tilespmem:s3+$0x2820] =	vst v1;
	v1 =	vld [tilespmem:s3+$0x1430];
	v2 =	vsub.f32 v2, v3  }
0x1c3: {  	v3 =	vld [tilespmem:s3+$0xA30]  }
0x1c4: {  	v63 =	vld [tilespmem:s3+$0x1E30];
	[tilespmem:s3+$0x3220] =	vst v2  }
0x1c5: {  	v2 =	vld.idx.msk [tilespmem:v4+s30+$0x0], $0xffff;
	_ =	sdelay $0x2  }
0x1c6: {  	v1 =	vmul.f32 $9.499999880e-01, v1;
	v3 =	vmul.f32 $9.499999880e-01, v3;
	_ =	sdelay $0x1  }
0x1c7: {  	v1 =	vadd.f32 v1, v63;
	v3 =	vadd.f32 v3, v2;
	_ =	sdelay $0x1  }
0x1c8: {  	v1 =	vmul.f32 v1, v2;
	v3 =	vmul.f32 v3, v63;
	_ =	sdelay $0x1  }
0x1c9: {  	s26 =	smul.u32 $0xA0, s16;
	v1 =	vsub.f32 v1, v3  }
0x1ca: {  	[tilespmem:s3+$0x2830] =	vst v2  }
0x1cb: {  	s24 =	simm.s32 $0x2800;
	s16 =	sadd.s32 s7, s26;
	[tilespmem:s3+$0x3230] =	vst v1;
	s3 =	sadd.s32 $0x2, s18  }
0x1cc: {  	[hbm4b:s16+s10] =	stream.linear.scatter [tilespmem:s24], [sflag:$0x7], $0x500, $0x38;
	[tilespmem:$0x13680] =	vst v63  }
0x1cd: {  	p1 =	sge.u32 s3, s12  }
0x1ce: {  	s3 =	sshll.u32 @!p1 s3, $0x5  }
0x1cf: {  	s3 =	sor.u32 @!p1 s11, s3  }
0x1d0: {  	s8 =	sadd.s32 s9, s26;
	s26 =	simm.s32 $0x3200;
	s3 =	smul.u32 @!p1 $0xA0, s3  }
0x1d1: {  	[hbm4b:s8+s10] =	stream.linear.scatter [tilespmem:s26], [sflag:$0x7], $0x500, $0x38;
	[tilespmem:$0x13680] =	vst v63  }
0x1d2: {  	s14 =	simm.s32 @!p1 $0x0;
	s8 =	sadd.s32 @!p1 s0, s3  }
0x1d3: {  	[tilespmem:s14], [sflag:$0x1] =	stream.linear.gather @!p1 [hbm4b:s8+s14], $0x500, $0x38;
	[tilespmem:$0x13680] =	vst v63  }
0x1d4: {  	s16 =	simm.s32 @!p1 $0xA00;
	s8 =	sadd.s32 @!p1 s2, s3  }
0x1d5: {  	[tilespmem:s16], [sflag:$0x3] =	stream.linear.gather @!p1 [hbm4b:s8+s14], $0x500, $0x38;
	[tilespmem:$0x13680] =	vst v63  }
0x1d6: {  	s8 =	sadd.s32 @!p1 s4, s3;
	s16 =	simm.s32 @!p1 $0x1400  }
0x1d7: {  	[tilespmem:s16], [sflag:$0x3] =	stream.linear.gather @!p1 [hbm4b:s8+s14], $0x500, $0x38;
	[tilespmem:$0x13680] =	vst v63  }
0x1d8: {  	s3 =	sadd.s32 @!p1 s5, s3;
	s8 =	simm.s32 @!p1 $0x1E00  }
0x1d9: {  	[tilespmem:s8], [sflag:$0x3] =	stream.linear.gather @!p1 [hbm4b:s3+s14], $0x500, $0x38;
	[tilespmem:$0x13680] =	vst v63  }
.LBB2_12:
.Ltmp9:
0x1da: {  	(pc) =	sbr.rel @p0 .LBB2_20-.Ltmp9, $1  }
0x1db: {  	_ =	sdelay $0x3  }
0x1dc: {  	s16 =	sadd.s32 $0x2, s18  }
0x1dd: {  	p0 =	sge.u32 s16, s12  }
.Ltmp10:
0x1de: {  	_ = 	snop;
	(pc) =	sbr.rel @p0 .LBB2_17-.Ltmp10, $2  }
0x1df: {  	_ =	sdelay $0x2  }
0x1e0: {  	s20 =	simm.s32 $0x2;
	s24 =	simm.s32 $0x0;
	s19 =	simm.s32 $0x0  }
0x1e1: {  	_ =	swait.ge [sflag:s31], $0x500  }
0x1e2: {  	[sflag:s31] =	ssyncset.done $0x0  }
0x1e3: {  	s3 =	simm.s32 $0x0;
	[sflag:s31] =	ssyncadd.s32 $0xFFFFFB00  }
0x1e4: {  	v1 =	vld [tilespmem:s3+$0x30]  }
0x1e5: {  	v2 =	vld [tilespmem:s3+$0x20]  }
0x1e6: {  	v3 =	vld [tilespmem:s3+$0x10]  }
0x1e7: {  	v4 =	vld [tilespmem:s3+$0x0];
	_ =	sdelay $0x1  }
0x1e8: {  	s26 =	simm.s32 $0x40  }
0x1e9: {  	v5 =	vld [tilespmem:s26+$0x30]  }
0x1ea: {  	v1 =	vadd.f32 $1.258291200e+07, v1;
	v2 =	vadd.f32 $1.258291200e+07, v2  }
0x1eb: {  	v3 =	vadd.f32 $1.258291200e+07, v3;
	v4 =	vadd.f32 $1.258291200e+07, v4  }
0x1ec: {  	v2 =	vadd.f32 $-1.258291200e+07, v2;
	v1 =	vadd.f32 $-1.258291200e+07, v1  }
0x1ed: {  	v9 =	vimm.s32 $0x13;
	v6 =	vld [tilespmem:s26+$0x20];
	v3 =	vadd.f32 $-1.258291200e+07, v3;
	v4 =	vadd.f32 $-1.258291200e+07, v4  }
0x1ee: {  	v10 =	vimm.s32 $0x0;
	v7 =	vld [tilespmem:s26+$0x10];
	v8 =	vadd.f32 $1.258291200e+07, v5;
	v5 =	vmax.f32 v1, $1.000000000e+00  }
0x1ef: {  	v11 =	vld [tilespmem:s26+$0x0];
	v4 =	vmax.f32 v4, $1.000000000e+00;
	v3 =	vmax.f32 v3, $1.000000000e+00;
	v2 =	vmax.f32 v2, $1.000000000e+00  }
0x1f0: {  	v1 =	vld [tilespmem:$0x13600];
	v3 =	vmin.f32 v3, $1.900000000e+01;
	v2 =	vmin.f32 v2, $1.900000000e+01;
	v5 =	vmin.f32 v5, $1.900000000e+01  }
0x1f1: {  	v4 =	vmin.f32 v4, $1.900000000e+01;
	v2 =	vtrunc.f32 v2;
	v12 =	vtrunc.f32 v5  }
0x1f2: {  	v13 =	vadd.f32 $1.258291200e+07, v6;
	v4 =	vtrunc.f32 v4;
	v3 =	vtrunc.f32 v3  }
0x1f3: {  	v5 =	vadd.f32 $1.258291200e+07, v7;
	v2 =	vcvt.f32.s32 v2;
	v7 =	vcvt.f32.s32 v12  }
0x1f4: {  	v6 =	vadd.f32 $1.258291200e+07, v11;
	v11 =	vcvt.f32.s32 v4;
	v63 =	vcvt.f32.s32 v3  }
0x1f5: {  	v3 =	vadd.f32 $-1.258291200e+07, v13;
	v4 =	vadd.f32 $-1.258291200e+07, v8;
	v7 =	vsub.s32 v1, v7  }
0x1f6: {  	v11 =	vsub.s32 v1, v11;
	v12 =	vsub.s32 v1, v63;
	v8 =	vsub.s32 v1, v2  }
0x1f7: {  	vm1 =	vlt.s32 v11, $0x0;
	v2 =	vadd.s32 $0x14, v11;
	vm0 =	vlt.s32 v7, $0x0  }
0x1f8: {  	vm2 =	vlt.s32 v12, $0x0;
	v2 =	vsel vm1, v2, v11;
	vm1 =	vlt.s32 v8, $0x0  }
0x1f9: {  	v11 =	vadd.s32 $0x14, v12;
	vm3 =	vlt.s32 v9, v2;
	vm4 =	vgt.s32 v10, v2  }
0x1fa: {  	s8 =	simm.s32 $0x200;
	[tilespmem:s3+$0x3C00] =	vst v2;
	v9 =	vsel vm3, v9, v2;
	v10 =	vsel vm4, v10, v2;
	v2 =	vsel vm2, v11, v12  }
.LBB2_15:
0x1fb: {  	s14 =	sshra.s32 s8, $0x2;
	p0 =	sne.s32 s8, $0x1300;
	[tilespmem:s3+$0x3C10] =	vst v2;
	vm2 =	vlt.s32 v9, v2;
	vm3 =	vgt.s32 v10, v2;
	v11 =	vadd.s32 $0x14, v8  }
0x1fc: {  	v12 =	vld [tilespmem:s14+$0x30];
	v9 =	vsel vm2, v9, v2;
	v2 =	vsel vm3, v10, v2;
	v8 =	vsel vm1, v11, v8  }
0x1fd: {  	v10 =	vadd.s32 $0x14, v7;
	[tilespmem:s3+$0x3C20] =	vst v8;
	vm1 =	vlt.s32 v9, v8;
	vm2 =	vgt.s32 v2, v8  }
0x1fe: {  	v7 =	vsel vm0, v10, v7;
	v9 =	vsel vm1, v9, v8;
	v2 =	vsel vm2, v2, v8  }
0x1ff: {  	v5 =	vadd.f32 $-1.258291200e+07, v5;
	[tilespmem:s3+$0x3C30] =	vst v7;
	vm0 =	vlt.s32 v9, v7;
	vm1 =	vgt.s32 v2, v7;
	s3 =	smov.u32 s26;
	s26 =	smov.u32 s14  }
0x200: {  	v6 =	vadd.f32 $-1.258291200e+07, v6;
	v8 =	vld [tilespmem:s26+$0x20];
	v9 =	vsel vm0, v9, v7;
	v2 =	vsel vm1, v2, v7  }
0x201: {  	v4 =	vmax.f32 v4, $1.000000000e+00;
	v7 =	vld [tilespmem:s26+$0x10];
	v10 =	vadd.f32 $1.258291200e+07, v12  }
0x202: {  	v3 =	vmax.f32 v3, $1.000000000e+00;
	v6 =	vmax.f32 v6, $1.000000000e+00;
	v5 =	vmax.f32 v5, $1.000000000e+00;
	v11 =	vld [tilespmem:s26+$0x0]  }
0x203: {  	v3 =	vmin.f32 v3, $1.900000000e+01;
	v4 =	vmin.f32 v4, $1.900000000e+01;
	v5 =	vmin.f32 v5, $1.900000000e+01  }
0x204: {  	v3 =	vtrunc.f32 v3;
	v4 =	vtrunc.f32 v4;
	v6 =	vmin.f32 v6, $1.900000000e+01  }
0x205: {  	v13 =	vtrunc.f32 v5;
	v12 =	vtrunc.f32 v6;
	v8 =	vadd.f32 $1.258291200e+07, v8  }
0x206: {  	v14 =	vcvt.f32.s32 v3;
	v5 =	vadd.f32 $1.258291200e+07, v7;
	v7 =	vcvt.f32.s32 v4  }
0x207: {  	v6 =	vadd.f32 $1.258291200e+07, v11;
	v11 =	vcvt.f32.s32 v12;
	v12 =	vcvt.f32.s32 v13  }
0x208: {  	v4 =	vadd.f32 $-1.258291200e+07, v10;
	v3 =	vadd.f32 $-1.258291200e+07, v8;
	v7 =	vsub.s32 v1, v7  }
.Ltmp11:
0x209: {  	v8 =	vsub.s32 v1, v14;
	v10 =	vsub.s32 v1, v11;
	v11 =	vsub.s32 v1, v12;
	(pc) =	sbr.rel @p0 .LBB2_15-.Ltmp11, $4  }
0x20a: {  	vm0 =	vlt.s32 v7, $0x0;
	vm1 =	vlt.s32 v10, $0x0;
	v12 =	vadd.s32 $0x14, v10  }
0x20b: {  	vm2 =	vlt.s32 v11, $0x0;
	v10 =	vsel vm1, v12, v10;
	vm1 =	vlt.s32 v8, $0x0  }
0x20c: {  	v12 =	vadd.s32 $0x14, v11;
	[tilespmem:s3+$0x3C00] =	vst v10;
	vm3 =	vlt.s32 v9, v10;
	vm4 =	vgt.s32 v2, v10  }
0x20d: {  	s8 =	sadd.s32 $0x100, s8;
	v9 =	vsel vm3, v9, v10;
	v10 =	vsel vm4, v2, v10;
	v2 =	vsel vm2, v12, v11  }
0x20e: {  	vm2 =	vlt.s32 v9, v2;
	vm3 =	vgt.s32 v10, v2  }
0x20f: {  	v11 =	vadd.s32 $0x14, v8;
	v55 =	vadd.s32 $0x14, v7;
	v6 =	vadd.f32 $-1.258291200e+07, v6  }
0x210: {  	v5 =	vadd.f32 $-1.258291200e+07, v5;
	v4 =	vmax.f32 v4, $1.000000000e+00;
	v3 =	vmax.f32 v3, $1.000000000e+00  }
0x211: {  	v9 =	vsel vm2, v9, v2;
	v10 =	vsel vm3, v10, v2;
	v8 =	vsel vm1, v11, v8  }
0x212: {  	v7 =	vsel vm0, v55, v7;
	v3 =	vmin.f32 v3, $1.900000000e+01;
	v4 =	vmin.f32 v4, $1.900000000e+01  }
0x213: {  	vm1 =	vlt.s32 v9, v8;
	vm10 =	vgt.s32 v10, v8;
	v6 =	vmax.f32 v6, $1.000000000e+00  }
0x214: {  	v5 =	vmax.f32 v5, $1.000000000e+00;
	v3 =	vtrunc.f32 v3;
	v6 =	vmin.f32 v6, $1.900000000e+01  }
0x215: {  	v4 =	vtrunc.f32 v4;
	v9 =	vsel vm1, v9, v8;
	v6 =	vtrunc.f32 v6  }
0x216: {  	v5 =	vmin.f32 v5, $1.900000000e+01;
	v3 =	vcvt.f32.s32 v3;
	v6 =	vcvt.f32.s32 v6  }
0x217: {  	v10 =	vsel vm10, v10, v8;
	v4 =	vcvt.f32.s32 v4;
	v5 =	vtrunc.f32 v5  }
0x218: {  	vm1 =	vlt.s32 v9, v7;
	v5 =	vcvt.f32.s32 v5;
	v6 =	vsub.s32 v1, v6  }
0x219: {  	vm0 =	vgt.s32 v10, v7;
	vm11 =	vlt.s32 v6, $0x0;
	v56 =	vadd.s32 $0x14, v6  }
0x21a: {  	v9 =	vsel vm1, v9, v7;
	v5 =	vsub.s32 v1, v5;
	v6 =	vsel vm11, v56, v6  }
0x21b: {  	vm12 =	vlt.s32 v5, $0x0;
	v57 =	vadd.s32 $0x14, v5;
	vm13 =	vlt.s32 v9, v6  }
0x21c: {  	v3 =	vsub.s32 v1, v3;
	v5 =	vsel vm12, v57, v5;
	v9 =	vsel vm13, v9, v6  }
0x21d: {  	vm14 =	vlt.s32 v3, $0x0;
	v58 =	vadd.s32 $0x14, v3;
	vm2 =	vlt.s32 v9, v5  }
0x21e: {  	v1 =	vsub.s32 v1, v4;
	v3 =	vsel vm14, v58, v3;
	v59 =	vsel vm2, v9, v5  }
0x21f: {  	vm15 =	vlt.s32 v1, $0x0;
	v60 =	vadd.s32 $0x14, v1;
	vm2 =	vlt.s32 v59, v3  }
0x220: {  	v10 =	vsel vm0, v10, v7;
	v1 =	vsel vm15, v60, v1;
	v4 =	vsel vm2, v59, v3  }
0x221: {  	vm0 =	vgt.s32 v10, v6;
	vm1 =	vlt.s32 v4, v1  }
0x222: {  	v61 =	vsel vm0, v10, v6;
	v4 =	vsel vm1, v4, v1  }
0x223: {  	vm0 =	vgt.s32 v61, v5;
	v4 =	vxor.u32 $0x80000000, v4  }
0x224: {  	v9 =	vsel vm0, v61, v5;
	(xrf0) =	vmin.scan.msk.u32 $0xffff, v4  }
0x225: {  	vm0 =	vgt.s32 v9, v3  }
0x226: {  	v62 =	vsel vm0, v9, v3  }
0x227: {  	vm0 =	vgt.s32 v62, v1  }
0x228: {  	v4 =	vsel vm0, v62, v1  }
0x229: {  	v4 =	vxor.u32 $0x80000000, v4  }
0x22a: {  	v63, _, _ =	vpop (xrf0);
	(xrf0) =	vmax.scan.msk.u32 $0xffff, v4;
	_ =	sdelay $0x1  }
0x22b: {  	(v2sf) =	vpush v63, $0xF;
	_ =	sdelay $0x3  }
0x22c: {  	v4, _, _ =	vpop (xrf0)  }
0x22d: {  	(v2sf) =	vpush v4, $0xF;
	_ =	sdelay $0x9  }
0x22e: {  	s8 =	spop (v2sf)  }
0x22f: {  	s14 =	sxor.u32 $0x80000000, s8  }
0x230: {  	p1 =	sgt.s32 s8, $0xFFFFFFFF;
	s19 =	sshra.s32 s14, $0x1F  }
0x231: {  	s8 =	sand.u32 $0x7, s8;
	p0 =	slt.s32 s14, $0x1;
	s19 =	sshrl.u32 s19, $0x1D  }
0x232: {  	p3 =	sne.s32 s8, $0x0;
	p0 =	por p1, p0;
	s14 =	sadd.s32 s19, s14  }
0x233: {  	p0 =	por !p3, !p0;
	s8 =	sshra.s32 s14, $0x3;
	s14 =	spop (v2sf)  }
0x234: {  	s19 =	simm.s32 $0x1;
	p0 =	por !p0, !p0;
	s20 =	sxor.u32 $0x80000000, s14  }
0x235: {  	p2 =	sgt.s32 s14, $0xFFFFFFFF;
	s14 =	sand.u32 $0x7, s14;
	p4 =	slt.s32 s20, $0x1  }
0x236: {  	p5 =	sne.s32 s14, $0x0;
	s14 =	sshra.s32 s20, $0x1F;
	p1 =	por p2, p4  }
0x237: {  	s19 =	simm.s32 @!p0 $0x0;
	s14 =	sshrl.u32 s14, $0x1D;
	p6 =	por !p5, !p1  }
0x238: {  	s14 =	sadd.s32 s14, s20;
	s20 =	simm.s32 $0x1;
	p0 =	por !p6, !p6  }
0x239: {  	[tilespmem:s3+$0x3C10] =	vst v2;
	s19 =	ssub.s32 s8, s19;
	s14 =	sshra.s32 s14, $0x3;
	s20 =	simm.s32 @!p0 $0x0  }
0x23a: {  	[tilespmem:s3+$0x3C20] =	vst v8;
	p0 =	sgt.s32 s19, $0x0;
	s20 =	ssub.s32 s14, s20  }
0x23b: {  	s16 =	sshll.u32 s16, $0x5;
	[tilespmem:s3+$0x3C30] =	vst v7;
	p1 =	slt.s32 @!p0 s20, $0x0  }
0x23c: {  	s3 =	sor.u32 s11, s16;
	[tilespmem:s26+$0x3C20] =	vst v3;
	p1 =	por p1, p0;
	p0 =	sgt.s32 s19, $0x1  }
0x23d: {  	[tilespmem:s26+$0x3C00] =	vst v6;
	s8 =	smul.u32 @!p1 $0x500, s3;
	p2 =	slt.s32 @!p0 s20, $0x1  }
0x23e: {  	[tilespmem:s26+$0x3C10] =	vst v5;
	s14 =	simm.s32 @!p1 $0x0;
	p0 =	por p2, p0  }
0x23f: {  	[tilespmem:s26+$0x3C30] =	vst v1;
	s16 =	simm.s32 @!p1 $0x4600;
	s8 =	sadd.s32 @!p1 s1, s8;
	s26 =	smul.u32 @!p0 $0x2800, s3  }
0x240: {  	[tilespmem:s16], [sflag:$0x5] =	stream.linear.gather @!p1 [hbm4b:s8+s14], $0x2800, $0x38;
	[tilespmem:$0x13680] =	vst v63  }
0x241: {  	p1 =	sgt.s32 s19, $0x2  }
0x242: {  	s8 =	sshrl.u32 @!p0 s26, $0x3;
	p2 =	slt.s32 @!p1 s20, $0x2  }
0x243: {  	s14 =	simm.s32 @!p0 $0x0;
	s8 =	sadd.s32 @!p0 s1, s8;
	p1 =	por p2, p1  }
0x244: {  	s16 =	simm.s32 @!p0 $0x6E00;
	s8 =	sadd.s32 @!p0 $0x186A00, s8;
	s3 =	smul.u32 @!p1 $0x2800, s3  }
0x245: {  	[tilespmem:s16], [sflag:$0x5] =	stream.linear.gather @!p0 [hbm4b:s8+s14], $0x2800, $0x38;
	[tilespmem:$0x13680] =	vst v63  }
0x246: {  	s3 =	sshrl.u32 @!p1 s3, $0x3  }
0x247: {  	s3 =	sadd.s32 @!p1 s1, s3  }
0x248: {  	s8 =	simm.s32 @!p1 $0x0;
	s14 =	simm.s32 @!p1 $0x9600;
	s3 =	sadd.s32 @!p1 $0x30D400, s3  }
0x249: {  	[tilespmem:s14], [sflag:$0x5] =	stream.linear.gather @!p1 [hbm4b:s3+s8], $0x2800, $0x38;
	[tilespmem:$0x13680] =	vst v63  }
.LBB2_17:
0x24a: {  	_ =	swait.ge [sflag:s6], $0x500  }
0x24b: {  	[sflag:s6] =	ssyncset.done $0x0  }
0x24c: {  	p0 =	sgt.s32 s21, $0x0;
	[sflag:s6] =	ssyncadd.s32 $0xFFFFFB00  }
0x24d: {  	p1 =	slt.s32 @!p0 s22, $0x0;
	_ =	swait.ge [sflag:s6], $0x500  }
0x24e: {  	p0 =	por p1, p0;
	[sflag:s6] =	ssyncset.done $0x0  }
0x24f: {  	p1 =	sgt.s32 s21, $0x1;
	s3 =	simm.s32 @!p0 $0x6;
	[sflag:s6] =	ssyncadd.s32 $0xFFFFFB00  }
0x250: {  	p2 =	slt.s32 @!p1 s22, $0x1;
	_ =	swait.ge @!p0 [sflag:s3], $0x2800  }
0x251: {  	p1 =	por p2, p1;
	[sflag:s3] =	ssyncset.done @!p0 $0x0  }
0x252: {  	[sflag:s3] =	ssyncadd.s32 @!p0 $0xFFFFD800;
	s3 =	simm.s32 @!p1 $0x6;
	p0 =	sgt.s32 s21, $0x2  }
0x253: {  	_ =	swait.ge @!p1 [sflag:s3], $0x2800;
	p2 =	slt.s32 @!p0 s22, $0x2  }
0x254: {  	p0 =	por p2, p0;
	[sflag:s3] =	ssyncset.done @!p1 $0x0  }
0x255: {  	[sflag:s3] =	ssyncadd.s32 @!p1 $0xFFFFD800;
	s3 =	simm.s32 @!p0 $0x6  }
0x256: {  	_ =	swait.ge @!p0 [sflag:s3], $0x2800  }
0x257: {  	[sflag:s3] =	ssyncset.done @!p0 $0x0  }
0x258: {  	[sflag:s3] =	ssyncadd.s32 @!p0 $0xFFFFD800  }
0x259: {  	_ =	swait.ge [sflag:s25], $0x500  }
0x25a: {  	[sflag:s25] =	ssyncset.done $0x0  }
0x25b: {  	[sflag:s25] =	ssyncadd.s32 $0xFFFFFB00  }
0x25c: {  	_ =	swait.ge [sflag:s25], $0x500  }
0x25d: {  	[sflag:s25] =	ssyncset.done $0x0  }
0x25e: {  	[sflag:s25] =	ssyncadd.s32 $0xFFFFFB00  }
0x25f: {  	_ =	swait.ge [sflag:s25], $0x500  }
0x260: {  	[sflag:s25] =	ssyncset.done $0x0  }
0x261: {  	s26 =	simm.s32 $0x0;
	[sflag:s25] =	ssyncadd.s32 $0xFFFFFB00  }
0x262: {  	v1 =	vld [tilespmem:s26+$0x4100];
	_ =	sdelay $0x4  }
0x263: {  	v2 =	vmov s24;
	v3 =	vshrl.u32 v1, $0x3  }
0x264: {  	v2 =	vshll.u32 v2, $0x3;
	v3 =	vmul.u32 $0x2800, v3  }
0x265: {  	v2 =	vand.u32 $0x3C00, v2;
	v1 =	vshll.u32 v1, $0x7  }
0x266: {  	v4 =	vor.u32 s24, v0;
	v1 =	vand.u32 $0x380, v1;
	v2 =	vadd.s32 v2, v3  }
0x267: {  	v3 =	vand.u32 $0x4F, v4;
	v1 =	vor.u32 v1, v2  }
0x268: {  	v1 =	vor.u32 v3, v1  }
0x269: {  	v4 =	vld [tilespmem:s26+$0x1900]  }
0x26a: {  	v2 =	vld [tilespmem:s26+$0xF00]  }
0x26b: {  	v3 =	vld [tilespmem:s26+$0x4110]  }
0x26c: {  	v5 =	vld [tilespmem:s26+$0x2300]  }
0x26d: {  	s8 =	simm.s32 $0x10;
	v1 =	vld.idx.msk [tilespmem:v1+s13+$0x0], $0xffff  }
0x26e: {  	v6 =	vmov s8  }
0x26f: {  	v6 =	vshll.u32 v6, $0x3  }
0x270: {  	v4 =	vmul.f32 $9.499999880e-01, v4;
	v2 =	vmul.f32 $9.499999880e-01, v2;
	v7 =	vshrl.u32 v3, $0x3  }
0x271: {  	v8 =	vor.u32 s8, v0;
	v6 =	vand.u32 $0x3C00, v6;
	v7 =	vmul.u32 $0x2800, v7  }
0x272: {  	v3 =	vshll.u32 v3, $0x7;
	v4 =	vadd.f32 v4, v5;
	v2 =	vadd.f32 v2, v1  }
0x273: {  	v3 =	vand.u32 $0x380, v3;
	v6 =	vadd.s32 v6, v7;
	v7 =	vand.u32 $0x5F, v8  }
0x274: {  	v3 =	vor.u32 v3, v6;
	v4 =	vmul.f32 v4, v1;
	v2 =	vmul.f32 v2, v5  }
0x275: {  	[tilespmem:s26+$0x2D00] =	vst v1;
	v1 =	vor.u32 v7, v3  }
0x276: {  	v3 =	vld [tilespmem:s26+$0xF10];
	v2 =	vsub.f32 v4, v2  }
0x277: {  	v4 =	vld [tilespmem:s26+$0x4120]  }
0x278: {  	[tilespmem:s26+$0x3700] =	vst v2;
	v2 =	vld [tilespmem:s26+$0x1910]  }
0x279: {  	v5 =	vld [tilespmem:s26+$0x2310]  }
0x27a: {  	s14 =	simm.s32 $0x20;
	v1 =	vld.idx.msk [tilespmem:v1+s13+$0x0], $0xffff  }
0x27b: {  	v6 =	vmov s14  }
0x27c: {  	v6 =	vshll.u32 v6, $0x3;
	v3 =	vmul.f32 $9.499999880e-01, v3;
	v7 =	vshrl.u32 v4, $0x3  }
0x27d: {  	v4 =	vshll.u32 v4, $0x7;
	v7 =	vmul.u32 $0x2800, v7;
	v2 =	vmul.f32 $9.499999880e-01, v2  }
0x27e: {  	v62 =	vor.u32 s14, v0;
	v6 =	vand.u32 $0x3C00, v6;
	v4 =	vand.u32 $0x380, v4  }
0x27f: {  	v3 =	vadd.f32 v3, v1;
	v6 =	vadd.s32 v6, v7;
	v2 =	vadd.f32 v2, v5  }
0x280: {  	v7 =	vand.u32 $0x6F, v62;
	v4 =	vor.u32 v4, v6  }
0x281: {  	[tilespmem:s26+$0x2D10] =	vst v1;
	v3 =	vmul.f32 v3, v5;
	v2 =	vmul.f32 v2, v1;
	v1 =	vor.u32 v7, v4;
	_ =	sdelay $0x1  }
0x282: {  	v4 =	vld [tilespmem:s26+$0x4130];
	v2 =	vsub.f32 v2, v3  }
0x283: {  	v3 =	vld [tilespmem:s26+$0xF20]  }
0x284: {  	[tilespmem:s26+$0x3710] =	vst v2;
	v2 =	vld [tilespmem:s26+$0x1920]  }
0x285: {  	v1 =	vld.idx.msk [tilespmem:v1+s13+$0x0], $0xffff  }
0x286: {  	s16 =	simm.s32 $0x30;
	v5 =	vld [tilespmem:s26+$0x2320]  }
0x287: {  	v63 =	vor.u32 s16, v0  }
0x288: {  	v6 =	vmov s16;
	v7 =	vshrl.u32 v4, $0x3;
	v3 =	vmul.f32 $9.499999880e-01, v3  }
0x289: {  	v6 =	vshll.u32 v6, $0x3;
	v7 =	vmul.u32 $0x2800, v7;
	v2 =	vmul.f32 $9.499999880e-01, v2  }
0x28a: {  	v6 =	vand.u32 $0x3C00, v6;
	v4 =	vshll.u32 v4, $0x7;
	v3 =	vadd.f32 v3, v1  }
0x28b: {  	v4 =	vand.u32 $0x380, v4;
	v6 =	vadd.s32 v6, v7;
	v2 =	vadd.f32 v2, v5  }
0x28c: {  	v4 =	vor.u32 v4, v6;
	v5 =	vmul.f32 v3, v5;
	v3 =	vand.u32 $0x7F, v63  }
0x28d: {  	v2 =	vmul.f32 v2, v1;
	v3 =	vor.u32 v3, v4  }
0x28e: {  	s23 =	sshll.u32 s23, $0x5  }
0x28f: {  	s8 =	simm.s32 $0x200;
	s3 =	simm.s32 $0x40;
	s16 =	sor.u32 s11, s23;
	v4 =	vsub.f32 v2, v5;
	v2 =	vld [tilespmem:s26+$0xF30]  }
.LBB2_18:
0x290: {  	p0 =	sne.s32 s8, $0x1300;
	v5 =	vld [tilespmem:s3+$0x4100];
	[tilespmem:s26+$0x2D20] =	vst v1  }
0x291: {  	[tilespmem:s26+$0x3720] =	vst v4;
	v1 =	vld [tilespmem:s26+$0x1930]  }
0x292: {  	v3 =	vld.idx.msk [tilespmem:v3+s13+$0x0], $0xffff  }
0x293: {  	s24 =	sadd.s32 $0x40, s24;
	v4 =	vld [tilespmem:s26+$0x2330]  }
0x294: {  	v6 =	vmov s24  }
0x295: {  	v6 =	vshll.u32 v6, $0x3;
	v2 =	vmul.f32 $9.499999880e-01, v2;
	v7 =	vshrl.u32 v5, $0x3  }
0x296: {  	v5 =	vshll.u32 v5, $0x7;
	v7 =	vmul.u32 $0x2800, v7;
	v1 =	vmul.f32 $9.499999880e-01, v1  }
0x297: {  	v8 =	vor.u32 s24, v0;
	v6 =	vand.u32 $0x3C00, v6;
	v5 =	vand.u32 $0x380, v5  }
0x298: {  	v2 =	vadd.f32 v2, v3;
	v6 =	vadd.s32 v6, v7;
	v1 =	vadd.f32 v1, v4;
	[tilespmem:s26+$0x2D30] =	vst v3  }
0x299: {  	v7 =	vand.u32 $0x4F, v8;
	v5 =	vor.u32 v5, v6  }
0x29a: {  	v2 =	vmul.f32 v2, v4;
	v5 =	vor.u32 v7, v5;
	v1 =	vmul.f32 v1, v3;
	_ =	sdelay $0x1  }
0x29b: {  	v3 =	vld [tilespmem:s3+$0xF00];
	v1 =	vsub.f32 v1, v2  }
0x29c: {  	v2 =	vld [tilespmem:s3+$0x4110]  }
0x29d: {  	v4 =	vld [tilespmem:s3+$0x1900];
	[tilespmem:s26+$0x3730] =	vst v1;
	s26 =	smov.u32 s3  }
0x29e: {  	v1 =	vld.idx.msk [tilespmem:v5+s13+$0x0], $0xffff  }
0x29f: {  	s3 =	sadd.s32 $0x10, s24;
	v5 =	vld [tilespmem:s26+$0x2300]  }
0x2a0: {  	v6 =	vmov s3  }
0x2a1: {  	v6 =	vshll.u32 v6, $0x3;
	v7 =	vshrl.u32 v2, $0x3;
	v2 =	vshll.u32 v2, $0x7  }
0x2a2: {  	v3 =	vmul.f32 $9.499999880e-01, v3;
	v4 =	vmul.f32 $9.499999880e-01, v4;
	v7 =	vmul.u32 $0x2800, v7  }
0x2a3: {  	v8 =	vor.u32 s3, v0;
	v6 =	vand.u32 $0x3C00, v6;
	v2 =	vand.u32 $0x380, v2  }
0x2a4: {  	v3 =	vadd.f32 v3, v1;
	v4 =	vadd.f32 v4, v5;
	[tilespmem:s26+$0x2D00] =	vst v1;
	v6 =	vadd.s32 v6, v7  }
0x2a5: {  	v7 =	vand.u32 $0x5F, v8;
	v2 =	vor.u32 v2, v6  }
0x2a6: {  	v3 =	vmul.f32 v3, v5;
	v1 =	vmul.f32 v4, v1;
	v2 =	vor.u32 v7, v2;
	_ =	sdelay $0x1  }
0x2a7: {  	v1 =	vsub.f32 v1, v3;
	v3 =	vld [tilespmem:s26+$0xF10]  }
0x2a8: {  	v4 =	vld [tilespmem:s26+$0x4120]  }
0x2a9: {  	[tilespmem:s26+$0x3700] =	vst v1;
	v1 =	vld [tilespmem:s26+$0x1910]  }
0x2aa: {  	v2 =	vld.idx.msk [tilespmem:v2+s13+$0x0], $0xffff  }
0x2ab: {  	s3 =	sadd.s32 $0x20, s24;
	v5 =	vld [tilespmem:s26+$0x2310]  }
0x2ac: {  	v6 =	vmov s3  }
0x2ad: {  	v6 =	vshll.u32 v6, $0x3;
	v7 =	vshrl.u32 v4, $0x3;
	v4 =	vshll.u32 v4, $0x7  }
0x2ae: {  	v3 =	vmul.f32 $9.499999880e-01, v3;
	v1 =	vmul.f32 $9.499999880e-01, v1;
	v7 =	vmul.u32 $0x2800, v7  }
0x2af: {  	v8 =	vor.u32 s3, v0;
	v6 =	vand.u32 $0x3C00, v6;
	v4 =	vand.u32 $0x380, v4  }
0x2b0: {  	v3 =	vadd.f32 v3, v2;
	v1 =	vadd.f32 v1, v5;
	[tilespmem:s26+$0x2D10] =	vst v2;
	v6 =	vadd.s32 v6, v7  }
0x2b1: {  	v7 =	vand.u32 $0x6F, v8;
	v4 =	vor.u32 v4, v6  }
0x2b2: {  	v1 =	vmul.f32 v1, v2;
	v2 =	vmul.f32 v3, v5;
	v3 =	vor.u32 v7, v4;
	_ =	sdelay $0x1  }
0x2b3: {  	v1 =	vsub.f32 v1, v2;
	v2 =	vld [tilespmem:s26+$0xF20]  }
0x2b4: {  	v4 =	vld [tilespmem:s26+$0x4130]  }
0x2b5: {  	[tilespmem:s26+$0x3710] =	vst v1;
	v5 =	vld [tilespmem:s26+$0x1920]  }
0x2b6: {  	v1 =	vld.idx.msk [tilespmem:v3+s13+$0x0], $0xffff  }
0x2b7: {  	s3 =	sadd.s32 $0x30, s24;
	v3 =	vld [tilespmem:s26+$0x2320]  }
0x2b8: {  	v6 =	vmov s3  }
0x2b9: {  	v6 =	vshll.u32 v6, $0x3;
	v7 =	vshrl.u32 v4, $0x3;
	v4 =	vshll.u32 v4, $0x7  }
0x2ba: {  	v2 =	vmul.f32 $9.499999880e-01, v2;
	v5 =	vmul.f32 $9.499999880e-01, v5;
	v7 =	vmul.u32 $0x2800, v7  }
0x2bb: {  	v8 =	vor.u32 s3, v0;
	v6 =	vand.u32 $0x3C00, v6;
	v4 =	vand.u32 $0x380, v4  }
.Ltmp12:
0x2bc: {  	v2 =	vadd.f32 v2, v1;
	v5 =	vadd.f32 v5, v3;
	v6 =	vadd.s32 v6, v7;
	(pc) =	sbr.rel @p0 .LBB2_18-.Ltmp12, $3  }
0x2bd: {  	v7 =	vand.u32 $0x7F, v8;
	v4 =	vor.u32 v4, v6  }
0x2be: {  	v2 =	vmul.f32 v2, v3;
	v5 =	vmul.f32 v5, v1;
	v3 =	vor.u32 v7, v4;
	_ =	sdelay $0x1  }
0x2bf: {  	s3 =	sshra.s32 s8, $0x2;
	s8 =	sadd.s32 $0x100, s8;
	v4 =	vsub.f32 v5, v2;
	v2 =	vld [tilespmem:s26+$0xF30]  }
0x2c0: {  	_ = 	snop  }
0x2c1: {  	v5 =	vld [tilespmem:s3+$0x4100]  }
0x2c2: {  	[tilespmem:s26+$0x2D20] =	vst v1;
	v1 =	vld [tilespmem:s26+$0x1930]  }
0x2c3: {  	v43 =	vld [tilespmem:s26+$0x2330];
	[tilespmem:s26+$0x3720] =	vst v4  }
0x2c4: {  	s8 =	sadd.s32 $0x40, s24;
	v3 =	vld.idx.msk [tilespmem:v3+s13+$0x0], $0xffff  }
0x2c5: {  	v6 =	vmov s8  }
0x2c6: {  	v6 =	vshll.u32 v6, $0x3  }
0x2c7: {  	v2 =	vmul.f32 $9.499999880e-01, v2;
	v7 =	vshrl.u32 v5, $0x3;
	v1 =	vmul.f32 $9.499999880e-01, v1  }
0x2c8: {  	v8 =	vor.u32 s8, v0;
	v6 =	vand.u32 $0x3C00, v6;
	v7 =	vmul.u32 $0x2800, v7  }
0x2c9: {  	v5 =	vshll.u32 v5, $0x7;
	v2 =	vadd.f32 v2, v3;
	v1 =	vadd.f32 v1, v43  }
0x2ca: {  	v44 =	vand.u32 $0x4F, v8;
	v5 =	vand.u32 $0x380, v5;
	v6 =	vadd.s32 v6, v7  }
0x2cb: {  	v5 =	vor.u32 v5, v6;
	v1 =	vmul.f32 v1, v3;
	v2 =	vmul.f32 v2, v43  }
0x2cc: {  	[tilespmem:s26+$0x2D30] =	vst v3;
	v5 =	vor.u32 v44, v5  }
0x2cd: {  	v45 =	vld [tilespmem:s3+$0x1900];
	v1 =	vsub.f32 v1, v2  }
0x2ce: {  	v3 =	vld [tilespmem:s3+$0xF00]  }
0x2cf: {  	v2 =	vld [tilespmem:s3+$0x4110];
	[tilespmem:s26+$0x3730] =	vst v1  }
0x2d0: {  	v46 =	vld [tilespmem:s3+$0x2300]  }
0x2d1: {  	s14 =	sadd.s32 $0x10, s8;
	v1 =	vld.idx.msk [tilespmem:v5+s13+$0x0], $0xffff  }
0x2d2: {  	v47 =	vmov s14  }
0x2d3: {  	v6 =	vshll.u32 v47, $0x3  }
0x2d4: {  	v4 =	vmul.f32 $9.499999880e-01, v45;
	v3 =	vmul.f32 $9.499999880e-01, v3;
	v48 =	vshrl.u32 v2, $0x3  }
0x2d5: {  	v49 =	vor.u32 s14, v0;
	v6 =	vand.u32 $0x3C00, v6;
	v7 =	vmul.u32 $0x2800, v48  }
0x2d6: {  	v2 =	vshll.u32 v2, $0x7;
	v4 =	vadd.f32 v4, v46;
	v3 =	vadd.f32 v3, v1  }
0x2d7: {  	v50 =	vand.u32 $0x5F, v49;
	v2 =	vand.u32 $0x380, v2;
	v6 =	vadd.s32 v6, v7  }
0x2d8: {  	v2 =	vor.u32 v2, v6;
	v4 =	vmul.f32 v4, v1;
	v3 =	vmul.f32 v3, v46  }
0x2d9: {  	[tilespmem:s3+$0x2D00] =	vst v1;
	v1 =	vor.u32 v50, v2  }
0x2da: {  	v51 =	vld [tilespmem:s3+$0x4120];
	v2 =	vsub.f32 v4, v3  }
0x2db: {  	v3 =	vld [tilespmem:s3+$0xF10]  }
0x2dc: {  	[tilespmem:s3+$0x3700] =	vst v2;
	v2 =	vld [tilespmem:s3+$0x1910]  }
0x2dd: {  	v52 =	vld [tilespmem:s3+$0x2310]  }
0x2de: {  	v1 =	vld.idx.msk [tilespmem:v1+s13+$0x0], $0xffff  }
0x2df: {  	s26 =	sadd.s32 $0x20, s8  }
0x2e0: {  	v53 =	vmov s26;
	v54 =	vshrl.u32 v51, $0x3  }
0x2e1: {  	v6 =	vshll.u32 v53, $0x3;
	v3 =	vmul.f32 $9.499999880e-01, v3;
	v2 =	vmul.f32 $9.499999880e-01, v2  }
0x2e2: {  	v55 =	vor.u32 s26, v0;
	v7 =	vmul.u32 $0x2800, v54;
	v6 =	vand.u32 $0x3C00, v6  }
0x2e3: {  	v4 =	vshll.u32 v51, $0x7;
	v3 =	vadd.f32 v3, v1;
	v2 =	vadd.f32 v2, v52  }
0x2e4: {  	v56 =	vand.u32 $0x6F, v55;
	v6 =	vadd.s32 v6, v7;
	v4 =	vand.u32 $0x380, v4  }
0x2e5: {  	v4 =	vor.u32 v4, v6;
	v3 =	vmul.f32 v3, v52;
	v2 =	vmul.f32 v2, v1  }
0x2e6: {  	[tilespmem:s3+$0x2D10] =	vst v1;
	v1 =	vor.u32 v56, v4  }
0x2e7: {  	v57 =	vld [tilespmem:s3+$0x4130];
	v2 =	vsub.f32 v2, v3  }
0x2e8: {  	v3 =	vld [tilespmem:s3+$0xF20]  }
0x2e9: {  	[tilespmem:s3+$0x3710] =	vst v2;
	v2 =	vld [tilespmem:s3+$0x1920]  }
0x2ea: {  	v58 =	vld [tilespmem:s3+$0x2320]  }
0x2eb: {  	s8 =	sadd.s32 $0x30, s8;
	v1 =	vld.idx.msk [tilespmem:v1+s13+$0x0], $0xffff  }
0x2ec: {  	v59 =	vmov s8;
	v60 =	vshrl.u32 v57, $0x3  }
0x2ed: {  	v7 =	vmul.u32 $0x2800, v60;
	v6 =	vshll.u32 v59, $0x3  }
0x2ee: {  	v6 =	vand.u32 $0x3C00, v6;
	v3 =	vmul.f32 $9.499999880e-01, v3;
	v2 =	vmul.f32 $9.499999880e-01, v2  }
0x2ef: {  	v61 =	vor.u32 s8, v0;
	v6 =	vadd.s32 v6, v7;
	v4 =	vshll.u32 v57, $0x7  }
0x2f0: {  	v4 =	vand.u32 $0x380, v4;
	v3 =	vadd.f32 v3, v1;
	v2 =	vadd.f32 v2, v58  }
0x2f1: {  	v62 =	vand.u32 $0x7F, v61;
	v4 =	vor.u32 v4, v6  }
0x2f2: {  	v4 =	vor.u32 v62, v4;
	v3 =	vmul.f32 v3, v58;
	v2 =	vmul.f32 v2, v1;
	_ =	sdelay $0x1  }
0x2f3: {  	[tilespmem:s3+$0x2D20] =	vst v1;
	v1 =	vld [tilespmem:s3+$0x1930];
	v2 =	vsub.f32 v2, v3  }
0x2f4: {  	v3 =	vld [tilespmem:s3+$0xF30]  }
0x2f5: {  	v63 =	vld [tilespmem:s3+$0x2330];
	[tilespmem:s3+$0x3720] =	vst v2  }
0x2f6: {  	v2 =	vld.idx.msk [tilespmem:v4+s13+$0x0], $0xffff;
	_ =	sdelay $0x2  }
0x2f7: {  	v1 =	vmul.f32 $9.499999880e-01, v1;
	v3 =	vmul.f32 $9.499999880e-01, v3;
	_ =	sdelay $0x1  }
0x2f8: {  	v1 =	vadd.f32 v1, v63;
	v3 =	vadd.f32 v3, v2;
	_ =	sdelay $0x1  }
0x2f9: {  	v1 =	vmul.f32 v1, v2;
	v3 =	vmul.f32 v3, v63;
	_ =	sdelay $0x1  }
0x2fa: {  	s23 =	smul.u32 $0xA0, s16;
	v1 =	vsub.f32 v1, v3  }
0x2fb: {  	[tilespmem:s3+$0x2D30] =	vst v2  }
0x2fc: {  	s24 =	sadd.s32 s7, s23;
	s26 =	simm.s32 $0x2D00;
	[tilespmem:s3+$0x3730] =	vst v1;
	s3 =	sadd.s32 $0x3, s18  }
0x2fd: {  	[hbm4b:s24+s10] =	stream.linear.scatter [tilespmem:s26], [sflag:$0x7], $0x500, $0x38;
	[tilespmem:$0x13680] =	vst v63  }
0x2fe: {  	p0 =	sge.u32 s3, s12  }
0x2ff: {  	s3 =	sshll.u32 @!p0 s3, $0x5  }
0x300: {  	s3 =	sor.u32 @!p0 s11, s3  }
0x301: {  	s8 =	sadd.s32 s9, s23;
	s3 =	smul.u32 @!p0 $0xA0, s3  }
0x302: {  	[hbm4b:s8+s10] =	stream.linear.scatter [tilespmem:s15], [sflag:$0x7], $0x500, $0x38;
	[tilespmem:$0x13680] =	vst v63  }
0x303: {  	s14 =	simm.s32 @!p0 $0x0;
	s16 =	simm.s32 @!p0 $0x500;
	s8 =	sadd.s32 @!p0 s0, s3  }
0x304: {  	[tilespmem:s16], [sflag:$0x2] =	stream.linear.gather @!p0 [hbm4b:s8+s14], $0x500, $0x38;
	[tilespmem:$0x13680] =	vst v63  }
0x305: {  	s8 =	sadd.s32 @!p0 s2, s3;
	s16 =	simm.s32 @!p0 $0xF00  }
0x306: {  	[tilespmem:s16], [sflag:$0x4] =	stream.linear.gather @!p0 [hbm4b:s8+s14], $0x500, $0x38;
	[tilespmem:$0x13680] =	vst v63  }
.Ltmp13:
0x307: {  	_ = 	snop;
	(pc) =	sbr.rel .LBB2_20-.Ltmp13, $4  }
0x308: {  	s8 =	sadd.s32 @!p0 s4, s3;
	s16 =	simm.s32 @!p0 $0x1900  }
0x309: {  	[tilespmem:s16], [sflag:$0x4] =	stream.linear.gather @!p0 [hbm4b:s8+s14], $0x500, $0x38;
	[tilespmem:$0x13680] =	vst v63  }
0x30a: {  	s3 =	sadd.s32 @!p0 s5, s3;
	s8 =	simm.s32 @!p0 $0x2300  }
0x30b: {  	[tilespmem:s8], [sflag:$0x4] =	stream.linear.gather @!p0 [hbm4b:s3+s14], $0x500, $0x38;
	[tilespmem:$0x13680] =	vst v63  }
.LBB2_22:
0x30c: {  	_ =	sfence.sel $0x180000  }
0x30d: {  	[bflag:$0x0] =	sbarrier.arrive $0xFFFF  }
0x30e: {  	_ =	strace $0x90000047  }
0x30f: {  	s0 =	stileid.u32;
	[bflag:$0x2] =	sbarrier.arrive $0xFFFF  }
0x310: {  	p0 =	sne.s32 s0, $0x0;
	s0 =	rddreg [dreg:$0x8]  }
0x311: {  	s0 =	sadd.s32 @!p0 $0x100000, s0  }
0x312: {  	[sflag:s0] =	ssyncadd.tile.s32 @!p0 $0x1;
	_ =	shalt  }
.Lfunc_end2:
_tile_overlayer_lowered:
.L_overlay_start_2:
0x313: {  	(tag) =	ssettag $0x2  }
0x314: {  	s0 =	rddreg [dreg:$0x0];
	s2 =	stileid.u32  }
0x315: {  	s1 =	rddreg [dreg:$0x1];
	p0 =	sne.s32 s2, $0x0  }
0x316: {  	s3 =	rddreg [dreg:$0x2];
	[bflag:$0x3] =	sbarrier.arrive $0xFFFF;
	s2 =	simm.s32 @!p0 $0x1C08  }
0x317: {  	[timem:s3], [sflag:s2] =	dma.local @!p0 [hbm:s0], s1  }
0x318: {  	s0 =	simm.s32 @!p0 $0x8  }
0x319: {  	_ =	swait.ge @!p0 [sflag:s0], s1  }
0x31a: {  	s1 =	ssub.s32 @!p0 $0x0, s1;
	[sflag:s0] =	ssyncset.done @!p0 $0x0  }
0x31b: {  	[sflag:s0] =	ssyncadd.s32 @!p0 s1  }
0x31c: {  	[bflag:$0x3] =	sbarrier.arrive $0xFFFF  }
0x31d: {  	_ =	shalt  }

</sc_bundles>
